<compile_context>
chip_gen: v7x
topology: tpu7x:2x2x1
jax: 0.10.2.dev20260603
libtpu: 0.0.44.dev20260713+nightly
codegen_flags: <defaults>
</compile_context>

<pallas_src>
import functools

import jax
import jax.numpy as jnp
from jax import lax
from jax.experimental import pallas as pl
from jax.experimental.pallas import tpu as pltpu
from jax.experimental.pallas import tpu_sc as plsc

N = 10000
D = 128
E = 320000
NC = 2
NS = 16
NW = NC * NS

EPT = E // NW
CHUNK = 40
CHUNKS = EPT // CHUNK
NP = 10240
RPT = NP // NS
ZCOPIES = RPT // CHUNK

NBUF = 5
NGROUPS = CHUNKS // NBUF


def _segsum_body(x_hbm, src_hbm, dst_hbm, out_hbm, srcf, dstf, acc, *rest):
    bufs = rest[0:NBUF]
    dvs = rest[NBUF:2 * NBUF]
    gsems = rest[2 * NBUF:3 * NBUF]
    ssems = rest[3 * NBUF:4 * NBUF]
    cid = lax.axis_index("c")
    sid = lax.axis_index("s")
    wid = cid * NS + sid

    pltpu.async_copy(src_hbm.at[pl.ds(wid * EPT, EPT)], srcf, gsems[0])
    pltpu.async_copy(dst_hbm.at[pl.ds(wid * EPT, EPT)], dstf, gsems[1])

    zv = jnp.zeros((16,), jnp.float32)

    def _zrow(i, carry):
        for j in range(D // 16):
            bufs[0][i, pl.ds(j * 16, 16)] = zv
        return carry

    lax.fori_loop(0, CHUNK, _zrow, 0)
    for t in range(ZCOPIES):
        pltpu.async_copy(bufs[0], acc.at[pl.ds(sid * RPT + t * CHUNK, CHUNK)],
                         ssems[t % NBUF])
    pltpu.make_async_copy(src_hbm.at[pl.ds(wid * EPT, EPT)], srcf, gsems[0]).wait()
    pltpu.make_async_copy(dst_hbm.at[pl.ds(wid * EPT, EPT)], dstf, gsems[1]).wait()
    for t in range(ZCOPIES):
        pltpu.make_async_copy(bufs[0], acc.at[pl.ds(sid * RPT + t * CHUNK, CHUNK)],
                              ssems[t % NBUF]).wait()
    plsc.subcore_barrier()

    def _copy_dst_idx(j, dv):
        for k in range(CHUNK // 16):
            dv[pl.ds(k * 16, 16)] = dstf[pl.ds(j * CHUNK + k * 16, 16)]
        if CHUNK % 16:
            o = CHUNK - 16
            dv[pl.ds(o, 16)] = dstf[pl.ds(j * CHUNK + o, 16)]

    def _fire_gather(j, b):
        pltpu.async_copy(x_hbm.at[srcf.at[pl.ds(j * CHUNK, CHUNK)]],
                         bufs[b], gsems[b])

    def _wait_gather(j, b):
        pltpu.make_async_copy(x_hbm.at[srcf.at[pl.ds(j * CHUNK, CHUNK)]],
                              bufs[b], gsems[b]).wait()

    def _fire_scatter(b):
        pltpu.async_copy(bufs[b], acc.at[dvs[b]], ssems[b], add=True)

    def _wait_scatter(b):
        pltpu.make_async_copy(bufs[b], acc.at[dvs[b]], ssems[b]).wait()

    for b in range(NBUF):
        _copy_dst_idx(b, dvs[b])
        _fire_gather(b, b)

    def _group(g, carry):
        base = g * NBUF
        for b in range(NBUF):
            _wait_gather(base + b, b)
            _fire_scatter(b)
        for b in range(NBUF):
            _wait_scatter(b)
            _copy_dst_idx(base + NBUF + b, dvs[b])
            _fire_gather(base + NBUF + b, b)
        return carry

    lax.fori_loop(0, NGROUPS - 1, _group, 0)

    base = (NGROUPS - 1) * NBUF
    for b in range(NBUF):
        _wait_gather(base + b, b)
        _fire_scatter(b)
    for b in range(NBUF):
        _wait_scatter(b)
    plsc.subcore_barrier()

    pltpu.sync_copy(acc.at[pl.ds(sid * RPT, RPT)],
                    out_hbm.at[cid].at[pl.ds(sid * RPT, RPT)])


@functools.cache
def _make_segsum():
    mesh = plsc.VectorSubcoreMesh(core_axis_name="c", subcore_axis_name="s")
    return pl.kernel(
        _segsum_body,
        out_type=jax.ShapeDtypeStruct((NC, NP, D), jnp.float32),
        mesh=mesh,
        scratch_types=[
            pltpu.VMEM((EPT,), jnp.int32),
            pltpu.VMEM((EPT,), jnp.int32),
            pltpu.VMEM_SHARED((NP, D), jnp.float32),
            *[pltpu.VMEM((CHUNK, D), jnp.float32) for _ in range(NBUF)],
            *[pltpu.VMEM((CHUNK,), jnp.int32) for _ in range(NBUF)],
            *[pltpu.SemaphoreType.DMA for _ in range(2 * NBUF)],
        ],
    )


_BLK = 2000


_HI = jax.lax.Precision.HIGHEST


def _rnd(v):
    return v.astype(jnp.bfloat16).astype(jnp.float32)


def _dot_t(a, b):
    return lax.dot_general(a, b, (((1,), (1,)), ((), ())),
                           preferred_element_type=jnp.float32, precision=_HI)


def _root_body(x_ref, wr_ref, o_ref):
    o_ref[...] = _dot_t(x_ref[...], _rnd(wr_ref[...]))


def _combine_body(z_ref, s_ref, we_ref, o_ref):
    s = s_ref[0] + s_ref[1]
    z = z_ref[...] + _dot_t(s, _rnd(we_ref[...]))
    o_ref[...] = _rnd(jnp.maximum(z, 0.0))


def _final_body(z_ref, s_ref, we_ref, wl_ref, o_ref):
    s = s_ref[0] + s_ref[1]
    z = z_ref[...] + _dot_t(s, _rnd(we_ref[...]))
    x2 = _rnd(jnp.maximum(z, 0.0))
    o_ref[...] = _dot_t(x2, _rnd(wl_ref[...]))


_row_spec = pl.BlockSpec((_BLK, D), lambda i: (i, 0))
_s_spec = pl.BlockSpec((NC, _BLK, D), lambda i: (0, i, 0))
_w_spec = pl.BlockSpec((D, D), lambda i: (0, 0))

_root = pl.pallas_call(
    _root_body,
    grid=(N // _BLK,),
    in_specs=[_row_spec, _w_spec],
    out_specs=_row_spec,
    out_shape=jax.ShapeDtypeStruct((N, D), jnp.float32),
)

_combine = pl.pallas_call(
    _combine_body,
    grid=(N // _BLK,),
    in_specs=[_row_spec, _s_spec, _w_spec],
    out_specs=_row_spec,
    out_shape=jax.ShapeDtypeStruct((N, D), jnp.float32),
)

_final = pl.pallas_call(
    _final_body,
    grid=(N // _BLK,),
    in_specs=[_row_spec, _s_spec, _w_spec,
              pl.BlockSpec((1, D), lambda i: (0, 0))],
    out_specs=pl.BlockSpec((_BLK, 1), lambda i: (i, 0)),
    out_shape=jax.ShapeDtypeStruct((N, 1), jnp.float32),
)


def kernel(x, edge_index, batch, W_rel, W_root, W_lin):
    src = edge_index[0].astype(jnp.int32)
    dst = edge_index[1].astype(jnp.int32)
    xb = x.astype(jnp.bfloat16).astype(jnp.float32)

    segsum = _make_segsum()
    s = segsum(xb, src, dst)
    z1 = _root(xb, W_root)
    x1 = _combine(z1, s, W_rel)
    s = segsum(x1, src, dst)
    z2 = _root(x1, W_root)
    return _final(z2, s, W_rel, W_lin)

# --- scband reference (transcript-rebuilt; emitter-appended) ---
"""Pipeline reference for scband-gconv-71485435674712 (READ-ONLY COPY).

The authoritative reference and input builder live on the scoring server;
editing this copy changes nothing except your own understanding.
"""

import jax, jax.numpy as jnp
import numpy as np

# Module-level constants corresponding to the original script's globals:
# k=3, num_node_features=128, use_linear=True, aggr='add' (use_max=False),
# activation=relu (no elu/leaky/celu/tanh), use_avg=False, fix_root=False.
K = 3
D = 128
N_NODES = 10000
N_EDGES = 320000


def setup_inputs(seed: int = 0) -> dict:
    key = jax.random.key(seed)
    k1, k2, k3, k4, k5 = jax.random.split(key, 5)
    x = jax.random.normal(k1, (N_NODES, D), dtype=jnp.float32)
    edge_index = jax.random.randint(k2, (2, N_EDGES), 0, N_NODES, dtype=jnp.int64)
    batch = jnp.zeros((N_NODES,), dtype=jnp.int64)
    # GraphConv(D, D, aggr='add', bias=False) params: lin_rel and lin_root weights.
    scale = 1.0 / np.sqrt(D)
    W_rel = jax.random.uniform(k3, (D, D), dtype=jnp.float32, minval=-scale, maxval=scale)
    W_root = jax.random.uniform(k4, (D, D), dtype=jnp.float32, minval=-scale, maxval=scale)
    # Final Linear(D, 1, bias=False)
    W_lin = jax.random.uniform(k5, (1, D), dtype=jnp.float32, minval=-scale, maxval=scale)
    return {"x": x, "edge_index": edge_index, "batch": batch,
            "W_rel": W_rel, "W_root": W_root, "W_lin": W_lin}


def reference(x, edge_index, batch, W_rel, W_root, W_lin):
    n = x.shape[0]
    src = edge_index[0]
    dst = edge_index[1]
    for _ in range(K - 1):
        # GraphConv with aggr='add', bias=False:
        # out_i = W_root @ x_i + sum_{j in N(i)} W_rel @ x_j
        msg = jnp.take(x, src, axis=0) @ W_rel.T          # gather (SparseCore)
        agg = jax.ops.segment_sum(msg, dst, num_segments=n)  # scatter-add
        x = x @ W_root.T + agg
        x = jax.nn.relu(x)
    out = x @ W_lin.T  # use_linear=True branch
    return out

if __name__ == "__main__":
    import jax
    _d = setup_inputs()
    print(jax.jit(kernel)(*tuple(_d.values())))

</pallas_src>

<mosaic_0001>
#map = affine_map<(d0, d1) -> (0, 0)>
#map1 = affine_map<(d0, d1) -> (0)>
#map2 = affine_map<(d0, d1) -> (0, 0, 0)>
module attributes {stable_mosaic.version = 14 : i64} {
  func.func @_segsum_body(%arg0: i32, %arg1: i32, %arg2: memref<10000x128xf32, #tpu.memory_space<hbm>>, %arg3: memref<320000xi32, #tpu.memory_space<hbm>>, %arg4: memref<320000xi32, #tpu.memory_space<hbm>>, %arg5: memref<2x10240x128xf32, #tpu.memory_space<hbm>>, %arg6: memref<10000xi32, #tpu.memory_space<vmem>>, %arg7: memref<10000xi32, #tpu.memory_space<vmem>>, %arg8: memref<10240x128xf32, #tpu.memory_space<vmem_shared>>, %arg9: memref<40x128xf32, #tpu.memory_space<vmem>>, %arg10: memref<40x128xf32, #tpu.memory_space<vmem>>, %arg11: memref<40x128xf32, #tpu.memory_space<vmem>>, %arg12: memref<40x128xf32, #tpu.memory_space<vmem>>, %arg13: memref<40x128xf32, #tpu.memory_space<vmem>>, %arg14: memref<40xi32, #tpu.memory_space<vmem>>, %arg15: memref<40xi32, #tpu.memory_space<vmem>>, %arg16: memref<40xi32, #tpu.memory_space<vmem>>, %arg17: memref<40xi32, #tpu.memory_space<vmem>>, %arg18: memref<40xi32, #tpu.memory_space<vmem>>, %arg19: memref<!tpu.dma_semaphore, #tpu.memory_space<semaphore_mem>>, %arg20: memref<!tpu.dma_semaphore, #tpu.memory_space<semaphore_mem>>, %arg21: memref<!tpu.dma_semaphore, #tpu.memory_space<semaphore_mem>>, %arg22: memref<!tpu.dma_semaphore, #tpu.memory_space<semaphore_mem>>, %arg23: memref<!tpu.dma_semaphore, #tpu.memory_space<semaphore_mem>>, %arg24: memref<!tpu.dma_semaphore, #tpu.memory_space<semaphore_mem>>, %arg25: memref<!tpu.dma_semaphore, #tpu.memory_space<semaphore_mem>>, %arg26: memref<!tpu.dma_semaphore, #tpu.memory_space<semaphore_mem>>, %arg27: memref<!tpu.dma_semaphore, #tpu.memory_space<semaphore_mem>>, %arg28: memref<!tpu.dma_semaphore, #tpu.memory_space<semaphore_mem>>) attributes {dimension_semantics = [#tpu.dimension_semantics<core_parallel>, #tpu.dimension_semantics<subcore_parallel>], iteration_bounds = array<i64: 2, 16>, scalar_prefetch = 0 : i64, scratch_operands = 23 : i64, tpu.core_type = #tpu.core_type<sc_vector_subcore>, window_params = [{transform_indices = #map}, {transform_indices = #map1}, {transform_indices = #map1}, {transform_indices = #map2}]} {
    %mul3A = arith.constant 16 : i32
    %mul3A_0 = arith.muli %arg0, %mul3A : i32
    %add3A = arith.addi %mul3A_0, %arg1 : i32
    %mul3A_1 = arith.constant 10000 : i32
    %mul3A_2 = arith.muli %add3A, %mul3A_1 : i32
    %dma_start3A = tpu.memref_slice %arg3[%mul3A_2] : memref<320000xi32, #tpu.memory_space<hbm>> -> memref<10000xi32, #tpu.memory_space<hbm>>
    %dma_start3A_3 = tpu.memref_slice %arg3[%mul3A_2] : memref<320000xi32, #tpu.memory_space<hbm>> -> memref<10000xi32, #tpu.memory_space<hbm>>
    tpu.enqueue_dma source(%dma_start3A_3 : memref<10000xi32, #tpu.memory_space<hbm>>) target(%arg6 : memref<10000xi32, #tpu.memory_space<vmem>>) target_semaphore(%arg19 : memref<!tpu.dma_semaphore, #tpu.memory_space<semaphore_mem>>)
    %mul3A_4 = arith.constant 10000 : i32
    %mul3A_5 = arith.muli %add3A, %mul3A_4 : i32
    %dma_start3A_6 = tpu.memref_slice %arg4[%mul3A_5] : memref<320000xi32, #tpu.memory_space<hbm>> -> memref<10000xi32, #tpu.memory_space<hbm>>
    %dma_start3A_7 = tpu.memref_slice %arg4[%mul3A_5] : memref<320000xi32, #tpu.memory_space<hbm>> -> memref<10000xi32, #tpu.memory_space<hbm>>
    tpu.enqueue_dma source(%dma_start3A_7 : memref<10000xi32, #tpu.memory_space<hbm>>) target(%arg7 : memref<10000xi32, #tpu.memory_space<vmem>>) target_semaphore(%arg20 : memref<!tpu.dma_semaphore, #tpu.memory_space<semaphore_mem>>)
    %broadcast_in_dim3A = arith.constant 0.000000e+00 : f32
    %broadcast_in_dim3A_8 = vector.broadcast %broadcast_in_dim3A : f32 to vector<16xf32>
    %scan3A = arith.constant 0 : i32
    %scan3A_9 = arith.constant 0 : i32
    %scan3A_10 = arith.constant 40 : i32
    %scan3A_11 = arith.addi %scan3A_9, %scan3A_10 : i32
    %scan3A_12 = arith.constant 1 : i32
    scf.for %scan3A_471 = %scan3A_9 to %scan3A_11 step %scan3A_12  : i32 {
      %swap3A_472 = arith.index_cast %scan3A_471 : i32 to index
      %swap3A_473 = arith.constant 0 : index
      %swap3A_474 = tpu.vector_load %arg9[%swap3A_472, %swap3A_473] {strides = array<i32>} : memref<40x128xf32, #tpu.memory_space<vmem>>, vector<1x16xf32>,
      %swap3A_475 = vector.shape_cast %swap3A_474 : vector<1x16xf32> to vector<16xf32>
      %swap3A_476 = vector.shape_cast %broadcast_in_dim3A_8 : vector<16xf32> to vector<1x16xf32>
      tpu.vector_store %arg9[%swap3A_472, %swap3A_473], %swap3A_476 {strides = array<i32>} : memref<40x128xf32, #tpu.memory_space<vmem>>, vector<1x16xf32>,
      %swap3A_477 = arith.index_cast %scan3A_471 : i32 to index
      %swap3A_478 = arith.constant 16 : index
      %swap3A_479 = tpu.vector_load %arg9[%swap3A_477, %swap3A_478] {strides = array<i32>} : memref<40x128xf32, #tpu.memory_space<vmem>>, vector<1x16xf32>,
      %swap3A_480 = vector.shape_cast %swap3A_479 : vector<1x16xf32> to vector<16xf32>
      %swap3A_481 = vector.shape_cast %broadcast_in_dim3A_8 : vector<16xf32> to vector<1x16xf32>
      tpu.vector_store %arg9[%swap3A_477, %swap3A_478], %swap3A_481 {strides = array<i32>} : memref<40x128xf32, #tpu.memory_space<vmem>>, vector<1x16xf32>,
      %swap3A_482 = arith.index_cast %scan3A_471 : i32 to index
      %swap3A_483 = arith.constant 32 : index
      %swap3A_484 = tpu.vector_load %arg9[%swap3A_482, %swap3A_483] {strides = array<i32>} : memref<40x128xf32, #tpu.memory_space<vmem>>, vector<1x16xf32>,
      %swap3A_485 = vector.shape_cast %swap3A_484 : vector<1x16xf32> to vector<16xf32>
      %swap3A_486 = vector.shape_cast %broadcast_in_dim3A_8 : vector<16xf32> to vector<1x16xf32>
      tpu.vector_store %arg9[%swap3A_482, %swap3A_483], %swap3A_486 {strides = array<i32>} : memref<40x128xf32, #tpu.memory_space<vmem>>, vector<1x16xf32>,
      %swap3A_487 = arith.index_cast %scan3A_471 : i32 to index
      %swap3A_488 = arith.constant 48 : index
      %swap3A_489 = tpu.vector_load %arg9[%swap3A_487, %swap3A_488] {strides = array<i32>} : memref<40x128xf32, #tpu.memory_space<vmem>>, vector<1x16xf32>,
      %swap3A_490 = vector.shape_cast %swap3A_489 : vector<1x16xf32> to vector<16xf32>
      %swap3A_491 = vector.shape_cast %broadcast_in_dim3A_8 : vector<16xf32> to vector<1x16xf32>
      tpu.vector_store %arg9[%swap3A_487, %swap3A_488], %swap3A_491 {strides = array<i32>} : memref<40x128xf32, #tpu.memory_space<vmem>>, vector<1x16xf32>,
      %swap3A_492 = arith.index_cast %scan3A_471 : i32 to index
      %swap3A_493 = arith.constant 64 : index
      %swap3A_494 = tpu.vector_load %arg9[%swap3A_492, %swap3A_493] {strides = array<i32>} : memref<40x128xf32, #tpu.memory_space<vmem>>, vector<1x16xf32>,
      %swap3A_495 = vector.shape_cast %swap3A_494 : vector<1x16xf32> to vector<16xf32>
      %swap3A_496 = vector.shape_cast %broadcast_in_dim3A_8 : vector<16xf32> to vector<1x16xf32>
      tpu.vector_store %arg9[%swap3A_492, %swap3A_493], %swap3A_496 {strides = array<i32>} : memref<40x128xf32, #tpu.memory_space<vmem>>, vector<1x16xf32>,
      %swap3A_497 = arith.index_cast %scan3A_471 : i32 to index
      %swap3A_498 = arith.constant 80 : index
      %swap3A_499 = tpu.vector_load %arg9[%swap3A_497, %swap3A_498] {strides = array<i32>} : memref<40x128xf32, #tpu.memory_space<vmem>>, vector<1x16xf32>,
      %swap3A_500 = vector.shape_cast %swap3A_499 : vector<1x16xf32> to vector<16xf32>
      %swap3A_501 = vector.shape_cast %broadcast_in_dim3A_8 : vector<16xf32> to vector<1x16xf32>
      tpu.vector_store %arg9[%swap3A_497, %swap3A_498], %swap3A_501 {strides = array<i32>} : memref<40x128xf32, #tpu.memory_space<vmem>>, vector<1x16xf32>,
      %swap3A_502 = arith.index_cast %scan3A_471 : i32 to index
      %swap3A_503 = arith.constant 96 : index
      %swap3A_504 = tpu.vector_load %arg9[%swap3A_502, %swap3A_503] {strides = array<i32>} : memref<40x128xf32, #tpu.memory_space<vmem>>, vector<1x16xf32>,
      %swap3A_505 = vector.shape_cast %swap3A_504 : vector<1x16xf32> to vector<16xf32>
      %swap3A_506 = vector.shape_cast %broadcast_in_dim3A_8 : vector<16xf32> to vector<1x16xf32>
      tpu.vector_store %arg9[%swap3A_502, %swap3A_503], %swap3A_506 {strides = array<i32>} : memref<40x128xf32, #tpu.memory_space<vmem>>, vector<1x16xf32>,
      %swap3A_507 = arith.index_cast %scan3A_471 : i32 to index
      %swap3A_508 = arith.constant 112 : index
      %swap3A_509 = tpu.vector_load %arg9[%swap3A_507, %swap3A_508] {strides = array<i32>} : memref<40x128xf32, #tpu.memory_space<vmem>>, vector<1x16xf32>,
      %swap3A_510 = vector.shape_cast %swap3A_509 : vector<1x16xf32> to vector<16xf32>
      %swap3A_511 = vector.shape_cast %broadcast_in_dim3A_8 : vector<16xf32> to vector<1x16xf32>
      tpu.vector_store %arg9[%swap3A_507, %swap3A_508], %swap3A_511 {strides = array<i32>} : memref<40x128xf32, #tpu.memory_space<vmem>>, vector<1x16xf32>,
    }
    %scan3A_13 = arith.constant 40 : i32
    %mul3A_14 = arith.constant 640 : i32
    %mul3A_15 = arith.muli %arg1, %mul3A_14 : i32
    %add3A_16 = arith.constant 0 : i32
    %add3A_17 = arith.addi %mul3A_15, %add3A_16 : i32
    %dma_start3A_18 = arith.constant 0 : i32
    %dma_start3A_19 = tpu.memref_slice %arg8[%add3A_17, %dma_start3A_18] : memref<10240x128xf32, #tpu.memory_space<vmem_shared>> -> memref<40x128xf32, #tpu.memory_space<vmem_shared>>
    %dma_start3A_20 = arith.constant 0 : i32
    %dma_start3A_21 = tpu.memref_slice %arg8[%add3A_17, %dma_start3A_20] : memref<10240x128xf32, #tpu.memory_space<vmem_shared>> -> memref<40x128xf32, #tpu.memory_space<vmem_shared>>
    tpu.enqueue_dma source(%arg9 : memref<40x128xf32, #tpu.memory_space<vmem>>) target(%dma_start3A_21 : memref<40x128xf32, #tpu.memory_space<vmem_shared>>) target_semaphore(%arg24 : memref<!tpu.dma_semaphore, #tpu.memory_space<semaphore_mem>>)
    %mul3A_22 = arith.constant 640 : i32
    %mul3A_23 = arith.muli %arg1, %mul3A_22 : i32
    %add3A_24 = arith.constant 40 : i32
    %add3A_25 = arith.addi %mul3A_23, %add3A_24 : i32
    %dma_start3A_26 = arith.constant 0 : i32
    %dma_start3A_27 = tpu.memref_slice %arg8[%add3A_25, %dma_start3A_26] : memref<10240x128xf32, #tpu.memory_space<vmem_shared>> -> memref<40x128xf32, #tpu.memory_space<vmem_shared>>
    %dma_start3A_28 = arith.constant 0 : i32
    %dma_start3A_29 = tpu.memref_slice %arg8[%add3A_25, %dma_start3A_28] : memref<10240x128xf32, #tpu.memory_space<vmem_shared>> -> memref<40x128xf32, #tpu.memory_space<vmem_shared>>
    tpu.enqueue_dma source(%arg9 : memref<40x128xf32, #tpu.memory_space<vmem>>) target(%dma_start3A_29 : memref<40x128xf32, #tpu.memory_space<vmem_shared>>) target_semaphore(%arg25 : memref<!tpu.dma_semaphore, #tpu.memory_space<semaphore_mem>>)
    %mul3A_30 = arith.constant 640 : i32
    %mul3A_31 = arith.muli %arg1, %mul3A_30 : i32
    %add3A_32 = arith.constant 80 : i32
    %add3A_33 = arith.addi %mul3A_31, %add3A_32 : i32
    %dma_start3A_34 = arith.constant 0 : i32
    %dma_start3A_35 = tpu.memref_slice %arg8[%add3A_33, %dma_start3A_34] : memref<10240x128xf32, #tpu.memory_space<vmem_shared>> -> memref<40x128xf32, #tpu.memory_space<vmem_shared>>
    %dma_start3A_36 = arith.constant 0 : i32
    %dma_start3A_37 = tpu.memref_slice %arg8[%add3A_33, %dma_start3A_36] : memref<10240x128xf32, #tpu.memory_space<vmem_shared>> -> memref<40x128xf32, #tpu.memory_space<vmem_shared>>
    tpu.enqueue_dma source(%arg9 : memref<40x128xf32, #tpu.memory_space<vmem>>) target(%dma_start3A_37 : memref<40x128xf32, #tpu.memory_space<vmem_shared>>) target_semaphore(%arg26 : memref<!tpu.dma_semaphore, #tpu.memory_space<semaphore_mem>>)
    %mul3A_38 = arith.constant 640 : i32
    %mul3A_39 = arith.muli %arg1, %mul3A_38 : i32
    %add3A_40 = arith.constant 120 : i32
    %add3A_41 = arith.addi %mul3A_39, %add3A_40 : i32
    %dma_start3A_42 = arith.constant 0 : i32
    %dma_start3A_43 = tpu.memref_slice %arg8[%add3A_41, %dma_start3A_42] : memref<10240x128xf32, #tpu.memory_space<vmem_shared>> -> memref<40x128xf32, #tpu.memory_space<vmem_shared>>
    %dma_start3A_44 = arith.constant 0 : i32
    %dma_start3A_45 = tpu.memref_slice %arg8[%add3A_41, %dma_start3A_44] : memref<10240x128xf32, #tpu.memory_space<vmem_shared>> -> memref<40x128xf32, #tpu.memory_space<vmem_shared>>
    tpu.enqueue_dma source(%arg9 : memref<40x128xf32, #tpu.memory_space<vmem>>) target(%dma_start3A_45 : memref<40x128xf32, #tpu.memory_space<vmem_shared>>) target_semaphore(%arg27 : memref<!tpu.dma_semaphore, #tpu.memory_space<semaphore_mem>>)
    %mul3A_46 = arith.constant 640 : i32
    %mul3A_47 = arith.muli %arg1, %mul3A_46 : i32
    %add3A_48 = arith.constant 160 : i32
    %add3A_49 = arith.addi %mul3A_47, %add3A_48 : i32
    %dma_start3A_50 = arith.constant 0 : i32
    %dma_start3A_51 = tpu.memref_slice %arg8[%add3A_49, %dma_start3A_50] : memref<10240x128xf32, #tpu.memory_space<vmem_shared>> -> memref<40x128xf32, #tpu.memory_space<vmem_shared>>
    %dma_start3A_52 = arith.constant 0 : i32
    %dma_start3A_53 = tpu.memref_slice %arg8[%add3A_49, %dma_start3A_52] : memref<10240x128xf32, #tpu.memory_space<vmem_shared>> -> memref<40x128xf32, #tpu.memory_space<vmem_shared>>
    tpu.enqueue_dma source(%arg9 : memref<40x128xf32, #tpu.memory_space<vmem>>) target(%dma_start3A_53 : memref<40x128xf32, #tpu.memory_space<vmem_shared>>) target_semaphore(%arg28 : memref<!tpu.dma_semaphore, #tpu.memory_space<semaphore_mem>>)
    %mul3A_54 = arith.constant 640 : i32
    %mul3A_55 = arith.muli %arg1, %mul3A_54 : i32
    %add3A_56 = arith.constant 200 : i32
    %add3A_57 = arith.addi %mul3A_55, %add3A_56 : i32
    %dma_start3A_58 = arith.constant 0 : i32
    %dma_start3A_59 = tpu.memref_slice %arg8[%add3A_57, %dma_start3A_58] : memref<10240x128xf32, #tpu.memory_space<vmem_shared>> -> memref<40x128xf32, #tpu.memory_space<vmem_shared>>
    %dma_start3A_60 = arith.constant 0 : i32
    %dma_start3A_61 = tpu.memref_slice %arg8[%add3A_57, %dma_start3A_60] : memref<10240x128xf32, #tpu.memory_space<vmem_shared>> -> memref<40x128xf32, #tpu.memory_space<vmem_shared>>
    tpu.enqueue_dma source(%arg9 : memref<40x128xf32, #tpu.memory_space<vmem>>) target(%dma_start3A_61 : memref<40x128xf32, #tpu.memory_space<vmem_shared>>) target_semaphore(%arg24 : memref<!tpu.dma_semaphore, #tpu.memory_space<semaphore_mem>>)
    %mul3A_62 = arith.constant 640 : i32
    %mul3A_63 = arith.muli %arg1, %mul3A_62 : i32
    %add3A_64 = arith.constant 240 : i32
    %add3A_65 = arith.addi %mul3A_63, %add3A_64 : i32
    %dma_start3A_66 = arith.constant 0 : i32
    %dma_start3A_67 = tpu.memref_slice %arg8[%add3A_65, %dma_start3A_66] : memref<10240x128xf32, #tpu.memory_space<vmem_shared>> -> memref<40x128xf32, #tpu.memory_space<vmem_shared>>
    %dma_start3A_68 = arith.constant 0 : i32
    %dma_start3A_69 = tpu.memref_slice %arg8[%add3A_65, %dma_start3A_68] : memref<10240x128xf32, #tpu.memory_space<vmem_shared>> -> memref<40x128xf32, #tpu.memory_space<vmem_shared>>
    tpu.enqueue_dma source(%arg9 : memref<40x128xf32, #tpu.memory_space<vmem>>) target(%dma_start3A_69 : memref<40x128xf32, #tpu.memory_space<vmem_shared>>) target_semaphore(%arg25 : memref<!tpu.dma_semaphore, #tpu.memory_space<semaphore_mem>>)
    %mul3A_70 = arith.constant 640 : i32
    %mul3A_71 = arith.muli %arg1, %mul3A_70 : i32
    %add3A_72 = arith.constant 280 : i32
    %add3A_73 = arith.addi %mul3A_71, %add3A_72 : i32
    %dma_start3A_74 = arith.constant 0 : i32
    %dma_start3A_75 = tpu.memref_slice %arg8[%add3A_73, %dma_start3A_74] : memref<10240x128xf32, #tpu.memory_space<vmem_shared>> -> memref<40x128xf32, #tpu.memory_space<vmem_shared>>
    %dma_start3A_76 = arith.constant 0 : i32
    %dma_start3A_77 = tpu.memref_slice %arg8[%add3A_73, %dma_start3A_76] : memref<10240x128xf32, #tpu.memory_space<vmem_shared>> -> memref<40x128xf32, #tpu.memory_space<vmem_shared>>
    tpu.enqueue_dma source(%arg9 : memref<40x128xf32, #tpu.memory_space<vmem>>) target(%dma_start3A_77 : memref<40x128xf32, #tpu.memory_space<vmem_shared>>) target_semaphore(%arg26 : memref<!tpu.dma_semaphore, #tpu.memory_space<semaphore_mem>>)
    %mul3A_78 = arith.constant 640 : i32
    %mul3A_79 = arith.muli %arg1, %mul3A_78 : i32
    %add3A_80 = arith.constant 320 : i32
    %add3A_81 = arith.addi %mul3A_79, %add3A_80 : i32
    %dma_start3A_82 = arith.constant 0 : i32
    %dma_start3A_83 = tpu.memref_slice %arg8[%add3A_81, %dma_start3A_82] : memref<10240x128xf32, #tpu.memory_space<vmem_shared>> -> memref<40x128xf32, #tpu.memory_space<vmem_shared>>
    %dma_start3A_84 = arith.constant 0 : i32
    %dma_start3A_85 = tpu.memref_slice %arg8[%add3A_81, %dma_start3A_84] : memref<10240x128xf32, #tpu.memory_space<vmem_shared>> -> memref<40x128xf32, #tpu.memory_space<vmem_shared>>
    tpu.enqueue_dma source(%arg9 : memref<40x128xf32, #tpu.memory_space<vmem>>) target(%dma_start3A_85 : memref<40x128xf32, #tpu.memory_space<vmem_shared>>) target_semaphore(%arg27 : memref<!tpu.dma_semaphore, #tpu.memory_space<semaphore_mem>>)
    %mul3A_86 = arith.constant 640 : i32
    %mul3A_87 = arith.muli %arg1, %mul3A_86 : i32
    %add3A_88 = arith.constant 360 : i32
    %add3A_89 = arith.addi %mul3A_87, %add3A_88 : i32
    %dma_start3A_90 = arith.constant 0 : i32
    %dma_start3A_91 = tpu.memref_slice %arg8[%add3A_89, %dma_start3A_90] : memref<10240x128xf32, #tpu.memory_space<vmem_shared>> -> memref<40x128xf32, #tpu.memory_space<vmem_shared>>
    %dma_start3A_92 = arith.constant 0 : i32
    %dma_start3A_93 = tpu.memref_slice %arg8[%add3A_89, %dma_start3A_92] : memref<10240x128xf32, #tpu.memory_space<vmem_shared>> -> memref<40x128xf32, #tpu.memory_space<vmem_shared>>
    tpu.enqueue_dma source(%arg9 : memref<40x128xf32, #tpu.memory_space<vmem>>) target(%dma_start3A_93 : memref<40x128xf32, #tpu.memory_space<vmem_shared>>) target_semaphore(%arg28 : memref<!tpu.dma_semaphore, #tpu.memory_space<semaphore_mem>>)
    %mul3A_94 = arith.constant 640 : i32
    %mul3A_95 = arith.muli %arg1, %mul3A_94 : i32
    %add3A_96 = arith.constant 400 : i32
    %add3A_97 = arith.addi %mul3A_95, %add3A_96 : i32
    %dma_start3A_98 = arith.constant 0 : i32
    %dma_start3A_99 = tpu.memref_slice %arg8[%add3A_97, %dma_start3A_98] : memref<10240x128xf32, #tpu.memory_space<vmem_shared>> -> memref<40x128xf32, #tpu.memory_space<vmem_shared>>
    %dma_start3A_100 = arith.constant 0 : i32
    %dma_start3A_101 = tpu.memref_slice %arg8[%add3A_97, %dma_start3A_100] : memref<10240x128xf32, #tpu.memory_space<vmem_shared>> -> memref<40x128xf32, #tpu.memory_space<vmem_shared>>
    tpu.enqueue_dma source(%arg9 : memref<40x128xf32, #tpu.memory_space<vmem>>) target(%dma_start3A_101 : memref<40x128xf32, #tpu.memory_space<vmem_shared>>) target_semaphore(%arg24 : memref<!tpu.dma_semaphore, #tpu.memory_space<semaphore_mem>>)
    %mul3A_102 = arith.constant 640 : i32
    %mul3A_103 = arith.muli %arg1, %mul3A_102 : i32
    %add3A_104 = arith.constant 440 : i32
    %add3A_105 = arith.addi %mul3A_103, %add3A_104 : i32
    %dma_start3A_106 = arith.constant 0 : i32
    %dma_start3A_107 = tpu.memref_slice %arg8[%add3A_105, %dma_start3A_106] : memref<10240x128xf32, #tpu.memory_space<vmem_shared>> -> memref<40x128xf32, #tpu.memory_space<vmem_shared>>
    %dma_start3A_108 = arith.constant 0 : i32
    %dma_start3A_109 = tpu.memref_slice %arg8[%add3A_105, %dma_start3A_108] : memref<10240x128xf32, #tpu.memory_space<vmem_shared>> -> memref<40x128xf32, #tpu.memory_space<vmem_shared>>
    tpu.enqueue_dma source(%arg9 : memref<40x128xf32, #tpu.memory_space<vmem>>) target(%dma_start3A_109 : memref<40x128xf32, #tpu.memory_space<vmem_shared>>) target_semaphore(%arg25 : memref<!tpu.dma_semaphore, #tpu.memory_space<semaphore_mem>>)
    %mul3A_110 = arith.constant 640 : i32
    %mul3A_111 = arith.muli %arg1, %mul3A_110 : i32
    %add3A_112 = arith.constant 480 : i32
    %add3A_113 = arith.addi %mul3A_111, %add3A_112 : i32
    %dma_start3A_114 = arith.constant 0 : i32
    %dma_start3A_115 = tpu.memref_slice %arg8[%add3A_113, %dma_start3A_114] : memref<10240x128xf32, #tpu.memory_space<vmem_shared>> -> memref<40x128xf32, #tpu.memory_space<vmem_shared>>
    %dma_start3A_116 = arith.constant 0 : i32
    %dma_start3A_117 = tpu.memref_slice %arg8[%add3A_113, %dma_start3A_116] : memref<10240x128xf32, #tpu.memory_space<vmem_shared>> -> memref<40x128xf32, #tpu.memory_space<vmem_shared>>
    tpu.enqueue_dma source(%arg9 : memref<40x128xf32, #tpu.memory_space<vmem>>) target(%dma_start3A_117 : memref<40x128xf32, #tpu.memory_space<vmem_shared>>) target_semaphore(%arg26 : memref<!tpu.dma_semaphore, #tpu.memory_space<semaphore_mem>>)
    %mul3A_118 = arith.constant 640 : i32
    %mul3A_119 = arith.muli %arg1, %mul3A_118 : i32
    %add3A_120 = arith.constant 520 : i32
    %add3A_121 = arith.addi %mul3A_119, %add3A_120 : i32
    %dma_start3A_122 = arith.constant 0 : i32
    %dma_start3A_123 = tpu.memref_slice %arg8[%add3A_121, %dma_start3A_122] : memref<10240x128xf32, #tpu.memory_space<vmem_shared>> -> memref<40x128xf32, #tpu.memory_space<vmem_shared>>
    %dma_start3A_124 = arith.constant 0 : i32
    %dma_start3A_125 = tpu.memref_slice %arg8[%add3A_121, %dma_start3A_124] : memref<10240x128xf32, #tpu.memory_space<vmem_shared>> -> memref<40x128xf32, #tpu.memory_space<vmem_shared>>
    tpu.enqueue_dma source(%arg9 : memref<40x128xf32, #tpu.memory_space<vmem>>) target(%dma_start3A_125 : memref<40x128xf32, #tpu.memory_space<vmem_shared>>) target_semaphore(%arg27 : memref<!tpu.dma_semaphore, #tpu.memory_space<semaphore_mem>>)
    %mul3A_126 = arith.constant 640 : i32
    %mul3A_127 = arith.muli %arg1, %mul3A_126 : i32
    %add3A_128 = arith.constant 560 : i32
    %add3A_129 = arith.addi %mul3A_127, %add3A_128 : i32
    %dma_start3A_130 = arith.constant 0 : i32
    %dma_start3A_131 = tpu.memref_slice %arg8[%add3A_129, %dma_start3A_130] : memref<10240x128xf32, #tpu.memory_space<vmem_shared>> -> memref<40x128xf32, #tpu.memory_space<vmem_shared>>
    %dma_start3A_132 = arith.constant 0 : i32
    %dma_start3A_133 = tpu.memref_slice %arg8[%add3A_129, %dma_start3A_132] : memref<10240x128xf32, #tpu.memory_space<vmem_shared>> -> memref<40x128xf32, #tpu.memory_space<vmem_shared>>
    tpu.enqueue_dma source(%arg9 : memref<40x128xf32, #tpu.memory_space<vmem>>) target(%dma_start3A_133 : memref<40x128xf32, #tpu.memory_space<vmem_shared>>) target_semaphore(%arg28 : memref<!tpu.dma_semaphore, #tpu.memory_space<semaphore_mem>>)
    %mul3A_134 = arith.constant 640 : i32
    %mul3A_135 = arith.muli %arg1, %mul3A_134 : i32
    %add3A_136 = arith.constant 600 : i32
    %add3A_137 = arith.addi %mul3A_135, %add3A_136 : i32
    %dma_start3A_138 = arith.constant 0 : i32
    %dma_start3A_139 = tpu.memref_slice %arg8[%add3A_137, %dma_start3A_138] : memref<10240x128xf32, #tpu.memory_space<vmem_shared>> -> memref<40x128xf32, #tpu.memory_space<vmem_shared>>
    %dma_start3A_140 = arith.constant 0 : i32
    %dma_start3A_141 = tpu.memref_slice %arg8[%add3A_137, %dma_start3A_140] : memref<10240x128xf32, #tpu.memory_space<vmem_shared>> -> memref<40x128xf32, #tpu.memory_space<vmem_shared>>
    tpu.enqueue_dma source(%arg9 : memref<40x128xf32, #tpu.memory_space<vmem>>) target(%dma_start3A_141 : memref<40x128xf32, #tpu.memory_space<vmem_shared>>) target_semaphore(%arg24 : memref<!tpu.dma_semaphore, #tpu.memory_space<semaphore_mem>>)
    %mul3A_142 = arith.constant 10000 : i32
    %mul3A_143 = arith.muli %add3A, %mul3A_142 : i32
    %dma_wait3A = tpu.memref_slice %arg3[%mul3A_143] : memref<320000xi32, #tpu.memory_space<hbm>> -> memref<10000xi32, #tpu.memory_space<hbm>>
    %dma_wait3A_144 = tpu.memref_slice %arg3[%mul3A_143] : memref<320000xi32, #tpu.memory_space<hbm>> -> memref<10000xi32, #tpu.memory_space<hbm>>
    tpu.wait_dma2 semaphore(%arg19 : memref<!tpu.dma_semaphore, #tpu.memory_space<semaphore_mem>>) src(%dma_wait3A_144 : memref<10000xi32, #tpu.memory_space<hbm>>) dst(%arg6 : memref<10000xi32, #tpu.memory_space<vmem>>)
    %mul3A_145 = arith.constant 10000 : i32
    %mul3A_146 = arith.muli %add3A, %mul3A_145 : i32
    %dma_wait3A_147 = tpu.memref_slice %arg4[%mul3A_146] : memref<320000xi32, #tpu.memory_space<hbm>> -> memref<10000xi32, #tpu.memory_space<hbm>>
    %dma_wait3A_148 = tpu.memref_slice %arg4[%mul3A_146] : memref<320000xi32, #tpu.memory_space<hbm>> -> memref<10000xi32, #tpu.memory_space<hbm>>
    tpu.wait_dma2 semaphore(%arg20 : memref<!tpu.dma_semaphore, #tpu.memory_space<semaphore_mem>>) src(%dma_wait3A_148 : memref<10000xi32, #tpu.memory_space<hbm>>) dst(%arg7 : memref<10000xi32, #tpu.memory_space<vmem>>)
    %mul3A_149 = arith.constant 640 : i32
    %mul3A_150 = arith.muli %arg1, %mul3A_149 : i32
    %add3A_151 = arith.constant 0 : i32
    %add3A_152 = arith.addi %mul3A_150, %add3A_151 : i32
    %dma_wait3A_153 = arith.constant 0 : i32
    %dma_wait3A_154 = tpu.memref_slice %arg8[%add3A_152, %dma_wait3A_153] : memref<10240x128xf32, #tpu.memory_space<vmem_shared>> -> memref<40x128xf32, #tpu.memory_space<vmem_shared>>
    %dma_wait3A_155 = arith.constant 0 : i32
    %dma_wait3A_156 = tpu.memref_slice %arg8[%add3A_152, %dma_wait3A_155] : memref<10240x128xf32, #tpu.memory_space<vmem_shared>> -> memref<40x128xf32, #tpu.memory_space<vmem_shared>>
    tpu.wait_dma2 semaphore(%arg24 : memref<!tpu.dma_semaphore, #tpu.memory_space<semaphore_mem>>) src(%arg9 : memref<40x128xf32, #tpu.memory_space<vmem>>) dst(%dma_wait3A_156 : memref<40x128xf32, #tpu.memory_space<vmem_shared>>)
    %mul3A_157 = arith.constant 640 : i32
    %mul3A_158 = arith.muli %arg1, %mul3A_157 : i32
    %add3A_159 = arith.constant 40 : i32
    %add3A_160 = arith.addi %mul3A_158, %add3A_159 : i32
    %dma_wait3A_161 = arith.constant 0 : i32
    %dma_wait3A_162 = tpu.memref_slice %arg8[%add3A_160, %dma_wait3A_161] : memref<10240x128xf32, #tpu.memory_space<vmem_shared>> -> memref<40x128xf32, #tpu.memory_space<vmem_shared>>
    %dma_wait3A_163 = arith.constant 0 : i32
    %dma_wait3A_164 = tpu.memref_slice %arg8[%add3A_160, %dma_wait3A_163] : memref<10240x128xf32, #tpu.memory_space<vmem_shared>> -> memref<40x128xf32, #tpu.memory_space<vmem_shared>>
    tpu.wait_dma2 semaphore(%arg25 : memref<!tpu.dma_semaphore, #tpu.memory_space<semaphore_mem>>) src(%arg9 : memref<40x128xf32, #tpu.memory_space<vmem>>) dst(%dma_wait3A_164 : memref<40x128xf32, #tpu.memory_space<vmem_shared>>)
    %mul3A_165 = arith.constant 640 : i32
    %mul3A_166 = arith.muli %arg1, %mul3A_165 : i32
    %add3A_167 = arith.constant 80 : i32
    %add3A_168 = arith.addi %mul3A_166, %add3A_167 : i32
    %dma_wait3A_169 = arith.constant 0 : i32
    %dma_wait3A_170 = tpu.memref_slice %arg8[%add3A_168, %dma_wait3A_169] : memref<10240x128xf32, #tpu.memory_space<vmem_shared>> -> memref<40x128xf32, #tpu.memory_space<vmem_shared>>
    %dma_wait3A_171 = arith.constant 0 : i32
    %dma_wait3A_172 = tpu.memref_slice %arg8[%add3A_168, %dma_wait3A_171] : memref<10240x128xf32, #tpu.memory_space<vmem_shared>> -> memref<40x128xf32, #tpu.memory_space<vmem_shared>>
    tpu.wait_dma2 semaphore(%arg26 : memref<!tpu.dma_semaphore, #tpu.memory_space<semaphore_mem>>) src(%arg9 : memref<40x128xf32, #tpu.memory_space<vmem>>) dst(%dma_wait3A_172 : memref<40x128xf32, #tpu.memory_space<vmem_shared>>)
    %mul3A_173 = arith.constant 640 : i32
    %mul3A_174 = arith.muli %arg1, %mul3A_173 : i32
    %add3A_175 = arith.constant 120 : i32
    %add3A_176 = arith.addi %mul3A_174, %add3A_175 : i32
    %dma_wait3A_177 = arith.constant 0 : i32
    %dma_wait3A_178 = tpu.memref_slice %arg8[%add3A_176, %dma_wait3A_177] : memref<10240x128xf32, #tpu.memory_space<vmem_shared>> -> memref<40x128xf32, #tpu.memory_space<vmem_shared>>
    %dma_wait3A_179 = arith.constant 0 : i32
    %dma_wait3A_180 = tpu.memref_slice %arg8[%add3A_176, %dma_wait3A_179] : memref<10240x128xf32, #tpu.memory_space<vmem_shared>> -> memref<40x128xf32, #tpu.memory_space<vmem_shared>>
    tpu.wait_dma2 semaphore(%arg27 : memref<!tpu.dma_semaphore, #tpu.memory_space<semaphore_mem>>) src(%arg9 : memref<40x128xf32, #tpu.memory_space<vmem>>) dst(%dma_wait3A_180 : memref<40x128xf32, #tpu.memory_space<vmem_shared>>)
    %mul3A_181 = arith.constant 640 : i32
    %mul3A_182 = arith.muli %arg1, %mul3A_181 : i32
    %add3A_183 = arith.constant 160 : i32
    %add3A_184 = arith.addi %mul3A_182, %add3A_183 : i32
    %dma_wait3A_185 = arith.constant 0 : i32
    %dma_wait3A_186 = tpu.memref_slice %arg8[%add3A_184, %dma_wait3A_185] : memref<10240x128xf32, #tpu.memory_space<vmem_shared>> -> memref<40x128xf32, #tpu.memory_space<vmem_shared>>
    %dma_wait3A_187 = arith.constant 0 : i32
    %dma_wait3A_188 = tpu.memref_slice %arg8[%add3A_184, %dma_wait3A_187] : memref<10240x128xf32, #tpu.memory_space<vmem_shared>> -> memref<40x128xf32, #tpu.memory_space<vmem_shared>>
    tpu.wait_dma2 semaphore(%arg28 : memref<!tpu.dma_semaphore, #tpu.memory_space<semaphore_mem>>) src(%arg9 : memref<40x128xf32, #tpu.memory_space<vmem>>) dst(%dma_wait3A_188 : memref<40x128xf32, #tpu.memory_space<vmem_shared>>)
    %mul3A_189 = arith.constant 640 : i32
    %mul3A_190 = arith.muli %arg1, %mul3A_189 : i32
    %add3A_191 = arith.constant 200 : i32
    %add3A_192 = arith.addi %mul3A_190, %add3A_191 : i32
    %dma_wait3A_193 = arith.constant 0 : i32
    %dma_wait3A_194 = tpu.memref_slice %arg8[%add3A_192, %dma_wait3A_193] : memref<10240x128xf32, #tpu.memory_space<vmem_shared>> -> memref<40x128xf32, #tpu.memory_space<vmem_shared>>
    %dma_wait3A_195 = arith.constant 0 : i32
    %dma_wait3A_196 = tpu.memref_slice %arg8[%add3A_192, %dma_wait3A_195] : memref<10240x128xf32, #tpu.memory_space<vmem_shared>> -> memref<40x128xf32, #tpu.memory_space<vmem_shared>>
    tpu.wait_dma2 semaphore(%arg24 : memref<!tpu.dma_semaphore, #tpu.memory_space<semaphore_mem>>) src(%arg9 : memref<40x128xf32, #tpu.memory_space<vmem>>) dst(%dma_wait3A_196 : memref<40x128xf32, #tpu.memory_space<vmem_shared>>)
    %mul3A_197 = arith.constant 640 : i32
    %mul3A_198 = arith.muli %arg1, %mul3A_197 : i32
    %add3A_199 = arith.constant 240 : i32
    %add3A_200 = arith.addi %mul3A_198, %add3A_199 : i32
    %dma_wait3A_201 = arith.constant 0 : i32
    %dma_wait3A_202 = tpu.memref_slice %arg8[%add3A_200, %dma_wait3A_201] : memref<10240x128xf32, #tpu.memory_space<vmem_shared>> -> memref<40x128xf32, #tpu.memory_space<vmem_shared>>
    %dma_wait3A_203 = arith.constant 0 : i32
    %dma_wait3A_204 = tpu.memref_slice %arg8[%add3A_200, %dma_wait3A_203] : memref<10240x128xf32, #tpu.memory_space<vmem_shared>> -> memref<40x128xf32, #tpu.memory_space<vmem_shared>>
    tpu.wait_dma2 semaphore(%arg25 : memref<!tpu.dma_semaphore, #tpu.memory_space<semaphore_mem>>) src(%arg9 : memref<40x128xf32, #tpu.memory_space<vmem>>) dst(%dma_wait3A_204 : memref<40x128xf32, #tpu.memory_space<vmem_shared>>)
    %mul3A_205 = arith.constant 640 : i32
    %mul3A_206 = arith.muli %arg1, %mul3A_205 : i32
    %add3A_207 = arith.constant 280 : i32
    %add3A_208 = arith.addi %mul3A_206, %add3A_207 : i32
    %dma_wait3A_209 = arith.constant 0 : i32
    %dma_wait3A_210 = tpu.memref_slice %arg8[%add3A_208, %dma_wait3A_209] : memref<10240x128xf32, #tpu.memory_space<vmem_shared>> -> memref<40x128xf32, #tpu.memory_space<vmem_shared>>
    %dma_wait3A_211 = arith.constant 0 : i32
    %dma_wait3A_212 = tpu.memref_slice %arg8[%add3A_208, %dma_wait3A_211] : memref<10240x128xf32, #tpu.memory_space<vmem_shared>> -> memref<40x128xf32, #tpu.memory_space<vmem_shared>>
    tpu.wait_dma2 semaphore(%arg26 : memref<!tpu.dma_semaphore, #tpu.memory_space<semaphore_mem>>) src(%arg9 : memref<40x128xf32, #tpu.memory_space<vmem>>) dst(%dma_wait3A_212 : memref<40x128xf32, #tpu.memory_space<vmem_shared>>)
    %mul3A_213 = arith.constant 640 : i32
    %mul3A_214 = arith.muli %arg1, %mul3A_213 : i32
    %add3A_215 = arith.constant 320 : i32
    %add3A_216 = arith.addi %mul3A_214, %add3A_215 : i32
    %dma_wait3A_217 = arith.constant 0 : i32
    %dma_wait3A_218 = tpu.memref_slice %arg8[%add3A_216, %dma_wait3A_217] : memref<10240x128xf32, #tpu.memory_space<vmem_shared>> -> memref<40x128xf32, #tpu.memory_space<vmem_shared>>
    %dma_wait3A_219 = arith.constant 0 : i32
    %dma_wait3A_220 = tpu.memref_slice %arg8[%add3A_216, %dma_wait3A_219] : memref<10240x128xf32, #tpu.memory_space<vmem_shared>> -> memref<40x128xf32, #tpu.memory_space<vmem_shared>>
    tpu.wait_dma2 semaphore(%arg27 : memref<!tpu.dma_semaphore, #tpu.memory_space<semaphore_mem>>) src(%arg9 : memref<40x128xf32, #tpu.memory_space<vmem>>) dst(%dma_wait3A_220 : memref<40x128xf32, #tpu.memory_space<vmem_shared>>)
    %mul3A_221 = arith.constant 640 : i32
    %mul3A_222 = arith.muli %arg1, %mul3A_221 : i32
    %add3A_223 = arith.constant 360 : i32
    %add3A_224 = arith.addi %mul3A_222, %add3A_223 : i32
    %dma_wait3A_225 = arith.constant 0 : i32
    %dma_wait3A_226 = tpu.memref_slice %arg8[%add3A_224, %dma_wait3A_225] : memref<10240x128xf32, #tpu.memory_space<vmem_shared>> -> memref<40x128xf32, #tpu.memory_space<vmem_shared>>
    %dma_wait3A_227 = arith.constant 0 : i32
    %dma_wait3A_228 = tpu.memref_slice %arg8[%add3A_224, %dma_wait3A_227] : memref<10240x128xf32, #tpu.memory_space<vmem_shared>> -> memref<40x128xf32, #tpu.memory_space<vmem_shared>>
    tpu.wait_dma2 semaphore(%arg28 : memref<!tpu.dma_semaphore, #tpu.memory_space<semaphore_mem>>) src(%arg9 : memref<40x128xf32, #tpu.memory_space<vmem>>) dst(%dma_wait3A_228 : memref<40x128xf32, #tpu.memory_space<vmem_shared>>)
    %mul3A_229 = arith.constant 640 : i32
    %mul3A_230 = arith.muli %arg1, %mul3A_229 : i32
    %add3A_231 = arith.constant 400 : i32
    %add3A_232 = arith.addi %mul3A_230, %add3A_231 : i32
    %dma_wait3A_233 = arith.constant 0 : i32
    %dma_wait3A_234 = tpu.memref_slice %arg8[%add3A_232, %dma_wait3A_233] : memref<10240x128xf32, #tpu.memory_space<vmem_shared>> -> memref<40x128xf32, #tpu.memory_space<vmem_shared>>
    %dma_wait3A_235 = arith.constant 0 : i32
    %dma_wait3A_236 = tpu.memref_slice %arg8[%add3A_232, %dma_wait3A_235] : memref<10240x128xf32, #tpu.memory_space<vmem_shared>> -> memref<40x128xf32, #tpu.memory_space<vmem_shared>>
    tpu.wait_dma2 semaphore(%arg24 : memref<!tpu.dma_semaphore, #tpu.memory_space<semaphore_mem>>) src(%arg9 : memref<40x128xf32, #tpu.memory_space<vmem>>) dst(%dma_wait3A_236 : memref<40x128xf32, #tpu.memory_space<vmem_shared>>)
    %mul3A_237 = arith.constant 640 : i32
    %mul3A_238 = arith.muli %arg1, %mul3A_237 : i32
    %add3A_239 = arith.constant 440 : i32
    %add3A_240 = arith.addi %mul3A_238, %add3A_239 : i32
    %dma_wait3A_241 = arith.constant 0 : i32
    %dma_wait3A_242 = tpu.memref_slice %arg8[%add3A_240, %dma_wait3A_241] : memref<10240x128xf32, #tpu.memory_space<vmem_shared>> -> memref<40x128xf32, #tpu.memory_space<vmem_shared>>
    %dma_wait3A_243 = arith.constant 0 : i32
    %dma_wait3A_244 = tpu.memref_slice %arg8[%add3A_240, %dma_wait3A_243] : memref<10240x128xf32, #tpu.memory_space<vmem_shared>> -> memref<40x128xf32, #tpu.memory_space<vmem_shared>>
    tpu.wait_dma2 semaphore(%arg25 : memref<!tpu.dma_semaphore, #tpu.memory_space<semaphore_mem>>) src(%arg9 : memref<40x128xf32, #tpu.memory_space<vmem>>) dst(%dma_wait3A_244 : memref<40x128xf32, #tpu.memory_space<vmem_shared>>)
    %mul3A_245 = arith.constant 640 : i32
    %mul3A_246 = arith.muli %arg1, %mul3A_245 : i32
    %add3A_247 = arith.constant 480 : i32
    %add3A_248 = arith.addi %mul3A_246, %add3A_247 : i32
    %dma_wait3A_249 = arith.constant 0 : i32
    %dma_wait3A_250 = tpu.memref_slice %arg8[%add3A_248, %dma_wait3A_249] : memref<10240x128xf32, #tpu.memory_space<vmem_shared>> -> memref<40x128xf32, #tpu.memory_space<vmem_shared>>
    %dma_wait3A_251 = arith.constant 0 : i32
    %dma_wait3A_252 = tpu.memref_slice %arg8[%add3A_248, %dma_wait3A_251] : memref<10240x128xf32, #tpu.memory_space<vmem_shared>> -> memref<40x128xf32, #tpu.memory_space<vmem_shared>>
    tpu.wait_dma2 semaphore(%arg26 : memref<!tpu.dma_semaphore, #tpu.memory_space<semaphore_mem>>) src(%arg9 : memref<40x128xf32, #tpu.memory_space<vmem>>) dst(%dma_wait3A_252 : memref<40x128xf32, #tpu.memory_space<vmem_shared>>)
    %mul3A_253 = arith.constant 640 : i32
    %mul3A_254 = arith.muli %arg1, %mul3A_253 : i32
    %add3A_255 = arith.constant 520 : i32
    %add3A_256 = arith.addi %mul3A_254, %add3A_255 : i32
    %dma_wait3A_257 = arith.constant 0 : i32
    %dma_wait3A_258 = tpu.memref_slice %arg8[%add3A_256, %dma_wait3A_257] : memref<10240x128xf32, #tpu.memory_space<vmem_shared>> -> memref<40x128xf32, #tpu.memory_space<vmem_shared>>
    %dma_wait3A_259 = arith.constant 0 : i32
    %dma_wait3A_260 = tpu.memref_slice %arg8[%add3A_256, %dma_wait3A_259] : memref<10240x128xf32, #tpu.memory_space<vmem_shared>> -> memref<40x128xf32, #tpu.memory_space<vmem_shared>>
    tpu.wait_dma2 semaphore(%arg27 : memref<!tpu.dma_semaphore, #tpu.memory_space<semaphore_mem>>) src(%arg9 : memref<40x128xf32, #tpu.memory_space<vmem>>) dst(%dma_wait3A_260 : memref<40x128xf32, #tpu.memory_space<vmem_shared>>)
    %mul3A_261 = arith.constant 640 : i32
    %mul3A_262 = arith.muli %arg1, %mul3A_261 : i32
    %add3A_263 = arith.constant 560 : i32
    %add3A_264 = arith.addi %mul3A_262, %add3A_263 : i32
    %dma_wait3A_265 = arith.constant 0 : i32
    %dma_wait3A_266 = tpu.memref_slice %arg8[%add3A_264, %dma_wait3A_265] : memref<10240x128xf32, #tpu.memory_space<vmem_shared>> -> memref<40x128xf32, #tpu.memory_space<vmem_shared>>
    %dma_wait3A_267 = arith.constant 0 : i32
    %dma_wait3A_268 = tpu.memref_slice %arg8[%add3A_264, %dma_wait3A_267] : memref<10240x128xf32, #tpu.memory_space<vmem_shared>> -> memref<40x128xf32, #tpu.memory_space<vmem_shared>>
    tpu.wait_dma2 semaphore(%arg28 : memref<!tpu.dma_semaphore, #tpu.memory_space<semaphore_mem>>) src(%arg9 : memref<40x128xf32, #tpu.memory_space<vmem>>) dst(%dma_wait3A_268 : memref<40x128xf32, #tpu.memory_space<vmem_shared>>)
    %mul3A_269 = arith.constant 640 : i32
    %mul3A_270 = arith.muli %arg1, %mul3A_269 : i32
    %add3A_271 = arith.constant 600 : i32
    %add3A_272 = arith.addi %mul3A_270, %add3A_271 : i32
    %dma_wait3A_273 = arith.constant 0 : i32
    %dma_wait3A_274 = tpu.memref_slice %arg8[%add3A_272, %dma_wait3A_273] : memref<10240x128xf32, #tpu.memory_space<vmem_shared>> -> memref<40x128xf32, #tpu.memory_space<vmem_shared>>
    %dma_wait3A_275 = arith.constant 0 : i32
    %dma_wait3A_276 = tpu.memref_slice %arg8[%add3A_272, %dma_wait3A_275] : memref<10240x128xf32, #tpu.memory_space<vmem_shared>> -> memref<40x128xf32, #tpu.memory_space<vmem_shared>>
    tpu.wait_dma2 semaphore(%arg24 : memref<!tpu.dma_semaphore, #tpu.memory_space<semaphore_mem>>) src(%arg9 : memref<40x128xf32, #tpu.memory_space<vmem>>) dst(%dma_wait3A_276 : memref<40x128xf32, #tpu.memory_space<vmem_shared>>)
    %barrier3A = arith.constant 0 : index
    tpu.barrier barrier_id(%barrier3A)
    %get3A = arith.constant 0 : index
    %get3A_277 = tpu.vector_load %arg7[%get3A] {strides = array<i32>} : memref<10000xi32, #tpu.memory_space<vmem>>, vector<16xi32>,
    %get3A_278 = vector.shape_cast %get3A_277 : vector<16xi32> to vector<16xi32>
    %swap3A = arith.constant 0 : index
    %swap3A_279 = tpu.vector_load %arg14[%swap3A] {strides = array<i32>} : memref<40xi32, #tpu.memory_space<vmem>>, vector<16xi32>,
    %swap3A_280 = vector.shape_cast %swap3A_279 : vector<16xi32> to vector<16xi32>
    %swap3A_281 = vector.shape_cast %get3A_278 : vector<16xi32> to vector<16xi32>
    tpu.vector_store %arg14[%swap3A], %swap3A_281 {strides = array<i32>} : memref<40xi32, #tpu.memory_space<vmem>>, vector<16xi32>,
    %get3A_282 = arith.constant 16 : index
    %get3A_283 = tpu.vector_load %arg7[%get3A_282] {strides = array<i32>} : memref<10000xi32, #tpu.memory_space<vmem>>, vector<16xi32>,
    %get3A_284 = vector.shape_cast %get3A_283 : vector<16xi32> to vector<16xi32>
    %swap3A_285 = arith.constant 16 : index
    %swap3A_286 = tpu.vector_load %arg14[%swap3A_285] {strides = array<i32>} : memref<40xi32, #tpu.memory_space<vmem>>, vector<16xi32>,
    %swap3A_287 = vector.shape_cast %swap3A_286 : vector<16xi32> to vector<16xi32>
    %swap3A_288 = vector.shape_cast %get3A_284 : vector<16xi32> to vector<16xi32>
    tpu.vector_store %arg14[%swap3A_285], %swap3A_288 {strides = array<i32>} : memref<40xi32, #tpu.memory_space<vmem>>, vector<16xi32>,
    %get3A_289 = arith.constant 24 : index
    %get3A_290 = tpu.vector_load %arg7[%get3A_289] {strides = array<i32>} : memref<10000xi32, #tpu.memory_space<vmem>>, vector<16xi32>,
    %get3A_291 = vector.shape_cast %get3A_290 : vector<16xi32> to vector<16xi32>
    %swap3A_292 = arith.constant 24 : index
    %swap3A_293 = tpu.vector_load %arg14[%swap3A_292] {strides = array<i32>} : memref<40xi32, #tpu.memory_space<vmem>>, vector<16xi32>,
    %swap3A_294 = vector.shape_cast %swap3A_293 : vector<16xi32> to vector<16xi32>
    %swap3A_295 = vector.shape_cast %get3A_291 : vector<16xi32> to vector<16xi32>
    tpu.vector_store %arg14[%swap3A_292], %swap3A_295 {strides = array<i32>} : memref<40xi32, #tpu.memory_space<vmem>>, vector<16xi32>,
    %dma_start3A_296 = arith.constant 0 : i32
    %dma_start3A_297 = tpu.memref_slice %arg6[%dma_start3A_296] : memref<10000xi32, #tpu.memory_space<vmem>> -> memref<40xi32, #tpu.memory_space<vmem>>
    %dma_start3A_298 = arith.constant 0 : i32
    %dma_start3A_299 = arith.constant 0 : i32
    %dma_start3A_300 = tpu.memref_slice %arg2[%dma_start3A_298, %dma_start3A_299] : memref<10000x128xf32, #tpu.memory_space<hbm>> -> memref<10000x128xf32, #tpu.memory_space<hbm>>
    tpu.enqueue_indirect_dma source(%dma_start3A_300 : memref<10000x128xf32, #tpu.memory_space<hbm>>) target(%arg9 : memref<40x128xf32, #tpu.memory_space<vmem>>) offsets(%dma_start3A_297 : memref<40xi32, #tpu.memory_space<vmem>>) semaphore(%arg19 : memref<!tpu.dma_semaphore, #tpu.memory_space<semaphore_mem>>)
    %get3A_301 = arith.constant 40 : index
    %get3A_302 = tpu.vector_load %arg7[%get3A_301] {strides = array<i32>} : memref<10000xi32, #tpu.memory_space<vmem>>, vector<16xi32>,
    %get3A_303 = vector.shape_cast %get3A_302 : vector<16xi32> to vector<16xi32>
    %swap3A_304 = arith.constant 0 : index
    %swap3A_305 = tpu.vector_load %arg15[%swap3A_304] {strides = array<i32>} : memref<40xi32, #tpu.memory_space<vmem>>, vector<16xi32>,
    %swap3A_306 = vector.shape_cast %swap3A_305 : vector<16xi32> to vector<16xi32>
    %swap3A_307 = vector.shape_cast %get3A_303 : vector<16xi32> to vector<16xi32>
    tpu.vector_store %arg15[%swap3A_304], %swap3A_307 {strides = array<i32>} : memref<40xi32, #tpu.memory_space<vmem>>, vector<16xi32>,
    %get3A_308 = arith.constant 56 : index
    %get3A_309 = tpu.vector_load %arg7[%get3A_308] {strides = array<i32>} : memref<10000xi32, #tpu.memory_space<vmem>>, vector<16xi32>,
    %get3A_310 = vector.shape_cast %get3A_309 : vector<16xi32> to vector<16xi32>
    %swap3A_311 = arith.constant 16 : index
    %swap3A_312 = tpu.vector_load %arg15[%swap3A_311] {strides = array<i32>} : memref<40xi32, #tpu.memory_space<vmem>>, vector<16xi32>,
    %swap3A_313 = vector.shape_cast %swap3A_312 : vector<16xi32> to vector<16xi32>
    %swap3A_314 = vector.shape_cast %get3A_310 : vector<16xi32> to vector<16xi32>
    tpu.vector_store %arg15[%swap3A_311], %swap3A_314 {strides = array<i32>} : memref<40xi32, #tpu.memory_space<vmem>>, vector<16xi32>,
    %get3A_315 = arith.constant 64 : index
    %get3A_316 = tpu.vector_load %arg7[%get3A_315] {strides = array<i32>} : memref<10000xi32, #tpu.memory_space<vmem>>, vector<16xi32>,
    %get3A_317 = vector.shape_cast %get3A_316 : vector<16xi32> to vector<16xi32>
    %swap3A_318 = arith.constant 24 : index
    %swap3A_319 = tpu.vector_load %arg15[%swap3A_318] {strides = array<i32>} : memref<40xi32, #tpu.memory_space<vmem>>, vector<16xi32>,
    %swap3A_320 = vector.shape_cast %swap3A_319 : vector<16xi32> to vector<16xi32>
    %swap3A_321 = vector.shape_cast %get3A_317 : vector<16xi32> to vector<16xi32>
    tpu.vector_store %arg15[%swap3A_318], %swap3A_321 {strides = array<i32>} : memref<40xi32, #tpu.memory_space<vmem>>, vector<16xi32>,
    %dma_start3A_322 = arith.constant 40 : i32
    %dma_start3A_323 = tpu.memref_slice %arg6[%dma_start3A_322] : memref<10000xi32, #tpu.memory_space<vmem>> -> memref<40xi32, #tpu.memory_space<vmem>>
    %dma_start3A_324 = arith.constant 0 : i32
    %dma_start3A_325 = arith.constant 0 : i32
    %dma_start3A_326 = tpu.memref_slice %arg2[%dma_start3A_324, %dma_start3A_325] : memref<10000x128xf32, #tpu.memory_space<hbm>> -> memref<10000x128xf32, #tpu.memory_space<hbm>>
    tpu.enqueue_indirect_dma source(%dma_start3A_326 : memref<10000x128xf32, #tpu.memory_space<hbm>>) target(%arg10 : memref<40x128xf32, #tpu.memory_space<vmem>>) offsets(%dma_start3A_323 : memref<40xi32, #tpu.memory_space<vmem>>) semaphore(%arg20 : memref<!tpu.dma_semaphore, #tpu.memory_space<semaphore_mem>>)
    %get3A_327 = arith.constant 80 : index
    %get3A_328 = tpu.vector_load %arg7[%get3A_327] {strides = array<i32>} : memref<10000xi32, #tpu.memory_space<vmem>>, vector<16xi32>,
    %get3A_329 = vector.shape_cast %get3A_328 : vector<16xi32> to vector<16xi32>
    %swap3A_330 = arith.constant 0 : index
    %swap3A_331 = tpu.vector_load %arg16[%swap3A_330] {strides = array<i32>} : memref<40xi32, #tpu.memory_space<vmem>>, vector<16xi32>,
    %swap3A_332 = vector.shape_cast %swap3A_331 : vector<16xi32> to vector<16xi32>
    %swap3A_333 = vector.shape_cast %get3A_329 : vector<16xi32> to vector<16xi32>
    tpu.vector_store %arg16[%swap3A_330], %swap3A_333 {strides = array<i32>} : memref<40xi32, #tpu.memory_space<vmem>>, vector<16xi32>,
    %get3A_334 = arith.constant 96 : index
    %get3A_335 = tpu.vector_load %arg7[%get3A_334] {strides = array<i32>} : memref<10000xi32, #tpu.memory_space<vmem>>, vector<16xi32>,
    %get3A_336 = vector.shape_cast %get3A_335 : vector<16xi32> to vector<16xi32>
    %swap3A_337 = arith.constant 16 : index
    %swap3A_338 = tpu.vector_load %arg16[%swap3A_337] {strides = array<i32>} : memref<40xi32, #tpu.memory_space<vmem>>, vector<16xi32>,
    %swap3A_339 = vector.shape_cast %swap3A_338 : vector<16xi32> to vector<16xi32>
    %swap3A_340 = vector.shape_cast %get3A_336 : vector<16xi32> to vector<16xi32>
    tpu.vector_store %arg16[%swap3A_337], %swap3A_340 {strides = array<i32>} : memref<40xi32, #tpu.memory_space<vmem>>, vector<16xi32>,
    %get3A_341 = arith.constant 104 : index
    %get3A_342 = tpu.vector_load %arg7[%get3A_341] {strides = array<i32>} : memref<10000xi32, #tpu.memory_space<vmem>>, vector<16xi32>,
    %get3A_343 = vector.shape_cast %get3A_342 : vector<16xi32> to vector<16xi32>
    %swap3A_344 = arith.constant 24 : index
    %swap3A_345 = tpu.vector_load %arg16[%swap3A_344] {strides = array<i32>} : memref<40xi32, #tpu.memory_space<vmem>>, vector<16xi32>,
    %swap3A_346 = vector.shape_cast %swap3A_345 : vector<16xi32> to vector<16xi32>
    %swap3A_347 = vector.shape_cast %get3A_343 : vector<16xi32> to vector<16xi32>
    tpu.vector_store %arg16[%swap3A_344], %swap3A_347 {strides = array<i32>} : memref<40xi32, #tpu.memory_space<vmem>>, vector<16xi32>,
    %dma_start3A_348 = arith.constant 80 : i32
    %dma_start3A_349 = tpu.memref_slice %arg6[%dma_start3A_348] : memref<10000xi32, #tpu.memory_space<vmem>> -> memref<40xi32, #tpu.memory_space<vmem>>
    %dma_start3A_350 = arith.constant 0 : i32
    %dma_start3A_351 = arith.constant 0 : i32
    %dma_start3A_352 = tpu.memref_slice %arg2[%dma_start3A_350, %dma_start3A_351] : memref<10000x128xf32, #tpu.memory_space<hbm>> -> memref<10000x128xf32, #tpu.memory_space<hbm>>
    tpu.enqueue_indirect_dma source(%dma_start3A_352 : memref<10000x128xf32, #tpu.memory_space<hbm>>) target(%arg11 : memref<40x128xf32, #tpu.memory_space<vmem>>) offsets(%dma_start3A_349 : memref<40xi32, #tpu.memory_space<vmem>>) semaphore(%arg21 : memref<!tpu.dma_semaphore, #tpu.memory_space<semaphore_mem>>)
    %get3A_353 = arith.constant 120 : index
    %get3A_354 = tpu.vector_load %arg7[%get3A_353] {strides = array<i32>} : memref<10000xi32, #tpu.memory_space<vmem>>, vector<16xi32>,
    %get3A_355 = vector.shape_cast %get3A_354 : vector<16xi32> to vector<16xi32>
    %swap3A_356 = arith.constant 0 : index
    %swap3A_357 = tpu.vector_load %arg17[%swap3A_356] {strides = array<i32>} : memref<40xi32, #tpu.memory_space<vmem>>, vector<16xi32>,
    %swap3A_358 = vector.shape_cast %swap3A_357 : vector<16xi32> to vector<16xi32>
    %swap3A_359 = vector.shape_cast %get3A_355 : vector<16xi32> to vector<16xi32>
    tpu.vector_store %arg17[%swap3A_356], %swap3A_359 {strides = array<i32>} : memref<40xi32, #tpu.memory_space<vmem>>, vector<16xi32>,
    %get3A_360 = arith.constant 136 : index
    %get3A_361 = tpu.vector_load %arg7[%get3A_360] {strides = array<i32>} : memref<10000xi32, #tpu.memory_space<vmem>>, vector<16xi32>,
    %get3A_362 = vector.shape_cast %get3A_361 : vector<16xi32> to vector<16xi32>
    %swap3A_363 = arith.constant 16 : index
    %swap3A_364 = tpu.vector_load %arg17[%swap3A_363] {strides = array<i32>} : memref<40xi32, #tpu.memory_space<vmem>>, vector<16xi32>,
    %swap3A_365 = vector.shape_cast %swap3A_364 : vector<16xi32> to vector<16xi32>
    %swap3A_366 = vector.shape_cast %get3A_362 : vector<16xi32> to vector<16xi32>
    tpu.vector_store %arg17[%swap3A_363], %swap3A_366 {strides = array<i32>} : memref<40xi32, #tpu.memory_space<vmem>>, vector<16xi32>,
    %get3A_367 = arith.constant 144 : index
    %get3A_368 = tpu.vector_load %arg7[%get3A_367] {strides = array<i32>} : memref<10000xi32, #tpu.memory_space<vmem>>, vector<16xi32>,
    %get3A_369 = vector.shape_cast %get3A_368 : vector<16xi32> to vector<16xi32>
    %swap3A_370 = arith.constant 24 : index
    %swap3A_371 = tpu.vector_load %arg17[%swap3A_370] {strides = array<i32>} : memref<40xi32, #tpu.memory_space<vmem>>, vector<16xi32>,
    %swap3A_372 = vector.shape_cast %swap3A_371 : vector<16xi32> to vector<16xi32>
    %swap3A_373 = vector.shape_cast %get3A_369 : vector<16xi32> to vector<16xi32>
    tpu.vector_store %arg17[%swap3A_370], %swap3A_373 {strides = array<i32>} : memref<40xi32, #tpu.memory_space<vmem>>, vector<16xi32>,
    %dma_start3A_374 = arith.constant 120 : i32
    %dma_start3A_375 = tpu.memref_slice %arg6[%dma_start3A_374] : memref<10000xi32, #tpu.memory_space<vmem>> -> memref<40xi32, #tpu.memory_space<vmem>>
    %dma_start3A_376 = arith.constant 0 : i32
    %dma_start3A_377 = arith.constant 0 : i32
    %dma_start3A_378 = tpu.memref_slice %arg2[%dma_start3A_376, %dma_start3A_377] : memref<10000x128xf32, #tpu.memory_space<hbm>> -> memref<10000x128xf32, #tpu.memory_space<hbm>>
    tpu.enqueue_indirect_dma source(%dma_start3A_378 : memref<10000x128xf32, #tpu.memory_space<hbm>>) target(%arg12 : memref<40x128xf32, #tpu.memory_space<vmem>>) offsets(%dma_start3A_375 : memref<40xi32, #tpu.memory_space<vmem>>) semaphore(%arg22 : memref<!tpu.dma_semaphore, #tpu.memory_space<semaphore_mem>>)
    %get3A_379 = arith.constant 160 : index
    %get3A_380 = tpu.vector_load %arg7[%get3A_379] {strides = array<i32>} : memref<10000xi32, #tpu.memory_space<vmem>>, vector<16xi32>,
    %get3A_381 = vector.shape_cast %get3A_380 : vector<16xi32> to vector<16xi32>
    %swap3A_382 = arith.constant 0 : index
    %swap3A_383 = tpu.vector_load %arg18[%swap3A_382] {strides = array<i32>} : memref<40xi32, #tpu.memory_space<vmem>>, vector<16xi32>,
    %swap3A_384 = vector.shape_cast %swap3A_383 : vector<16xi32> to vector<16xi32>
    %swap3A_385 = vector.shape_cast %get3A_381 : vector<16xi32> to vector<16xi32>
    tpu.vector_store %arg18[%swap3A_382], %swap3A_385 {strides = array<i32>} : memref<40xi32, #tpu.memory_space<vmem>>, vector<16xi32>,
    %get3A_386 = arith.constant 176 : index
    %get3A_387 = tpu.vector_load %arg7[%get3A_386] {strides = array<i32>} : memref<10000xi32, #tpu.memory_space<vmem>>, vector<16xi32>,
    %get3A_388 = vector.shape_cast %get3A_387 : vector<16xi32> to vector<16xi32>
    %swap3A_389 = arith.constant 16 : index
    %swap3A_390 = tpu.vector_load %arg18[%swap3A_389] {strides = array<i32>} : memref<40xi32, #tpu.memory_space<vmem>>, vector<16xi32>,
    %swap3A_391 = vector.shape_cast %swap3A_390 : vector<16xi32> to vector<16xi32>
    %swap3A_392 = vector.shape_cast %get3A_388 : vector<16xi32> to vector<16xi32>
    tpu.vector_store %arg18[%swap3A_389], %swap3A_392 {strides = array<i32>} : memref<40xi32, #tpu.memory_space<vmem>>, vector<16xi32>,
    %get3A_393 = arith.constant 184 : index
    %get3A_394 = tpu.vector_load %arg7[%get3A_393] {strides = array<i32>} : memref<10000xi32, #tpu.memory_space<vmem>>, vector<16xi32>,
    %get3A_395 = vector.shape_cast %get3A_394 : vector<16xi32> to vector<16xi32>
    %swap3A_396 = arith.constant 24 : index
    %swap3A_397 = tpu.vector_load %arg18[%swap3A_396] {strides = array<i32>} : memref<40xi32, #tpu.memory_space<vmem>>, vector<16xi32>,
    %swap3A_398 = vector.shape_cast %swap3A_397 : vector<16xi32> to vector<16xi32>
    %swap3A_399 = vector.shape_cast %get3A_395 : vector<16xi32> to vector<16xi32>
    tpu.vector_store %arg18[%swap3A_396], %swap3A_399 {strides = array<i32>} : memref<40xi32, #tpu.memory_space<vmem>>, vector<16xi32>,
    %dma_start3A_400 = arith.constant 160 : i32
    %dma_start3A_401 = tpu.memref_slice %arg6[%dma_start3A_400] : memref<10000xi32, #tpu.memory_space<vmem>> -> memref<40xi32, #tpu.memory_space<vmem>>
    %dma_start3A_402 = arith.constant 0 : i32
    %dma_start3A_403 = arith.constant 0 : i32
    %dma_start3A_404 = tpu.memref_slice %arg2[%dma_start3A_402, %dma_start3A_403] : memref<10000x128xf32, #tpu.memory_space<hbm>> -> memref<10000x128xf32, #tpu.memory_space<hbm>>
    tpu.enqueue_indirect_dma source(%dma_start3A_404 : memref<10000x128xf32, #tpu.memory_space<hbm>>) target(%arg13 : memref<40x128xf32, #tpu.memory_space<vmem>>) offsets(%dma_start3A_401 : memref<40xi32, #tpu.memory_space<vmem>>) semaphore(%arg23 : memref<!tpu.dma_semaphore, #tpu.memory_space<semaphore_mem>>)
    %scan3A_405 = arith.constant 0 : i32
    %scan3A_406 = arith.constant 0 : i32
    %scan3A_407 = arith.constant 49 : i32
    %scan3A_408 = arith.addi %scan3A_406, %scan3A_407 : i32
    %scan3A_409 = arith.constant 1 : i32
    scf.for %scan3A_471 = %scan3A_406 to %scan3A_408 step %scan3A_409  : i32 {
      %mul3A_472 = arith.constant 5 : i32
      %mul3A_473 = arith.muli %scan3A_471, %mul3A_472 : i32
      %add3A_474 = arith.constant 0 : i32
      %add3A_475 = arith.addi %mul3A_473, %add3A_474 : i32
      %mul3A_476 = arith.constant 40 : i32
      %mul3A_477 = arith.muli %add3A_475, %mul3A_476 : i32
      %dma_wait3A_478 = tpu.memref_slice %arg6[%mul3A_477] : memref<10000xi32, #tpu.memory_space<vmem>> -> memref<40xi32, #tpu.memory_space<vmem>>
      %dma_wait3A_479 = arith.constant 0 : i32
      %dma_wait3A_480 = arith.constant 0 : i32
      %dma_wait3A_481 = tpu.memref_slice %arg2[%dma_wait3A_479, %dma_wait3A_480] : memref<10000x128xf32, #tpu.memory_space<hbm>> -> memref<10000x128xf32, #tpu.memory_space<hbm>>
      tpu.wait_indirect_dma semaphore(%arg19 : memref<!tpu.dma_semaphore, #tpu.memory_space<semaphore_mem>>) src(%dma_wait3A_481 : memref<10000x128xf32, #tpu.memory_space<hbm>>) dst(%arg9 : memref<40x128xf32, #tpu.memory_space<vmem>>)
      %dma_start3A_482 = arith.constant 0 : i32
      %dma_start3A_483 = arith.constant 0 : i32
      %dma_start3A_484 = tpu.memref_slice %arg8[%dma_start3A_482, %dma_start3A_483] : memref<10240x128xf32, #tpu.memory_space<vmem_shared>> -> memref<10240x128xf32, #tpu.memory_space<vmem_shared>>
      tpu.enqueue_indirect_dma source(%arg9 : memref<40x128xf32, #tpu.memory_space<vmem>>) target(%dma_start3A_484 : memref<10240x128xf32, #tpu.memory_space<vmem_shared>>) offsets(%arg14 : memref<40xi32, #tpu.memory_space<vmem>>) semaphore(%arg24 : memref<!tpu.dma_semaphore, #tpu.memory_space<semaphore_mem>>) {add = true}
      %add3A_485 = arith.constant 1 : i32
      %add3A_486 = arith.addi %mul3A_473, %add3A_485 : i32
      %mul3A_487 = arith.constant 40 : i32
      %mul3A_488 = arith.muli %add3A_486, %mul3A_487 : i32
      %dma_wait3A_489 = tpu.memref_slice %arg6[%mul3A_488] : memref<10000xi32, #tpu.memory_space<vmem>> -> memref<40xi32, #tpu.memory_space<vmem>>
      %dma_wait3A_490 = arith.constant 0 : i32
      %dma_wait3A_491 = arith.constant 0 : i32
      %dma_wait3A_492 = tpu.memref_slice %arg2[%dma_wait3A_490, %dma_wait3A_491] : memref<10000x128xf32, #tpu.memory_space<hbm>> -> memref<10000x128xf32, #tpu.memory_space<hbm>>
      tpu.wait_indirect_dma semaphore(%arg20 : memref<!tpu.dma_semaphore, #tpu.memory_space<semaphore_mem>>) src(%dma_wait3A_492 : memref<10000x128xf32, #tpu.memory_space<hbm>>) dst(%arg10 : memref<40x128xf32, #tpu.memory_space<vmem>>)
      %dma_start3A_493 = arith.constant 0 : i32
      %dma_start3A_494 = arith.constant 0 : i32
      %dma_start3A_495 = tpu.memref_slice %arg8[%dma_start3A_493, %dma_start3A_494] : memref<10240x128xf32, #tpu.memory_space<vmem_shared>> -> memref<10240x128xf32, #tpu.memory_space<vmem_shared>>
      tpu.enqueue_indirect_dma source(%arg10 : memref<40x128xf32, #tpu.memory_space<vmem>>) target(%dma_start3A_495 : memref<10240x128xf32, #tpu.memory_space<vmem_shared>>) offsets(%arg15 : memref<40xi32, #tpu.memory_space<vmem>>) semaphore(%arg25 : memref<!tpu.dma_semaphore, #tpu.memory_space<semaphore_mem>>) {add = true}
      %add3A_496 = arith.constant 2 : i32
      %add3A_497 = arith.addi %mul3A_473, %add3A_496 : i32
      %mul3A_498 = arith.constant 40 : i32
      %mul3A_499 = arith.muli %add3A_497, %mul3A_498 : i32
      %dma_wait3A_500 = tpu.memref_slice %arg6[%mul3A_499] : memref<10000xi32, #tpu.memory_space<vmem>> -> memref<40xi32, #tpu.memory_space<vmem>>
      %dma_wait3A_501 = arith.constant 0 : i32
      %dma_wait3A_502 = arith.constant 0 : i32
      %dma_wait3A_503 = tpu.memref_slice %arg2[%dma_wait3A_501, %dma_wait3A_502] : memref<10000x128xf32, #tpu.memory_space<hbm>> -> memref<10000x128xf32, #tpu.memory_space<hbm>>
      tpu.wait_indirect_dma semaphore(%arg21 : memref<!tpu.dma_semaphore, #tpu.memory_space<semaphore_mem>>) src(%dma_wait3A_503 : memref<10000x128xf32, #tpu.memory_space<hbm>>) dst(%arg11 : memref<40x128xf32, #tpu.memory_space<vmem>>)
      %dma_start3A_504 = arith.constant 0 : i32
      %dma_start3A_505 = arith.constant 0 : i32
      %dma_start3A_506 = tpu.memref_slice %arg8[%dma_start3A_504, %dma_start3A_505] : memref<10240x128xf32, #tpu.memory_space<vmem_shared>> -> memref<10240x128xf32, #tpu.memory_space<vmem_shared>>
      tpu.enqueue_indirect_dma source(%arg11 : memref<40x128xf32, #tpu.memory_space<vmem>>) target(%dma_start3A_506 : memref<10240x128xf32, #tpu.memory_space<vmem_shared>>) offsets(%arg16 : memref<40xi32, #tpu.memory_space<vmem>>) semaphore(%arg26 : memref<!tpu.dma_semaphore, #tpu.memory_space<semaphore_mem>>) {add = true}
      %add3A_507 = arith.constant 3 : i32
      %add3A_508 = arith.addi %mul3A_473, %add3A_507 : i32
      %mul3A_509 = arith.constant 40 : i32
      %mul3A_510 = arith.muli %add3A_508, %mul3A_509 : i32
      %dma_wait3A_511 = tpu.memref_slice %arg6[%mul3A_510] : memref<10000xi32, #tpu.memory_space<vmem>> -> memref<40xi32, #tpu.memory_space<vmem>>
      %dma_wait3A_512 = arith.constant 0 : i32
      %dma_wait3A_513 = arith.constant 0 : i32
      %dma_wait3A_514 = tpu.memref_slice %arg2[%dma_wait3A_512, %dma_wait3A_513] : memref<10000x128xf32, #tpu.memory_space<hbm>> -> memref<10000x128xf32, #tpu.memory_space<hbm>>
      tpu.wait_indirect_dma semaphore(%arg22 : memref<!tpu.dma_semaphore, #tpu.memory_space<semaphore_mem>>) src(%dma_wait3A_514 : memref<10000x128xf32, #tpu.memory_space<hbm>>) dst(%arg12 : memref<40x128xf32, #tpu.memory_space<vmem>>)
      %dma_start3A_515 = arith.constant 0 : i32
      %dma_start3A_516 = arith.constant 0 : i32
      %dma_start3A_517 = tpu.memref_slice %arg8[%dma_start3A_515, %dma_start3A_516] : memref<10240x128xf32, #tpu.memory_space<vmem_shared>> -> memref<10240x128xf32, #tpu.memory_space<vmem_shared>>
      tpu.enqueue_indirect_dma source(%arg12 : memref<40x128xf32, #tpu.memory_space<vmem>>) target(%dma_start3A_517 : memref<10240x128xf32, #tpu.memory_space<vmem_shared>>) offsets(%arg17 : memref<40xi32, #tpu.memory_space<vmem>>) semaphore(%arg27 : memref<!tpu.dma_semaphore, #tpu.memory_space<semaphore_mem>>) {add = true}
      %add3A_518 = arith.constant 4 : i32
      %add3A_519 = arith.addi %mul3A_473, %add3A_518 : i32
      %mul3A_520 = arith.constant 40 : i32
      %mul3A_521 = arith.muli %add3A_519, %mul3A_520 : i32
      %dma_wait3A_522 = tpu.memref_slice %arg6[%mul3A_521] : memref<10000xi32, #tpu.memory_space<vmem>> -> memref<40xi32, #tpu.memory_space<vmem>>
      %dma_wait3A_523 = arith.constant 0 : i32
      %dma_wait3A_524 = arith.constant 0 : i32
      %dma_wait3A_525 = tpu.memref_slice %arg2[%dma_wait3A_523, %dma_wait3A_524] : memref<10000x128xf32, #tpu.memory_space<hbm>> -> memref<10000x128xf32, #tpu.memory_space<hbm>>
      tpu.wait_indirect_dma semaphore(%arg23 : memref<!tpu.dma_semaphore, #tpu.memory_space<semaphore_mem>>) src(%dma_wait3A_525 : memref<10000x128xf32, #tpu.memory_space<hbm>>) dst(%arg13 : memref<40x128xf32, #tpu.memory_space<vmem>>)
      %dma_start3A_526 = arith.constant 0 : i32
      %dma_start3A_527 = arith.constant 0 : i32
      %dma_start3A_528 = tpu.memref_slice %arg8[%dma_start3A_526, %dma_start3A_527] : memref<10240x128xf32, #tpu.memory_space<vmem_shared>> -> memref<10240x128xf32, #tpu.memory_space<vmem_shared>>
      tpu.enqueue_indirect_dma source(%arg13 : memref<40x128xf32, #tpu.memory_space<vmem>>) target(%dma_start3A_528 : memref<10240x128xf32, #tpu.memory_space<vmem_shared>>) offsets(%arg18 : memref<40xi32, #tpu.memory_space<vmem>>) semaphore(%arg28 : memref<!tpu.dma_semaphore, #tpu.memory_space<semaphore_mem>>) {add = true}
      %dma_wait3A_529 = arith.constant 0 : i32
      %dma_wait3A_530 = arith.constant 0 : i32
      %dma_wait3A_531 = tpu.memref_slice %arg8[%dma_wait3A_529, %dma_wait3A_530] : memref<10240x128xf32, #tpu.memory_space<vmem_shared>> -> memref<10240x128xf32, #tpu.memory_space<vmem_shared>>
      tpu.wait_indirect_dma semaphore(%arg24 : memref<!tpu.dma_semaphore, #tpu.memory_space<semaphore_mem>>) src(%arg9 : memref<40x128xf32, #tpu.memory_space<vmem>>) dst(%dma_wait3A_531 : memref<10240x128xf32, #tpu.memory_space<vmem_shared>>)
      %add3A_532 = arith.constant 5 : i32
      %add3A_533 = arith.addi %mul3A_473, %add3A_532 : i32
      %add3A_534 = arith.constant 0 : i32
      %add3A_535 = arith.addi %add3A_533, %add3A_534 : i32
      %mul3A_536 = arith.constant 40 : i32
      %mul3A_537 = arith.muli %add3A_535, %mul3A_536 : i32
      %add3A_538 = arith.constant 0 : i32
      %add3A_539 = arith.addi %mul3A_537, %add3A_538 : i32
      %get3A_540 = arith.index_cast %add3A_539 : i32 to index
      %get3A_541 = tpu.vector_load %arg7[%get3A_540] {strides = array<i32>} : memref<10000xi32, #tpu.memory_space<vmem>>, vector<16xi32>,
      %get3A_542 = vector.shape_cast %get3A_541 : vector<16xi32> to vector<16xi32>
      %swap3A_543 = arith.constant 0 : index
      %swap3A_544 = tpu.vector_load %arg14[%swap3A_543] {strides = array<i32>} : memref<40xi32, #tpu.memory_space<vmem>>, vector<16xi32>,
      %swap3A_545 = vector.shape_cast %swap3A_544 : vector<16xi32> to vector<16xi32>
      %swap3A_546 = vector.shape_cast %get3A_542 : vector<16xi32> to vector<16xi32>
      tpu.vector_store %arg14[%swap3A_543], %swap3A_546 {strides = array<i32>} : memref<40xi32, #tpu.memory_space<vmem>>, vector<16xi32>,
      %mul3A_547 = arith.constant 40 : i32
      %mul3A_548 = arith.muli %add3A_535, %mul3A_547 : i32
      %add3A_549 = arith.constant 16 : i32
      %add3A_550 = arith.addi %mul3A_548, %add3A_549 : i32
      %get3A_551 = arith.index_cast %add3A_550 : i32 to index
      %get3A_552 = tpu.vector_load %arg7[%get3A_551] {strides = array<i32>} : memref<10000xi32, #tpu.memory_space<vmem>>, vector<16xi32>,
      %get3A_553 = vector.shape_cast %get3A_552 : vector<16xi32> to vector<16xi32>
      %swap3A_554 = arith.constant 16 : index
      %swap3A_555 = tpu.vector_load %arg14[%swap3A_554] {strides = array<i32>} : memref<40xi32, #tpu.memory_space<vmem>>, vector<16xi32>,
      %swap3A_556 = vector.shape_cast %swap3A_555 : vector<16xi32> to vector<16xi32>
      %swap3A_557 = vector.shape_cast %get3A_553 : vector<16xi32> to vector<16xi32>
      tpu.vector_store %arg14[%swap3A_554], %swap3A_557 {strides = array<i32>} : memref<40xi32, #tpu.memory_space<vmem>>, vector<16xi32>,
      %mul3A_558 = arith.constant 40 : i32
      %mul3A_559 = arith.muli %add3A_535, %mul3A_558 : i32
      %add3A_560 = arith.constant 24 : i32
      %add3A_561 = arith.addi %mul3A_559, %add3A_560 : i32
      %get3A_562 = arith.index_cast %add3A_561 : i32 to index
      %get3A_563 = tpu.vector_load %arg7[%get3A_562] {strides = array<i32>} : memref<10000xi32, #tpu.memory_space<vmem>>, vector<16xi32>,
      %get3A_564 = vector.shape_cast %get3A_563 : vector<16xi32> to vector<16xi32>
      %swap3A_565 = arith.constant 24 : index
      %swap3A_566 = tpu.vector_load %arg14[%swap3A_565] {strides = array<i32>} : memref<40xi32, #tpu.memory_space<vmem>>, vector<16xi32>,
      %swap3A_567 = vector.shape_cast %swap3A_566 : vector<16xi32> to vector<16xi32>
      %swap3A_568 = vector.shape_cast %get3A_564 : vector<16xi32> to vector<16xi32>
      tpu.vector_store %arg14[%swap3A_565], %swap3A_568 {strides = array<i32>} : memref<40xi32, #tpu.memory_space<vmem>>, vector<16xi32>,
      %add3A_569 = arith.constant 5 : i32
      %add3A_570 = arith.addi %mul3A_473, %add3A_569 : i32
      %add3A_571 = arith.constant 0 : i32
      %add3A_572 = arith.addi %add3A_570, %add3A_571 : i32
      %mul3A_573 = arith.constant 40 : i32
      %mul3A_574 = arith.muli %add3A_572, %mul3A_573 : i32
      %dma_start3A_575 = tpu.memref_slice %arg6[%mul3A_574] : memref<10000xi32, #tpu.memory_space<vmem>> -> memref<40xi32, #tpu.memory_space<vmem>>
      %dma_start3A_576 = arith.constant 0 : i32
      %dma_start3A_577 = arith.constant 0 : i32
      %dma_start3A_578 = tpu.memref_slice %arg2[%dma_start3A_576, %dma_start3A_577] : memref<10000x128xf32, #tpu.memory_space<hbm>> -> memref<10000x128xf32, #tpu.memory_space<hbm>>
      tpu.enqueue_indirect_dma source(%dma_start3A_578 : memref<10000x128xf32, #tpu.memory_space<hbm>>) target(%arg9 : memref<40x128xf32, #tpu.memory_space<vmem>>) offsets(%dma_start3A_575 : memref<40xi32, #tpu.memory_space<vmem>>) semaphore(%arg19 : memref<!tpu.dma_semaphore, #tpu.memory_space<semaphore_mem>>)
      %dma_wait3A_579 = arith.constant 0 : i32
      %dma_wait3A_580 = arith.constant 0 : i32
      %dma_wait3A_581 = tpu.memref_slice %arg8[%dma_wait3A_579, %dma_wait3A_580] : memref<10240x128xf32, #tpu.memory_space<vmem_shared>> -> memref<10240x128xf32, #tpu.memory_space<vmem_shared>>
      tpu.wait_indirect_dma semaphore(%arg25 : memref<!tpu.dma_semaphore, #tpu.memory_space<semaphore_mem>>) src(%arg10 : memref<40x128xf32, #tpu.memory_space<vmem>>) dst(%dma_wait3A_581 : memref<10240x128xf32, #tpu.memory_space<vmem_shared>>)
      %add3A_582 = arith.constant 5 : i32
      %add3A_583 = arith.addi %mul3A_473, %add3A_582 : i32
      %add3A_584 = arith.constant 1 : i32
      %add3A_585 = arith.addi %add3A_583, %add3A_584 : i32
      %mul3A_586 = arith.constant 40 : i32
      %mul3A_587 = arith.muli %add3A_585, %mul3A_586 : i32
      %add3A_588 = arith.constant 0 : i32
      %add3A_589 = arith.addi %mul3A_587, %add3A_588 : i32
      %get3A_590 = arith.index_cast %add3A_589 : i32 to index
      %get3A_591 = tpu.vector_load %arg7[%get3A_590] {strides = array<i32>} : memref<10000xi32, #tpu.memory_space<vmem>>, vector<16xi32>,
      %get3A_592 = vector.shape_cast %get3A_591 : vector<16xi32> to vector<16xi32>
      %swap3A_593 = arith.constant 0 : index
      %swap3A_594 = tpu.vector_load %arg15[%swap3A_593] {strides = array<i32>} : memref<40xi32, #tpu.memory_space<vmem>>, vector<16xi32>,
      %swap3A_595 = vector.shape_cast %swap3A_594 : vector<16xi32> to vector<16xi32>
      %swap3A_596 = vector.shape_cast %get3A_592 : vector<16xi32> to vector<16xi32>
      tpu.vector_store %arg15[%swap3A_593], %swap3A_596 {strides = array<i32>} : memref<40xi32, #tpu.memory_space<vmem>>, vector<16xi32>,
      %mul3A_597 = arith.constant 40 : i32
      %mul3A_598 = arith.muli %add3A_585, %mul3A_597 : i32
      %add3A_599 = arith.constant 16 : i32
      %add3A_600 = arith.addi %mul3A_598, %add3A_599 : i32
      %get3A_601 = arith.index_cast %add3A_600 : i32 to index
      %get3A_602 = tpu.vector_load %arg7[%get3A_601] {strides = array<i32>} : memref<10000xi32, #tpu.memory_space<vmem>>, vector<16xi32>,
      %get3A_603 = vector.shape_cast %get3A_602 : vector<16xi32> to vector<16xi32>
      %swap3A_604 = arith.constant 16 : index
      %swap3A_605 = tpu.vector_load %arg15[%swap3A_604] {strides = array<i32>} : memref<40xi32, #tpu.memory_space<vmem>>, vector<16xi32>,
      %swap3A_606 = vector.shape_cast %swap3A_605 : vector<16xi32> to vector<16xi32>
      %swap3A_607 = vector.shape_cast %get3A_603 : vector<16xi32> to vector<16xi32>
      tpu.vector_store %arg15[%swap3A_604], %swap3A_607 {strides = array<i32>} : memref<40xi32, #tpu.memory_space<vmem>>, vector<16xi32>,
      %mul3A_608 = arith.constant 40 : i32
      %mul3A_609 = arith.muli %add3A_585, %mul3A_608 : i32
      %add3A_610 = arith.constant 24 : i32
      %add3A_611 = arith.addi %mul3A_609, %add3A_610 : i32
      %get3A_612 = arith.index_cast %add3A_611 : i32 to index
      %get3A_613 = tpu.vector_load %arg7[%get3A_612] {strides = array<i32>} : memref<10000xi32, #tpu.memory_space<vmem>>, vector<16xi32>,
      %get3A_614 = vector.shape_cast %get3A_613 : vector<16xi32> to vector<16xi32>
      %swap3A_615 = arith.constant 24 : index
      %swap3A_616 = tpu.vector_load %arg15[%swap3A_615] {strides = array<i32>} : memref<40xi32, #tpu.memory_space<vmem>>, vector<16xi32>,
      %swap3A_617 = vector.shape_cast %swap3A_616 : vector<16xi32> to vector<16xi32>
      %swap3A_618 = vector.shape_cast %get3A_614 : vector<16xi32> to vector<16xi32>
      tpu.vector_store %arg15[%swap3A_615], %swap3A_618 {strides = array<i32>} : memref<40xi32, #tpu.memory_space<vmem>>, vector<16xi32>,
      %add3A_619 = arith.constant 5 : i32
      %add3A_620 = arith.addi %mul3A_473, %add3A_619 : i32
      %add3A_621 = arith.constant 1 : i32
      %add3A_622 = arith.addi %add3A_620, %add3A_621 : i32
      %mul3A_623 = arith.constant 40 : i32
      %mul3A_624 = arith.muli %add3A_622, %mul3A_623 : i32
      %dma_start3A_625 = tpu.memref_slice %arg6[%mul3A_624] : memref<10000xi32, #tpu.memory_space<vmem>> -> memref<40xi32, #tpu.memory_space<vmem>>
      %dma_start3A_626 = arith.constant 0 : i32
      %dma_start3A_627 = arith.constant 0 : i32
      %dma_start3A_628 = tpu.memref_slice %arg2[%dma_start3A_626, %dma_start3A_627] : memref<10000x128xf32, #tpu.memory_space<hbm>> -> memref<10000x128xf32, #tpu.memory_space<hbm>>
      tpu.enqueue_indirect_dma source(%dma_start3A_628 : memref<10000x128xf32, #tpu.memory_space<hbm>>) target(%arg10 : memref<40x128xf32, #tpu.memory_space<vmem>>) offsets(%dma_start3A_625 : memref<40xi32, #tpu.memory_space<vmem>>) semaphore(%arg20 : memref<!tpu.dma_semaphore, #tpu.memory_space<semaphore_mem>>)
      %dma_wait3A_629 = arith.constant 0 : i32
      %dma_wait3A_630 = arith.constant 0 : i32
      %dma_wait3A_631 = tpu.memref_slice %arg8[%dma_wait3A_629, %dma_wait3A_630] : memref<10240x128xf32, #tpu.memory_space<vmem_shared>> -> memref<10240x128xf32, #tpu.memory_space<vmem_shared>>
      tpu.wait_indirect_dma semaphore(%arg26 : memref<!tpu.dma_semaphore, #tpu.memory_space<semaphore_mem>>) src(%arg11 : memref<40x128xf32, #tpu.memory_space<vmem>>) dst(%dma_wait3A_631 : memref<10240x128xf32, #tpu.memory_space<vmem_shared>>)
      %add3A_632 = arith.constant 5 : i32
      %add3A_633 = arith.addi %mul3A_473, %add3A_632 : i32
      %add3A_634 = arith.constant 2 : i32
      %add3A_635 = arith.addi %add3A_633, %add3A_634 : i32
      %mul3A_636 = arith.constant 40 : i32
      %mul3A_637 = arith.muli %add3A_635, %mul3A_636 : i32
      %add3A_638 = arith.constant 0 : i32
      %add3A_639 = arith.addi %mul3A_637, %add3A_638 : i32
      %get3A_640 = arith.index_cast %add3A_639 : i32 to index
      %get3A_641 = tpu.vector_load %arg7[%get3A_640] {strides = array<i32>} : memref<10000xi32, #tpu.memory_space<vmem>>, vector<16xi32>,
      %get3A_642 = vector.shape_cast %get3A_641 : vector<16xi32> to vector<16xi32>
      %swap3A_643 = arith.constant 0 : index
      %swap3A_644 = tpu.vector_load %arg16[%swap3A_643] {strides = array<i32>} : memref<40xi32, #tpu.memory_space<vmem>>, vector<16xi32>,
      %swap3A_645 = vector.shape_cast %swap3A_644 : vector<16xi32> to vector<16xi32>
      %swap3A_646 = vector.shape_cast %get3A_642 : vector<16xi32> to vector<16xi32>
      tpu.vector_store %arg16[%swap3A_643], %swap3A_646 {strides = array<i32>} : memref<40xi32, #tpu.memory_space<vmem>>, vector<16xi32>,
      %mul3A_647 = arith.constant 40 : i32
      %mul3A_648 = arith.muli %add3A_635, %mul3A_647 : i32
      %add3A_649 = arith.constant 16 : i32
      %add3A_650 = arith.addi %mul3A_648, %add3A_649 : i32
      %get3A_651 = arith.index_cast %add3A_650 : i32 to index
      %get3A_652 = tpu.vector_load %arg7[%get3A_651] {strides = array<i32>} : memref<10000xi32, #tpu.memory_space<vmem>>, vector<16xi32>,
      %get3A_653 = vector.shape_cast %get3A_652 : vector<16xi32> to vector<16xi32>
      %swap3A_654 = arith.constant 16 : index
      %swap3A_655 = tpu.vector_load %arg16[%swap3A_654] {strides = array<i32>} : memref<40xi32, #tpu.memory_space<vmem>>, vector<16xi32>,
      %swap3A_656 = vector.shape_cast %swap3A_655 : vector<16xi32> to vector<16xi32>
      %swap3A_657 = vector.shape_cast %get3A_653 : vector<16xi32> to vector<16xi32>
      tpu.vector_store %arg16[%swap3A_654], %swap3A_657 {strides = array<i32>} : memref<40xi32, #tpu.memory_space<vmem>>, vector<16xi32>,
      %mul3A_658 = arith.constant 40 : i32
      %mul3A_659 = arith.muli %add3A_635, %mul3A_658 : i32
      %add3A_660 = arith.constant 24 : i32
      %add3A_661 = arith.addi %mul3A_659, %add3A_660 : i32
      %get3A_662 = arith.index_cast %add3A_661 : i32 to index
      %get3A_663 = tpu.vector_load %arg7[%get3A_662] {strides = array<i32>} : memref<10000xi32, #tpu.memory_space<vmem>>, vector<16xi32>,
      %get3A_664 = vector.shape_cast %get3A_663 : vector<16xi32> to vector<16xi32>
      %swap3A_665 = arith.constant 24 : index
      %swap3A_666 = tpu.vector_load %arg16[%swap3A_665] {strides = array<i32>} : memref<40xi32, #tpu.memory_space<vmem>>, vector<16xi32>,
      %swap3A_667 = vector.shape_cast %swap3A_666 : vector<16xi32> to vector<16xi32>
      %swap3A_668 = vector.shape_cast %get3A_664 : vector<16xi32> to vector<16xi32>
      tpu.vector_store %arg16[%swap3A_665], %swap3A_668 {strides = array<i32>} : memref<40xi32, #tpu.memory_space<vmem>>, vector<16xi32>,
      %add3A_669 = arith.constant 5 : i32
      %add3A_670 = arith.addi %mul3A_473, %add3A_669 : i32
      %add3A_671 = arith.constant 2 : i32
      %add3A_672 = arith.addi %add3A_670, %add3A_671 : i32
      %mul3A_673 = arith.constant 40 : i32
      %mul3A_674 = arith.muli %add3A_672, %mul3A_673 : i32
      %dma_start3A_675 = tpu.memref_slice %arg6[%mul3A_674] : memref<10000xi32, #tpu.memory_space<vmem>> -> memref<40xi32, #tpu.memory_space<vmem>>
      %dma_start3A_676 = arith.constant 0 : i32
      %dma_start3A_677 = arith.constant 0 : i32
      %dma_start3A_678 = tpu.memref_slice %arg2[%dma_start3A_676, %dma_start3A_677] : memref<10000x128xf32, #tpu.memory_space<hbm>> -> memref<10000x128xf32, #tpu.memory_space<hbm>>
      tpu.enqueue_indirect_dma source(%dma_start3A_678 : memref<10000x128xf32, #tpu.memory_space<hbm>>) target(%arg11 : memref<40x128xf32, #tpu.memory_space<vmem>>) offsets(%dma_start3A_675 : memref<40xi32, #tpu.memory_space<vmem>>) semaphore(%arg21 : memref<!tpu.dma_semaphore, #tpu.memory_space<semaphore_mem>>)
      %dma_wait3A_679 = arith.constant 0 : i32
      %dma_wait3A_680 = arith.constant 0 : i32
      %dma_wait3A_681 = tpu.memref_slice %arg8[%dma_wait3A_679, %dma_wait3A_680] : memref<10240x128xf32, #tpu.memory_space<vmem_shared>> -> memref<10240x128xf32, #tpu.memory_space<vmem_shared>>
      tpu.wait_indirect_dma semaphore(%arg27 : memref<!tpu.dma_semaphore, #tpu.memory_space<semaphore_mem>>) src(%arg12 : memref<40x128xf32, #tpu.memory_space<vmem>>) dst(%dma_wait3A_681 : memref<10240x128xf32, #tpu.memory_space<vmem_shared>>)
      %add3A_682 = arith.constant 5 : i32
      %add3A_683 = arith.addi %mul3A_473, %add3A_682 : i32
      %add3A_684 = arith.constant 3 : i32
      %add3A_685 = arith.addi %add3A_683, %add3A_684 : i32
      %mul3A_686 = arith.constant 40 : i32
      %mul3A_687 = arith.muli %add3A_685, %mul3A_686 : i32
      %add3A_688 = arith.constant 0 : i32
      %add3A_689 = arith.addi %mul3A_687, %add3A_688 : i32
      %get3A_690 = arith.index_cast %add3A_689 : i32 to index
      %get3A_691 = tpu.vector_load %arg7[%get3A_690] {strides = array<i32>} : memref<10000xi32, #tpu.memory_space<vmem>>, vector<16xi32>,
      %get3A_692 = vector.shape_cast %get3A_691 : vector<16xi32> to vector<16xi32>
      %swap3A_693 = arith.constant 0 : index
      %swap3A_694 = tpu.vector_load %arg17[%swap3A_693] {strides = array<i32>} : memref<40xi32, #tpu.memory_space<vmem>>, vector<16xi32>,
      %swap3A_695 = vector.shape_cast %swap3A_694 : vector<16xi32> to vector<16xi32>
      %swap3A_696 = vector.shape_cast %get3A_692 : vector<16xi32> to vector<16xi32>
      tpu.vector_store %arg17[%swap3A_693], %swap3A_696 {strides = array<i32>} : memref<40xi32, #tpu.memory_space<vmem>>, vector<16xi32>,
      %mul3A_697 = arith.constant 40 : i32
      %mul3A_698 = arith.muli %add3A_685, %mul3A_697 : i32
      %add3A_699 = arith.constant 16 : i32
      %add3A_700 = arith.addi %mul3A_698, %add3A_699 : i32
      %get3A_701 = arith.index_cast %add3A_700 : i32 to index
      %get3A_702 = tpu.vector_load %arg7[%get3A_701] {strides = array<i32>} : memref<10000xi32, #tpu.memory_space<vmem>>, vector<16xi32>,
      %get3A_703 = vector.shape_cast %get3A_702 : vector<16xi32> to vector<16xi32>
      %swap3A_704 = arith.constant 16 : index
      %swap3A_705 = tpu.vector_load %arg17[%swap3A_704] {strides = array<i32>} : memref<40xi32, #tpu.memory_space<vmem>>, vector<16xi32>,
      %swap3A_706 = vector.shape_cast %swap3A_705 : vector<16xi32> to vector<16xi32>
      %swap3A_707 = vector.shape_cast %get3A_703 : vector<16xi32> to vector<16xi32>
      tpu.vector_store %arg17[%swap3A_704], %swap3A_707 {strides = array<i32>} : memref<40xi32, #tpu.memory_space<vmem>>, vector<16xi32>,
      %mul3A_708 = arith.constant 40 : i32
      %mul3A_709 = arith.muli %add3A_685, %mul3A_708 : i32
      %add3A_710 = arith.constant 24 : i32
      %add3A_711 = arith.addi %mul3A_709, %add3A_710 : i32
      %get3A_712 = arith.index_cast %add3A_711 : i32 to index
      %get3A_713 = tpu.vector_load %arg7[%get3A_712] {strides = array<i32>} : memref<10000xi32, #tpu.memory_space<vmem>>, vector<16xi32>,
      %get3A_714 = vector.shape_cast %get3A_713 : vector<16xi32> to vector<16xi32>
      %swap3A_715 = arith.constant 24 : index
      %swap3A_716 = tpu.vector_load %arg17[%swap3A_715] {strides = array<i32>} : memref<40xi32, #tpu.memory_space<vmem>>, vector<16xi32>,
      %swap3A_717 = vector.shape_cast %swap3A_716 : vector<16xi32> to vector<16xi32>
      %swap3A_718 = vector.shape_cast %get3A_714 : vector<16xi32> to vector<16xi32>
      tpu.vector_store %arg17[%swap3A_715], %swap3A_718 {strides = array<i32>} : memref<40xi32, #tpu.memory_space<vmem>>, vector<16xi32>,
      %add3A_719 = arith.constant 5 : i32
      %add3A_720 = arith.addi %mul3A_473, %add3A_719 : i32
      %add3A_721 = arith.constant 3 : i32
      %add3A_722 = arith.addi %add3A_720, %add3A_721 : i32
      %mul3A_723 = arith.constant 40 : i32
      %mul3A_724 = arith.muli %add3A_722, %mul3A_723 : i32
      %dma_start3A_725 = tpu.memref_slice %arg6[%mul3A_724] : memref<10000xi32, #tpu.memory_space<vmem>> -> memref<40xi32, #tpu.memory_space<vmem>>
      %dma_start3A_726 = arith.constant 0 : i32
      %dma_start3A_727 = arith.constant 0 : i32
      %dma_start3A_728 = tpu.memref_slice %arg2[%dma_start3A_726, %dma_start3A_727] : memref<10000x128xf32, #tpu.memory_space<hbm>> -> memref<10000x128xf32, #tpu.memory_space<hbm>>
      tpu.enqueue_indirect_dma source(%dma_start3A_728 : memref<10000x128xf32, #tpu.memory_space<hbm>>) target(%arg12 : memref<40x128xf32, #tpu.memory_space<vmem>>) offsets(%dma_start3A_725 : memref<40xi32, #tpu.memory_space<vmem>>) semaphore(%arg22 : memref<!tpu.dma_semaphore, #tpu.memory_space<semaphore_mem>>)
      %dma_wait3A_729 = arith.constant 0 : i32
      %dma_wait3A_730 = arith.constant 0 : i32
      %dma_wait3A_731 = tpu.memref_slice %arg8[%dma_wait3A_729, %dma_wait3A_730] : memref<10240x128xf32, #tpu.memory_space<vmem_shared>> -> memref<10240x128xf32, #tpu.memory_space<vmem_shared>>
      tpu.wait_indirect_dma semaphore(%arg28 : memref<!tpu.dma_semaphore, #tpu.memory_space<semaphore_mem>>) src(%arg13 : memref<40x128xf32, #tpu.memory_space<vmem>>) dst(%dma_wait3A_731 : memref<10240x128xf32, #tpu.memory_space<vmem_shared>>)
      %add3A_732 = arith.constant 5 : i32
      %add3A_733 = arith.addi %mul3A_473, %add3A_732 : i32
      %add3A_734 = arith.constant 4 : i32
      %add3A_735 = arith.addi %add3A_733, %add3A_734 : i32
      %mul3A_736 = arith.constant 40 : i32
      %mul3A_737 = arith.muli %add3A_735, %mul3A_736 : i32
      %add3A_738 = arith.constant 0 : i32
      %add3A_739 = arith.addi %mul3A_737, %add3A_738 : i32
      %get3A_740 = arith.index_cast %add3A_739 : i32 to index
      %get3A_741 = tpu.vector_load %arg7[%get3A_740] {strides = array<i32>} : memref<10000xi32, #tpu.memory_space<vmem>>, vector<16xi32>,
      %get3A_742 = vector.shape_cast %get3A_741 : vector<16xi32> to vector<16xi32>
      %swap3A_743 = arith.constant 0 : index
      %swap3A_744 = tpu.vector_load %arg18[%swap3A_743] {strides = array<i32>} : memref<40xi32, #tpu.memory_space<vmem>>, vector<16xi32>,
      %swap3A_745 = vector.shape_cast %swap3A_744 : vector<16xi32> to vector<16xi32>
      %swap3A_746 = vector.shape_cast %get3A_742 : vector<16xi32> to vector<16xi32>
      tpu.vector_store %arg18[%swap3A_743], %swap3A_746 {strides = array<i32>} : memref<40xi32, #tpu.memory_space<vmem>>, vector<16xi32>,
      %mul3A_747 = arith.constant 40 : i32
      %mul3A_748 = arith.muli %add3A_735, %mul3A_747 : i32
      %add3A_749 = arith.constant 16 : i32
      %add3A_750 = arith.addi %mul3A_748, %add3A_749 : i32
      %get3A_751 = arith.index_cast %add3A_750 : i32 to index
      %get3A_752 = tpu.vector_load %arg7[%get3A_751] {strides = array<i32>} : memref<10000xi32, #tpu.memory_space<vmem>>, vector<16xi32>,
      %get3A_753 = vector.shape_cast %get3A_752 : vector<16xi32> to vector<16xi32>
      %swap3A_754 = arith.constant 16 : index
      %swap3A_755 = tpu.vector_load %arg18[%swap3A_754] {strides = array<i32>} : memref<40xi32, #tpu.memory_space<vmem>>, vector<16xi32>,
      %swap3A_756 = vector.shape_cast %swap3A_755 : vector<16xi32> to vector<16xi32>
      %swap3A_757 = vector.shape_cast %get3A_753 : vector<16xi32> to vector<16xi32>
      tpu.vector_store %arg18[%swap3A_754], %swap3A_757 {strides = array<i32>} : memref<40xi32, #tpu.memory_space<vmem>>, vector<16xi32>,
      %mul3A_758 = arith.constant 40 : i32
      %mul3A_759 = arith.muli %add3A_735, %mul3A_758 : i32
      %add3A_760 = arith.constant 24 : i32
      %add3A_761 = arith.addi %mul3A_759, %add3A_760 : i32
      %get3A_762 = arith.index_cast %add3A_761 : i32 to index
      %get3A_763 = tpu.vector_load %arg7[%get3A_762] {strides = array<i32>} : memref<10000xi32, #tpu.memory_space<vmem>>, vector<16xi32>,
      %get3A_764 = vector.shape_cast %get3A_763 : vector<16xi32> to vector<16xi32>
      %swap3A_765 = arith.constant 24 : index
      %swap3A_766 = tpu.vector_load %arg18[%swap3A_765] {strides = array<i32>} : memref<40xi32, #tpu.memory_space<vmem>>, vector<16xi32>,
      %swap3A_767 = vector.shape_cast %swap3A_766 : vector<16xi32> to vector<16xi32>
      %swap3A_768 = vector.shape_cast %get3A_764 : vector<16xi32> to vector<16xi32>
      tpu.vector_store %arg18[%swap3A_765], %swap3A_768 {strides = array<i32>} : memref<40xi32, #tpu.memory_space<vmem>>, vector<16xi32>,
      %add3A_769 = arith.constant 5 : i32
      %add3A_770 = arith.addi %mul3A_473, %add3A_769 : i32
      %add3A_771 = arith.constant 4 : i32
      %add3A_772 = arith.addi %add3A_770, %add3A_771 : i32
      %mul3A_773 = arith.constant 40 : i32
      %mul3A_774 = arith.muli %add3A_772, %mul3A_773 : i32
      %dma_start3A_775 = tpu.memref_slice %arg6[%mul3A_774] : memref<10000xi32, #tpu.memory_space<vmem>> -> memref<40xi32, #tpu.memory_space<vmem>>
      %dma_start3A_776 = arith.constant 0 : i32
      %dma_start3A_777 = arith.constant 0 : i32
      %dma_start3A_778 = tpu.memref_slice %arg2[%dma_start3A_776, %dma_start3A_777] : memref<10000x128xf32, #tpu.memory_space<hbm>> -> memref<10000x128xf32, #tpu.memory_space<hbm>>
      tpu.enqueue_indirect_dma source(%dma_start3A_778 : memref<10000x128xf32, #tpu.memory_space<hbm>>) target(%arg13 : memref<40x128xf32, #tpu.memory_space<vmem>>) offsets(%dma_start3A_775 : memref<40xi32, #tpu.memory_space<vmem>>) semaphore(%arg23 : memref<!tpu.dma_semaphore, #tpu.memory_space<semaphore_mem>>)
    }
    %scan3A_410 = arith.constant 49 : i32
    %dma_wait3A_411 = arith.constant 9800 : i32
    %dma_wait3A_412 = tpu.memref_slice %arg6[%dma_wait3A_411] : memref<10000xi32, #tpu.memory_space<vmem>> -> memref<40xi32, #tpu.memory_space<vmem>>
    %dma_wait3A_413 = arith.constant 0 : i32
    %dma_wait3A_414 = arith.constant 0 : i32
    %dma_wait3A_415 = tpu.memref_slice %arg2[%dma_wait3A_413, %dma_wait3A_414] : memref<10000x128xf32, #tpu.memory_space<hbm>> -> memref<10000x128xf32, #tpu.memory_space<hbm>>
    tpu.wait_indirect_dma semaphore(%arg19 : memref<!tpu.dma_semaphore, #tpu.memory_space<semaphore_mem>>) src(%dma_wait3A_415 : memref<10000x128xf32, #tpu.memory_space<hbm>>) dst(%arg9 : memref<40x128xf32, #tpu.memory_space<vmem>>)
    %dma_start3A_416 = arith.constant 0 : i32
    %dma_start3A_417 = arith.constant 0 : i32
    %dma_start3A_418 = tpu.memref_slice %arg8[%dma_start3A_416, %dma_start3A_417] : memref<10240x128xf32, #tpu.memory_space<vmem_shared>> -> memref<10240x128xf32, #tpu.memory_space<vmem_shared>>
    tpu.enqueue_indirect_dma source(%arg9 : memref<40x128xf32, #tpu.memory_space<vmem>>) target(%dma_start3A_418 : memref<10240x128xf32, #tpu.memory_space<vmem_shared>>) offsets(%arg14 : memref<40xi32, #tpu.memory_space<vmem>>) semaphore(%arg24 : memref<!tpu.dma_semaphore, #tpu.memory_space<semaphore_mem>>) {add = true}
    %dma_wait3A_419 = arith.constant 9840 : i32
    %dma_wait3A_420 = tpu.memref_slice %arg6[%dma_wait3A_419] : memref<10000xi32, #tpu.memory_space<vmem>> -> memref<40xi32, #tpu.memory_space<vmem>>
    %dma_wait3A_421 = arith.constant 0 : i32
    %dma_wait3A_422 = arith.constant 0 : i32
    %dma_wait3A_423 = tpu.memref_slice %arg2[%dma_wait3A_421, %dma_wait3A_422] : memref<10000x128xf32, #tpu.memory_space<hbm>> -> memref<10000x128xf32, #tpu.memory_space<hbm>>
    tpu.wait_indirect_dma semaphore(%arg20 : memref<!tpu.dma_semaphore, #tpu.memory_space<semaphore_mem>>) src(%dma_wait3A_423 : memref<10000x128xf32, #tpu.memory_space<hbm>>) dst(%arg10 : memref<40x128xf32, #tpu.memory_space<vmem>>)
    %dma_start3A_424 = arith.constant 0 : i32
    %dma_start3A_425 = arith.constant 0 : i32
    %dma_start3A_426 = tpu.memref_slice %arg8[%dma_start3A_424, %dma_start3A_425] : memref<10240x128xf32, #tpu.memory_space<vmem_shared>> -> memref<10240x128xf32, #tpu.memory_space<vmem_shared>>
    tpu.enqueue_indirect_dma source(%arg10 : memref<40x128xf32, #tpu.memory_space<vmem>>) target(%dma_start3A_426 : memref<10240x128xf32, #tpu.memory_space<vmem_shared>>) offsets(%arg15 : memref<40xi32, #tpu.memory_space<vmem>>) semaphore(%arg25 : memref<!tpu.dma_semaphore, #tpu.memory_space<semaphore_mem>>) {add = true}
    %dma_wait3A_427 = arith.constant 9880 : i32
    %dma_wait3A_428 = tpu.memref_slice %arg6[%dma_wait3A_427] : memref<10000xi32, #tpu.memory_space<vmem>> -> memref<40xi32, #tpu.memory_space<vmem>>
    %dma_wait3A_429 = arith.constant 0 : i32
    %dma_wait3A_430 = arith.constant 0 : i32
    %dma_wait3A_431 = tpu.memref_slice %arg2[%dma_wait3A_429, %dma_wait3A_430] : memref<10000x128xf32, #tpu.memory_space<hbm>> -> memref<10000x128xf32, #tpu.memory_space<hbm>>
    tpu.wait_indirect_dma semaphore(%arg21 : memref<!tpu.dma_semaphore, #tpu.memory_space<semaphore_mem>>) src(%dma_wait3A_431 : memref<10000x128xf32, #tpu.memory_space<hbm>>) dst(%arg11 : memref<40x128xf32, #tpu.memory_space<vmem>>)
    %dma_start3A_432 = arith.constant 0 : i32
    %dma_start3A_433 = arith.constant 0 : i32
    %dma_start3A_434 = tpu.memref_slice %arg8[%dma_start3A_432, %dma_start3A_433] : memref<10240x128xf32, #tpu.memory_space<vmem_shared>> -> memref<10240x128xf32, #tpu.memory_space<vmem_shared>>
    tpu.enqueue_indirect_dma source(%arg11 : memref<40x128xf32, #tpu.memory_space<vmem>>) target(%dma_start3A_434 : memref<10240x128xf32, #tpu.memory_space<vmem_shared>>) offsets(%arg16 : memref<40xi32, #tpu.memory_space<vmem>>) semaphore(%arg26 : memref<!tpu.dma_semaphore, #tpu.memory_space<semaphore_mem>>) {add = true}
    %dma_wait3A_435 = arith.constant 9920 : i32
    %dma_wait3A_436 = tpu.memref_slice %arg6[%dma_wait3A_435] : memref<10000xi32, #tpu.memory_space<vmem>> -> memref<40xi32, #tpu.memory_space<vmem>>
    %dma_wait3A_437 = arith.constant 0 : i32
    %dma_wait3A_438 = arith.constant 0 : i32
    %dma_wait3A_439 = tpu.memref_slice %arg2[%dma_wait3A_437, %dma_wait3A_438] : memref<10000x128xf32, #tpu.memory_space<hbm>> -> memref<10000x128xf32, #tpu.memory_space<hbm>>
    tpu.wait_indirect_dma semaphore(%arg22 : memref<!tpu.dma_semaphore, #tpu.memory_space<semaphore_mem>>) src(%dma_wait3A_439 : memref<10000x128xf32, #tpu.memory_space<hbm>>) dst(%arg12 : memref<40x128xf32, #tpu.memory_space<vmem>>)
    %dma_start3A_440 = arith.constant 0 : i32
    %dma_start3A_441 = arith.constant 0 : i32
    %dma_start3A_442 = tpu.memref_slice %arg8[%dma_start3A_440, %dma_start3A_441] : memref<10240x128xf32, #tpu.memory_space<vmem_shared>> -> memref<10240x128xf32, #tpu.memory_space<vmem_shared>>
    tpu.enqueue_indirect_dma source(%arg12 : memref<40x128xf32, #tpu.memory_space<vmem>>) target(%dma_start3A_442 : memref<10240x128xf32, #tpu.memory_space<vmem_shared>>) offsets(%arg17 : memref<40xi32, #tpu.memory_space<vmem>>) semaphore(%arg27 : memref<!tpu.dma_semaphore, #tpu.memory_space<semaphore_mem>>) {add = true}
    %dma_wait3A_443 = arith.constant 9960 : i32
    %dma_wait3A_444 = tpu.memref_slice %arg6[%dma_wait3A_443] : memref<10000xi32, #tpu.memory_space<vmem>> -> memref<40xi32, #tpu.memory_space<vmem>>
    %dma_wait3A_445 = arith.constant 0 : i32
    %dma_wait3A_446 = arith.constant 0 : i32
    %dma_wait3A_447 = tpu.memref_slice %arg2[%dma_wait3A_445, %dma_wait3A_446] : memref<10000x128xf32, #tpu.memory_space<hbm>> -> memref<10000x128xf32, #tpu.memory_space<hbm>>
    tpu.wait_indirect_dma semaphore(%arg23 : memref<!tpu.dma_semaphore, #tpu.memory_space<semaphore_mem>>) src(%dma_wait3A_447 : memref<10000x128xf32, #tpu.memory_space<hbm>>) dst(%arg13 : memref<40x128xf32, #tpu.memory_space<vmem>>)
    %dma_start3A_448 = arith.constant 0 : i32
    %dma_start3A_449 = arith.constant 0 : i32
    %dma_start3A_450 = tpu.memref_slice %arg8[%dma_start3A_448, %dma_start3A_449] : memref<10240x128xf32, #tpu.memory_space<vmem_shared>> -> memref<10240x128xf32, #tpu.memory_space<vmem_shared>>
    tpu.enqueue_indirect_dma source(%arg13 : memref<40x128xf32, #tpu.memory_space<vmem>>) target(%dma_start3A_450 : memref<10240x128xf32, #tpu.memory_space<vmem_shared>>) offsets(%arg18 : memref<40xi32, #tpu.memory_space<vmem>>) semaphore(%arg28 : memref<!tpu.dma_semaphore, #tpu.memory_space<semaphore_mem>>) {add = true}
    %dma_wait3A_451 = arith.constant 0 : i32
    %dma_wait3A_452 = arith.constant 0 : i32
    %dma_wait3A_453 = tpu.memref_slice %arg8[%dma_wait3A_451, %dma_wait3A_452] : memref<10240x128xf32, #tpu.memory_space<vmem_shared>> -> memref<10240x128xf32, #tpu.memory_space<vmem_shared>>
    tpu.wait_indirect_dma semaphore(%arg24 : memref<!tpu.dma_semaphore, #tpu.memory_space<semaphore_mem>>) src(%arg9 : memref<40x128xf32, #tpu.memory_space<vmem>>) dst(%dma_wait3A_453 : memref<10240x128xf32, #tpu.memory_space<vmem_shared>>)
    %dma_wait3A_454 = arith.constant 0 : i32
    %dma_wait3A_455 = arith.constant 0 : i32
    %dma_wait3A_456 = tpu.memref_slice %arg8[%dma_wait3A_454, %dma_wait3A_455] : memref<10240x128xf32, #tpu.memory_space<vmem_shared>> -> memref<10240x128xf32, #tpu.memory_space<vmem_shared>>
    tpu.wait_indirect_dma semaphore(%arg25 : memref<!tpu.dma_semaphore, #tpu.memory_space<semaphore_mem>>) src(%arg10 : memref<40x128xf32, #tpu.memory_space<vmem>>) dst(%dma_wait3A_456 : memref<10240x128xf32, #tpu.memory_space<vmem_shared>>)
    %dma_wait3A_457 = arith.constant 0 : i32
    %dma_wait3A_458 = arith.constant 0 : i32
    %dma_wait3A_459 = tpu.memref_slice %arg8[%dma_wait3A_457, %dma_wait3A_458] : memref<10240x128xf32, #tpu.memory_space<vmem_shared>> -> memref<10240x128xf32, #tpu.memory_space<vmem_shared>>
    tpu.wait_indirect_dma semaphore(%arg26 : memref<!tpu.dma_semaphore, #tpu.memory_space<semaphore_mem>>) src(%arg11 : memref<40x128xf32, #tpu.memory_space<vmem>>) dst(%dma_wait3A_459 : memref<10240x128xf32, #tpu.memory_space<vmem_shared>>)
    %dma_wait3A_460 = arith.constant 0 : i32
    %dma_wait3A_461 = arith.constant 0 : i32
    %dma_wait3A_462 = tpu.memref_slice %arg8[%dma_wait3A_460, %dma_wait3A_461] : memref<10240x128xf32, #tpu.memory_space<vmem_shared>> -> memref<10240x128xf32, #tpu.memory_space<vmem_shared>>
    tpu.wait_indirect_dma semaphore(%arg27 : memref<!tpu.dma_semaphore, #tpu.memory_space<semaphore_mem>>) src(%arg12 : memref<40x128xf32, #tpu.memory_space<vmem>>) dst(%dma_wait3A_462 : memref<10240x128xf32, #tpu.memory_space<vmem_shared>>)
    %dma_wait3A_463 = arith.constant 0 : i32
    %dma_wait3A_464 = arith.constant 0 : i32
    %dma_wait3A_465 = tpu.memref_slice %arg8[%dma_wait3A_463, %dma_wait3A_464] : memref<10240x128xf32, #tpu.memory_space<vmem_shared>> -> memref<10240x128xf32, #tpu.memory_space<vmem_shared>>
    tpu.wait_indirect_dma semaphore(%arg28 : memref<!tpu.dma_semaphore, #tpu.memory_space<semaphore_mem>>) src(%arg13 : memref<40x128xf32, #tpu.memory_space<vmem>>) dst(%dma_wait3A_465 : memref<10240x128xf32, #tpu.memory_space<vmem_shared>>)
    %barrier3A_466 = arith.constant 0 : index
    tpu.barrier barrier_id(%barrier3A_466)
    %mul3A_467 = arith.constant 640 : i32
    %mul3A_468 = arith.muli %arg1, %mul3A_467 : i32
    %mul3A_469 = arith.constant 640 : i32
    %mul3A_470 = arith.muli %arg1, %mul3A_469 : i32
    "tpu.region"() ({
      %run_scoped3A = tpu.sem_alloc : memref<!tpu.dma_semaphore, #tpu.memory_space<semaphore_mem>>
      %dma_start3A_471 = arith.constant 0 : i32
      %dma_start3A_472 = arith.constant 0 : i32
      %dma_start3A_473 = tpu.memref_slice %arg5[%arg0, %dma_start3A_471, %dma_start3A_472] : memref<2x10240x128xf32, #tpu.memory_space<hbm>> -> memref<1x10240x128xf32, #tpu.memory_space<hbm>>
      %dma_start3A_474 = tpu.memref_squeeze %dma_start3A_473 : memref<1x10240x128xf32, #tpu.memory_space<hbm>> -> memref<10240x128xf32, #tpu.memory_space<hbm>>
      %dma_start3A_475 = arith.constant 0 : i32
      %dma_start3A_476 = tpu.memref_slice %dma_start3A_474[%mul3A_470, %dma_start3A_475] : memref<10240x128xf32, #tpu.memory_space<hbm>> -> memref<640x128xf32, #tpu.memory_space<hbm>>
      %dma_start3A_477 = arith.constant 0 : i32
      %dma_start3A_478 = tpu.memref_slice %arg8[%mul3A_468, %dma_start3A_477] : memref<10240x128xf32, #tpu.memory_space<vmem_shared>> -> memref<640x128xf32, #tpu.memory_space<vmem_shared>>
      tpu.enqueue_dma source(%dma_start3A_478 : memref<640x128xf32, #tpu.memory_space<vmem_shared>>) target(%dma_start3A_476 : memref<640x128xf32, #tpu.memory_space<hbm>>) target_semaphore(%run_scoped3A : memref<!tpu.dma_semaphore, #tpu.memory_space<semaphore_mem>>)
      %dma_wait3A_479 = arith.constant 0 : i32
      %dma_wait3A_480 = arith.constant 0 : i32
      %dma_wait3A_481 = tpu.memref_slice %arg5[%arg0, %dma_wait3A_479, %dma_wait3A_480] : memref<2x10240x128xf32, #tpu.memory_space<hbm>> -> memref<1x10240x128xf32, #tpu.memory_space<hbm>>
      %dma_wait3A_482 = tpu.memref_squeeze %dma_wait3A_481 : memref<1x10240x128xf32, #tpu.memory_space<hbm>> -> memref<10240x128xf32, #tpu.memory_space<hbm>>
      %dma_wait3A_483 = arith.constant 0 : i32
      %dma_wait3A_484 = tpu.memref_slice %dma_wait3A_482[%mul3A_470, %dma_wait3A_483] : memref<10240x128xf32, #tpu.memory_space<hbm>> -> memref<640x128xf32, #tpu.memory_space<hbm>>
      %dma_wait3A_485 = arith.constant 0 : i32
      %dma_wait3A_486 = tpu.memref_slice %arg8[%mul3A_468, %dma_wait3A_485] : memref<10240x128xf32, #tpu.memory_space<vmem_shared>> -> memref<640x128xf32, #tpu.memory_space<vmem_shared>>
      tpu.wait_dma2 semaphore(%run_scoped3A : memref<!tpu.dma_semaphore, #tpu.memory_space<semaphore_mem>>) src(%dma_wait3A_486 : memref<640x128xf32, #tpu.memory_space<vmem_shared>>) dst(%dma_wait3A_484 : memref<640x128xf32, #tpu.memory_space<hbm>>)
      tpu.yield
    }) : () -> ()
    return
  }
}

#map = affine_map<(d0, d1) -> (0, 0)>
#map1 = affine_map<(d0, d1) -> (0)>
#map2 = affine_map<(d0, d1) -> (0, 0, 0)>
module attributes {stable_mosaic.version = 14 : i64} {
  func.func @_segsum_body(%arg0: i32, %arg1: i32, %arg2: memref<10000x128xf32, #tpu.memory_space<hbm>>, %arg3: memref<320000xi32, #tpu.memory_space<hbm>>, %arg4: memref<320000xi32, #tpu.memory_space<hbm>>, %arg5: memref<2x10240x128xf32, #tpu.memory_space<hbm>>, %arg6: memref<10000xi32, #tpu.memory_space<vmem>>, %arg7: memref<10000xi32, #tpu.memory_space<vmem>>, %arg8: memref<10240x128xf32, #tpu.memory_space<vmem_shared>>, %arg9: memref<40x128xf32, #tpu.memory_space<vmem>>, %arg10: memref<40x128xf32, #tpu.memory_space<vmem>>, %arg11: memref<40x128xf32, #tpu.memory_space<vmem>>, %arg12: memref<40x128xf32, #tpu.memory_space<vmem>>, %arg13: memref<40x128xf32, #tpu.memory_space<vmem>>, %arg14: memref<40xi32, #tpu.memory_space<vmem>>, %arg15: memref<40xi32, #tpu.memory_space<vmem>>, %arg16: memref<40xi32, #tpu.memory_space<vmem>>, %arg17: memref<40xi32, #tpu.memory_space<vmem>>, %arg18: memref<40xi32, #tpu.memory_space<vmem>>, %arg19: memref<!tpu.dma_semaphore, #tpu.memory_space<semaphore_mem>>, %arg20: memref<!tpu.dma_semaphore, #tpu.memory_space<semaphore_mem>>, %arg21: memref<!tpu.dma_semaphore, #tpu.memory_space<semaphore_mem>>, %arg22: memref<!tpu.dma_semaphore, #tpu.memory_space<semaphore_mem>>, %arg23: memref<!tpu.dma_semaphore, #tpu.memory_space<semaphore_mem>>, %arg24: memref<!tpu.dma_semaphore, #tpu.memory_space<semaphore_mem>>, %arg25: memref<!tpu.dma_semaphore, #tpu.memory_space<semaphore_mem>>, %arg26: memref<!tpu.dma_semaphore, #tpu.memory_space<semaphore_mem>>, %arg27: memref<!tpu.dma_semaphore, #tpu.memory_space<semaphore_mem>>, %arg28: memref<!tpu.dma_semaphore, #tpu.memory_space<semaphore_mem>>) attributes {dimension_semantics = [#tpu.dimension_semantics<core_parallel>, #tpu.dimension_semantics<subcore_parallel>], iteration_bounds = array<i64: 2, 16>, scalar_prefetch = 0 : i64, scratch_operands = 23 : i64, tpu.core_type = #tpu.core_type<sc_vector_subcore>, window_params = [{transform_indices = #map}, {transform_indices = #map1}, {transform_indices = #map1}, {transform_indices = #map2}]} {
    %mul3A = arith.constant 16 : i32
    %mul3A_0 = arith.muli %arg0, %mul3A : i32
    %add3A = arith.addi %mul3A_0, %arg1 : i32
    %mul3A_1 = arith.constant 10000 : i32
    %mul3A_2 = arith.muli %add3A, %mul3A_1 : i32
    %dma_start3A = tpu.memref_slice %arg3[%mul3A_2] : memref<320000xi32, #tpu.memory_space<hbm>> -> memref<10000xi32, #tpu.memory_space<hbm>>
    %dma_start3A_3 = tpu.memref_slice %arg3[%mul3A_2] : memref<320000xi32, #tpu.memory_space<hbm>> -> memref<10000xi32, #tpu.memory_space<hbm>>
    tpu.enqueue_dma source(%dma_start3A_3 : memref<10000xi32, #tpu.memory_space<hbm>>) target(%arg6 : memref<10000xi32, #tpu.memory_space<vmem>>) target_semaphore(%arg19 : memref<!tpu.dma_semaphore, #tpu.memory_space<semaphore_mem>>)
    %mul3A_4 = arith.constant 10000 : i32
    %mul3A_5 = arith.muli %add3A, %mul3A_4 : i32
    %dma_start3A_6 = tpu.memref_slice %arg4[%mul3A_5] : memref<320000xi32, #tpu.memory_space<hbm>> -> memref<10000xi32, #tpu.memory_space<hbm>>
    %dma_start3A_7 = tpu.memref_slice %arg4[%mul3A_5] : memref<320000xi32, #tpu.memory_space<hbm>> -> memref<10000xi32, #tpu.memory_space<hbm>>
    tpu.enqueue_dma source(%dma_start3A_7 : memref<10000xi32, #tpu.memory_space<hbm>>) target(%arg7 : memref<10000xi32, #tpu.memory_space<vmem>>) target_semaphore(%arg20 : memref<!tpu.dma_semaphore, #tpu.memory_space<semaphore_mem>>)
    %broadcast_in_dim3A = arith.constant 0.000000e+00 : f32
    %broadcast_in_dim3A_8 = vector.broadcast %broadcast_in_dim3A : f32 to vector<16xf32>
    %scan3A = arith.constant 0 : i32
    %scan3A_9 = arith.constant 0 : i32
    %scan3A_10 = arith.constant 40 : i32
    %scan3A_11 = arith.addi %scan3A_9, %scan3A_10 : i32
    %scan3A_12 = arith.constant 1 : i32
    scf.for %scan3A_471 = %scan3A_9 to %scan3A_11 step %scan3A_12  : i32 {
      %swap3A_472 = arith.index_cast %scan3A_471 : i32 to index
      %swap3A_473 = arith.constant 0 : index
      %swap3A_474 = tpu.vector_load %arg9[%swap3A_472, %swap3A_473] {strides = array<i32>} : memref<40x128xf32, #tpu.memory_space<vmem>>, vector<1x16xf32>,
      %swap3A_475 = vector.shape_cast %swap3A_474 : vector<1x16xf32> to vector<16xf32>
      %swap3A_476 = vector.shape_cast %broadcast_in_dim3A_8 : vector<16xf32> to vector<1x16xf32>
      tpu.vector_store %arg9[%swap3A_472, %swap3A_473], %swap3A_476 {strides = array<i32>} : memref<40x128xf32, #tpu.memory_space<vmem>>, vector<1x16xf32>,
      %swap3A_477 = arith.index_cast %scan3A_471 : i32 to index
      %swap3A_478 = arith.constant 16 : index
      %swap3A_479 = tpu.vector_load %arg9[%swap3A_477, %swap3A_478] {strides = array<i32>} : memref<40x128xf32, #tpu.memory_space<vmem>>, vector<1x16xf32>,
      %swap3A_480 = vector.shape_cast %swap3A_479 : vector<1x16xf32> to vector<16xf32>
      %swap3A_481 = vector.shape_cast %broadcast_in_dim3A_8 : vector<16xf32> to vector<1x16xf32>
      tpu.vector_store %arg9[%swap3A_477, %swap3A_478], %swap3A_481 {strides = array<i32>} : memref<40x128xf32, #tpu.memory_space<vmem>>, vector<1x16xf32>,
      %swap3A_482 = arith.index_cast %scan3A_471 : i32 to index
      %swap3A_483 = arith.constant 32 : index
      %swap3A_484 = tpu.vector_load %arg9[%swap3A_482, %swap3A_483] {strides = array<i32>} : memref<40x128xf32, #tpu.memory_space<vmem>>, vector<1x16xf32>,
      %swap3A_485 = vector.shape_cast %swap3A_484 : vector<1x16xf32> to vector<16xf32>
      %swap3A_486 = vector.shape_cast %broadcast_in_dim3A_8 : vector<16xf32> to vector<1x16xf32>
      tpu.vector_store %arg9[%swap3A_482, %swap3A_483], %swap3A_486 {strides = array<i32>} : memref<40x128xf32, #tpu.memory_space<vmem>>, vector<1x16xf32>,
      %swap3A_487 = arith.index_cast %scan3A_471 : i32 to index
      %swap3A_488 = arith.constant 48 : index
      %swap3A_489 = tpu.vector_load %arg9[%swap3A_487, %swap3A_488] {strides = array<i32>} : memref<40x128xf32, #tpu.memory_space<vmem>>, vector<1x16xf32>,
      %swap3A_490 = vector.shape_cast %swap3A_489 : vector<1x16xf32> to vector<16xf32>
      %swap3A_491 = vector.shape_cast %broadcast_in_dim3A_8 : vector<16xf32> to vector<1x16xf32>
      tpu.vector_store %arg9[%swap3A_487, %swap3A_488], %swap3A_491 {strides = array<i32>} : memref<40x128xf32, #tpu.memory_space<vmem>>, vector<1x16xf32>,
      %swap3A_492 = arith.index_cast %scan3A_471 : i32 to index
      %swap3A_493 = arith.constant 64 : index
      %swap3A_494 = tpu.vector_load %arg9[%swap3A_492, %swap3A_493] {strides = array<i32>} : memref<40x128xf32, #tpu.memory_space<vmem>>, vector<1x16xf32>,
      %swap3A_495 = vector.shape_cast %swap3A_494 : vector<1x16xf32> to vector<16xf32>
      %swap3A_496 = vector.shape_cast %broadcast_in_dim3A_8 : vector<16xf32> to vector<1x16xf32>
      tpu.vector_store %arg9[%swap3A_492, %swap3A_493], %swap3A_496 {strides = array<i32>} : memref<40x128xf32, #tpu.memory_space<vmem>>, vector<1x16xf32>,
      %swap3A_497 = arith.index_cast %scan3A_471 : i32 to index
      %swap3A_498 = arith.constant 80 : index
      %swap3A_499 = tpu.vector_load %arg9[%swap3A_497, %swap3A_498] {strides = array<i32>} : memref<40x128xf32, #tpu.memory_space<vmem>>, vector<1x16xf32>,
      %swap3A_500 = vector.shape_cast %swap3A_499 : vector<1x16xf32> to vector<16xf32>
      %swap3A_501 = vector.shape_cast %broadcast_in_dim3A_8 : vector<16xf32> to vector<1x16xf32>
      tpu.vector_store %arg9[%swap3A_497, %swap3A_498], %swap3A_501 {strides = array<i32>} : memref<40x128xf32, #tpu.memory_space<vmem>>, vector<1x16xf32>,
      %swap3A_502 = arith.index_cast %scan3A_471 : i32 to index
      %swap3A_503 = arith.constant 96 : index
      %swap3A_504 = tpu.vector_load %arg9[%swap3A_502, %swap3A_503] {strides = array<i32>} : memref<40x128xf32, #tpu.memory_space<vmem>>, vector<1x16xf32>,
      %swap3A_505 = vector.shape_cast %swap3A_504 : vector<1x16xf32> to vector<16xf32>
      %swap3A_506 = vector.shape_cast %broadcast_in_dim3A_8 : vector<16xf32> to vector<1x16xf32>
      tpu.vector_store %arg9[%swap3A_502, %swap3A_503], %swap3A_506 {strides = array<i32>} : memref<40x128xf32, #tpu.memory_space<vmem>>, vector<1x16xf32>,
      %swap3A_507 = arith.index_cast %scan3A_471 : i32 to index
      %swap3A_508 = arith.constant 112 : index
      %swap3A_509 = tpu.vector_load %arg9[%swap3A_507, %swap3A_508] {strides = array<i32>} : memref<40x128xf32, #tpu.memory_space<vmem>>, vector<1x16xf32>,
      %swap3A_510 = vector.shape_cast %swap3A_509 : vector<1x16xf32> to vector<16xf32>
      %swap3A_511 = vector.shape_cast %broadcast_in_dim3A_8 : vector<16xf32> to vector<1x16xf32>
      tpu.vector_store %arg9[%swap3A_507, %swap3A_508], %swap3A_511 {strides = array<i32>} : memref<40x128xf32, #tpu.memory_space<vmem>>, vector<1x16xf32>,
    }
    %scan3A_13 = arith.constant 40 : i32
    %mul3A_14 = arith.constant 640 : i32
    %mul3A_15 = arith.muli %arg1, %mul3A_14 : i32
    %add3A_16 = arith.constant 0 : i32
    %add3A_17 = arith.addi %mul3A_15, %add3A_16 : i32
    %dma_start3A_18 = arith.constant 0 : i32
    %dma_start3A_19 = tpu.memref_slice %arg8[%add3A_17, %dma_start3A_18] : memref<10240x128xf32, #tpu.memory_space<vmem_shared>> -> memref<40x128xf32, #tpu.memory_space<vmem_shared>>
    %dma_start3A_20 = arith.constant 0 : i32
    %dma_start3A_21 = tpu.memref_slice %arg8[%add3A_17, %dma_start3A_20] : memref<10240x128xf32, #tpu.memory_space<vmem_shared>> -> memref<40x128xf32, #tpu.memory_space<vmem_shared>>
    tpu.enqueue_dma source(%arg9 : memref<40x128xf32, #tpu.memory_space<vmem>>) target(%dma_start3A_21 : memref<40x128xf32, #tpu.memory_space<vmem_shared>>) target_semaphore(%arg24 : memref<!tpu.dma_semaphore, #tpu.memory_space<semaphore_mem>>)
    %mul3A_22 = arith.constant 640 : i32
    %mul3A_23 = arith.muli %arg1, %mul3A_22 : i32
    %add3A_24 = arith.constant 40 : i32
    %add3A_25 = arith.addi %mul3A_23, %add3A_24 : i32
    %dma_start3A_26 = arith.constant 0 : i32
    %dma_start3A_27 = tpu.memref_slice %arg8[%add3A_25, %dma_start3A_26] : memref<10240x128xf32, #tpu.memory_space<vmem_shared>> -> memref<40x128xf32, #tpu.memory_space<vmem_shared>>
    %dma_start3A_28 = arith.constant 0 : i32
    %dma_start3A_29 = tpu.memref_slice %arg8[%add3A_25, %dma_start3A_28] : memref<10240x128xf32, #tpu.memory_space<vmem_shared>> -> memref<40x128xf32, #tpu.memory_space<vmem_shared>>
    tpu.enqueue_dma source(%arg9 : memref<40x128xf32, #tpu.memory_space<vmem>>) target(%dma_start3A_29 : memref<40x128xf32, #tpu.memory_space<vmem_shared>>) target_semaphore(%arg25 : memref<!tpu.dma_semaphore, #tpu.memory_space<semaphore_mem>>)
    %mul3A_30 = arith.constant 640 : i32
    %mul3A_31 = arith.muli %arg1, %mul3A_30 : i32
    %add3A_32 = arith.constant 80 : i32
    %add3A_33 = arith.addi %mul3A_31, %add3A_32 : i32
    %dma_start3A_34 = arith.constant 0 : i32
    %dma_start3A_35 = tpu.memref_slice %arg8[%add3A_33, %dma_start3A_34] : memref<10240x128xf32, #tpu.memory_space<vmem_shared>> -> memref<40x128xf32, #tpu.memory_space<vmem_shared>>
    %dma_start3A_36 = arith.constant 0 : i32
    %dma_start3A_37 = tpu.memref_slice %arg8[%add3A_33, %dma_start3A_36] : memref<10240x128xf32, #tpu.memory_space<vmem_shared>> -> memref<40x128xf32, #tpu.memory_space<vmem_shared>>
    tpu.enqueue_dma source(%arg9 : memref<40x128xf32, #tpu.memory_space<vmem>>) target(%dma_start3A_37 : memref<40x128xf32, #tpu.memory_space<vmem_shared>>) target_semaphore(%arg26 : memref<!tpu.dma_semaphore, #tpu.memory_space<semaphore_mem>>)
    %mul3A_38 = arith.constant 640 : i32
    %mul3A_39 = arith.muli %arg1, %mul3A_38 : i32
    %add3A_40 = arith.constant 120 : i32
    %add3A_41 = arith.addi %mul3A_39, %add3A_40 : i32
    %dma_start3A_42 = arith.constant 0 : i32
    %dma_start3A_43 = tpu.memref_slice %arg8[%add3A_41, %dma_start3A_42] : memref<10240x128xf32, #tpu.memory_space<vmem_shared>> -> memref<40x128xf32, #tpu.memory_space<vmem_shared>>
    %dma_start3A_44 = arith.constant 0 : i32
    %dma_start3A_45 = tpu.memref_slice %arg8[%add3A_41, %dma_start3A_44] : memref<10240x128xf32, #tpu.memory_space<vmem_shared>> -> memref<40x128xf32, #tpu.memory_space<vmem_shared>>
    tpu.enqueue_dma source(%arg9 : memref<40x128xf32, #tpu.memory_space<vmem>>) target(%dma_start3A_45 : memref<40x128xf32, #tpu.memory_space<vmem_shared>>) target_semaphore(%arg27 : memref<!tpu.dma_semaphore, #tpu.memory_space<semaphore_mem>>)
    %mul3A_46 = arith.constant 640 : i32
    %mul3A_47 = arith.muli %arg1, %mul3A_46 : i32
    %add3A_48 = arith.constant 160 : i32
    %add3A_49 = arith.addi %mul3A_47, %add3A_48 : i32
    %dma_start3A_50 = arith.constant 0 : i32
    %dma_start3A_51 = tpu.memref_slice %arg8[%add3A_49, %dma_start3A_50] : memref<10240x128xf32, #tpu.memory_space<vmem_shared>> -> memref<40x128xf32, #tpu.memory_space<vmem_shared>>
    %dma_start3A_52 = arith.constant 0 : i32
    %dma_start3A_53 = tpu.memref_slice %arg8[%add3A_49, %dma_start3A_52] : memref<10240x128xf32, #tpu.memory_space<vmem_shared>> -> memref<40x128xf32, #tpu.memory_space<vmem_shared>>
    tpu.enqueue_dma source(%arg9 : memref<40x128xf32, #tpu.memory_space<vmem>>) target(%dma_start3A_53 : memref<40x128xf32, #tpu.memory_space<vmem_shared>>) target_semaphore(%arg28 : memref<!tpu.dma_semaphore, #tpu.memory_space<semaphore_mem>>)
    %mul3A_54 = arith.constant 640 : i32
    %mul3A_55 = arith.muli %arg1, %mul3A_54 : i32
    %add3A_56 = arith.constant 200 : i32
    %add3A_57 = arith.addi %mul3A_55, %add3A_56 : i32
    %dma_start3A_58 = arith.constant 0 : i32
    %dma_start3A_59 = tpu.memref_slice %arg8[%add3A_57, %dma_start3A_58] : memref<10240x128xf32, #tpu.memory_space<vmem_shared>> -> memref<40x128xf32, #tpu.memory_space<vmem_shared>>
    %dma_start3A_60 = arith.constant 0 : i32
    %dma_start3A_61 = tpu.memref_slice %arg8[%add3A_57, %dma_start3A_60] : memref<10240x128xf32, #tpu.memory_space<vmem_shared>> -> memref<40x128xf32, #tpu.memory_space<vmem_shared>>
    tpu.enqueue_dma source(%arg9 : memref<40x128xf32, #tpu.memory_space<vmem>>) target(%dma_start3A_61 : memref<40x128xf32, #tpu.memory_space<vmem_shared>>) target_semaphore(%arg24 : memref<!tpu.dma_semaphore, #tpu.memory_space<semaphore_mem>>)
    %mul3A_62 = arith.constant 640 : i32
    %mul3A_63 = arith.muli %arg1, %mul3A_62 : i32
    %add3A_64 = arith.constant 240 : i32
    %add3A_65 = arith.addi %mul3A_63, %add3A_64 : i32
    %dma_start3A_66 = arith.constant 0 : i32
    %dma_start3A_67 = tpu.memref_slice %arg8[%add3A_65, %dma_start3A_66] : memref<10240x128xf32, #tpu.memory_space<vmem_shared>> -> memref<40x128xf32, #tpu.memory_space<vmem_shared>>
    %dma_start3A_68 = arith.constant 0 : i32
    %dma_start3A_69 = tpu.memref_slice %arg8[%add3A_65, %dma_start3A_68] : memref<10240x128xf32, #tpu.memory_space<vmem_shared>> -> memref<40x128xf32, #tpu.memory_space<vmem_shared>>
    tpu.enqueue_dma source(%arg9 : memref<40x128xf32, #tpu.memory_space<vmem>>) target(%dma_start3A_69 : memref<40x128xf32, #tpu.memory_space<vmem_shared>>) target_semaphore(%arg25 : memref<!tpu.dma_semaphore, #tpu.memory_space<semaphore_mem>>)
    %mul3A_70 = arith.constant 640 : i32
    %mul3A_71 = arith.muli %arg1, %mul3A_70 : i32
    %add3A_72 = arith.constant 280 : i32
    %add3A_73 = arith.addi %mul3A_71, %add3A_72 : i32
    %dma_start3A_74 = arith.constant 0 : i32
    %dma_start3A_75 = tpu.memref_slice %arg8[%add3A_73, %dma_start3A_74] : memref<10240x128xf32, #tpu.memory_space<vmem_shared>> -> memref<40x128xf32, #tpu.memory_space<vmem_shared>>
    %dma_start3A_76 = arith.constant 0 : i32
    %dma_start3A_77 = tpu.memref_slice %arg8[%add3A_73, %dma_start3A_76] : memref<10240x128xf32, #tpu.memory_space<vmem_shared>> -> memref<40x128xf32, #tpu.memory_space<vmem_shared>>
    tpu.enqueue_dma source(%arg9 : memref<40x128xf32, #tpu.memory_space<vmem>>) target(%dma_start3A_77 : memref<40x128xf32, #tpu.memory_space<vmem_shared>>) target_semaphore(%arg26 : memref<!tpu.dma_semaphore, #tpu.memory_space<semaphore_mem>>)
    %mul3A_78 = arith.constant 640 : i32
    %mul3A_79 = arith.muli %arg1, %mul3A_78 : i32
    %add3A_80 = arith.constant 320 : i32
    %add3A_81 = arith.addi %mul3A_79, %add3A_80 : i32
    %dma_start3A_82 = arith.constant 0 : i32
    %dma_start3A_83 = tpu.memref_slice %arg8[%add3A_81, %dma_start3A_82] : memref<10240x128xf32, #tpu.memory_space<vmem_shared>> -> memref<40x128xf32, #tpu.memory_space<vmem_shared>>
    %dma_start3A_84 = arith.constant 0 : i32
    %dma_start3A_85 = tpu.memref_slice %arg8[%add3A_81, %dma_start3A_84] : memref<10240x128xf32, #tpu.memory_space<vmem_shared>> -> memref<40x128xf32, #tpu.memory_space<vmem_shared>>
    tpu.enqueue_dma source(%arg9 : memref<40x128xf32, #tpu.memory_space<vmem>>) target(%dma_start3A_85 : memref<40x128xf32, #tpu.memory_space<vmem_shared>>) target_semaphore(%arg27 : memref<!tpu.dma_semaphore, #tpu.memory_space<semaphore_mem>>)
    %mul3A_86 = arith.constant 640 : i32
    %mul3A_87 = arith.muli %arg1, %mul3A_86 : i32
    %add3A_88 = arith.constant 360 : i32
    %add3A_89 = arith.addi %mul3A_87, %add3A_88 : i32
    %dma_start3A_90 = arith.constant 0 : i32
    %dma_start3A_91 = tpu.memref_slice %arg8[%add3A_89, %dma_start3A_90] : memref<10240x128xf32, #tpu.memory_space<vmem_shared>> -> memref<40x128xf32, #tpu.memory_space<vmem_shared>>
    %dma_start3A_92 = arith.constant 0 : i32
    %dma_start3A_93 = tpu.memref_slice %arg8[%add3A_89, %dma_start3A_92] : memref<10240x128xf32, #tpu.memory_space<vmem_shared>> -> memref<40x128xf32, #tpu.memory_space<vmem_shared>>
    tpu.enqueue_dma source(%arg9 : memref<40x128xf32, #tpu.memory_space<vmem>>) target(%dma_start3A_93 : memref<40x128xf32, #tpu.memory_space<vmem_shared>>) target_semaphore(%arg28 : memref<!tpu.dma_semaphore, #tpu.memory_space<semaphore_mem>>)
    %mul3A_94 = arith.constant 640 : i32
    %mul3A_95 = arith.muli %arg1, %mul3A_94 : i32
    %add3A_96 = arith.constant 400 : i32
    %add3A_97 = arith.addi %mul3A_95, %add3A_96 : i32
    %dma_start3A_98 = arith.constant 0 : i32
    %dma_start3A_99 = tpu.memref_slice %arg8[%add3A_97, %dma_start3A_98] : memref<10240x128xf32, #tpu.memory_space<vmem_shared>> -> memref<40x128xf32, #tpu.memory_space<vmem_shared>>
    %dma_start3A_100 = arith.constant 0 : i32
    %dma_start3A_101 = tpu.memref_slice %arg8[%add3A_97, %dma_start3A_100] : memref<10240x128xf32, #tpu.memory_space<vmem_shared>> -> memref<40x128xf32, #tpu.memory_space<vmem_shared>>
    tpu.enqueue_dma source(%arg9 : memref<40x128xf32, #tpu.memory_space<vmem>>) target(%dma_start3A_101 : memref<40x128xf32, #tpu.memory_space<vmem_shared>>) target_semaphore(%arg24 : memref<!tpu.dma_semaphore, #tpu.memory_space<semaphore_mem>>)
    %mul3A_102 = arith.constant 640 : i32
    %mul3A_103 = arith.muli %arg1, %mul3A_102 : i32
    %add3A_104 = arith.constant 440 : i32
    %add3A_105 = arith.addi %mul3A_103, %add3A_104 : i32
    %dma_start3A_106 = arith.constant 0 : i32
    %dma_start3A_107 = tpu.memref_slice %arg8[%add3A_105, %dma_start3A_106] : memref<10240x128xf32, #tpu.memory_space<vmem_shared>> -> memref<40x128xf32, #tpu.memory_space<vmem_shared>>
    %dma_start3A_108 = arith.constant 0 : i32
    %dma_start3A_109 = tpu.memref_slice %arg8[%add3A_105, %dma_start3A_108] : memref<10240x128xf32, #tpu.memory_space<vmem_shared>> -> memref<40x128xf32, #tpu.memory_space<vmem_shared>>
    tpu.enqueue_dma source(%arg9 : memref<40x128xf32, #tpu.memory_space<vmem>>) target(%dma_start3A_109 : memref<40x128xf32, #tpu.memory_space<vmem_shared>>) target_semaphore(%arg25 : memref<!tpu.dma_semaphore, #tpu.memory_space<semaphore_mem>>)
    %mul3A_110 = arith.constant 640 : i32
    %mul3A_111 = arith.muli %arg1, %mul3A_110 : i32
    %add3A_112 = arith.constant 480 : i32
    %add3A_113 = arith.addi %mul3A_111, %add3A_112 : i32
    %dma_start3A_114 = arith.constant 0 : i32
    %dma_start3A_115 = tpu.memref_slice %arg8[%add3A_113, %dma_start3A_114] : memref<10240x128xf32, #tpu.memory_space<vmem_shared>> -> memref<40x128xf32, #tpu.memory_space<vmem_shared>>
    %dma_start3A_116 = arith.constant 0 : i32
    %dma_start3A_117 = tpu.memref_slice %arg8[%add3A_113, %dma_start3A_116] : memref<10240x128xf32, #tpu.memory_space<vmem_shared>> -> memref<40x128xf32, #tpu.memory_space<vmem_shared>>
    tpu.enqueue_dma source(%arg9 : memref<40x128xf32, #tpu.memory_space<vmem>>) target(%dma_start3A_117 : memref<40x128xf32, #tpu.memory_space<vmem_shared>>) target_semaphore(%arg26 : memref<!tpu.dma_semaphore, #tpu.memory_space<semaphore_mem>>)
    %mul3A_118 = arith.constant 640 : i32
    %mul3A_119 = arith.muli %arg1, %mul3A_118 : i32
    %add3A_120 = arith.constant 520 : i32
    %add3A_121 = arith.addi %mul3A_119, %add3A_120 : i32
    %dma_start3A_122 = arith.constant 0 : i32
    %dma_start3A_123 = tpu.memref_slice %arg8[%add3A_121, %dma_start3A_122] : memref<10240x128xf32, #tpu.memory_space<vmem_shared>> -> memref<40x128xf32, #tpu.memory_space<vmem_shared>>
    %dma_start3A_124 = arith.constant 0 : i32
    %dma_start3A_125 = tpu.memref_slice %arg8[%add3A_121, %dma_start3A_124] : memref<10240x128xf32, #tpu.memory_space<vmem_shared>> -> memref<40x128xf32, #tpu.memory_space<vmem_shared>>
    tpu.enqueue_dma source(%arg9 : memref<40x128xf32, #tpu.memory_space<vmem>>) target(%dma_start3A_125 : memref<40x128xf32, #tpu.memory_space<vmem_shared>>) target_semaphore(%arg27 : memref<!tpu.dma_semaphore, #tpu.memory_space<semaphore_mem>>)
    %mul3A_126 = arith.constant 640 : i32
    %mul3A_127 = arith.muli %arg1, %mul3A_126 : i32
    %add3A_128 = arith.constant 560 : i32
    %add3A_129 = arith.addi %mul3A_127, %add3A_128 : i32
    %dma_start3A_130 = arith.constant 0 : i32
    %dma_start3A_131 = tpu.memref_slice %arg8[%add3A_129, %dma_start3A_130] : memref<10240x128xf32, #tpu.memory_space<vmem_shared>> -> memref<40x128xf32, #tpu.memory_space<vmem_shared>>
    %dma_start3A_132 = arith.constant 0 : i32
    %dma_start3A_133 = tpu.memref_slice %arg8[%add3A_129, %dma_start3A_132] : memref<10240x128xf32, #tpu.memory_space<vmem_shared>> -> memref<40x128xf32, #tpu.memory_space<vmem_shared>>
    tpu.enqueue_dma source(%arg9 : memref<40x128xf32, #tpu.memory_space<vmem>>) target(%dma_start3A_133 : memref<40x128xf32, #tpu.memory_space<vmem_shared>>) target_semaphore(%arg28 : memref<!tpu.dma_semaphore, #tpu.memory_space<semaphore_mem>>)
    %mul3A_134 = arith.constant 640 : i32
    %mul3A_135 = arith.muli %arg1, %mul3A_134 : i32
    %add3A_136 = arith.constant 600 : i32
    %add3A_137 = arith.addi %mul3A_135, %add3A_136 : i32
    %dma_start3A_138 = arith.constant 0 : i32
    %dma_start3A_139 = tpu.memref_slice %arg8[%add3A_137, %dma_start3A_138] : memref<10240x128xf32, #tpu.memory_space<vmem_shared>> -> memref<40x128xf32, #tpu.memory_space<vmem_shared>>
    %dma_start3A_140 = arith.constant 0 : i32
    %dma_start3A_141 = tpu.memref_slice %arg8[%add3A_137, %dma_start3A_140] : memref<10240x128xf32, #tpu.memory_space<vmem_shared>> -> memref<40x128xf32, #tpu.memory_space<vmem_shared>>
    tpu.enqueue_dma source(%arg9 : memref<40x128xf32, #tpu.memory_space<vmem>>) target(%dma_start3A_141 : memref<40x128xf32, #tpu.memory_space<vmem_shared>>) target_semaphore(%arg24 : memref<!tpu.dma_semaphore, #tpu.memory_space<semaphore_mem>>)
    %mul3A_142 = arith.constant 10000 : i32
    %mul3A_143 = arith.muli %add3A, %mul3A_142 : i32
    %dma_wait3A = tpu.memref_slice %arg3[%mul3A_143] : memref<320000xi32, #tpu.memory_space<hbm>> -> memref<10000xi32, #tpu.memory_space<hbm>>
    %dma_wait3A_144 = tpu.memref_slice %arg3[%mul3A_143] : memref<320000xi32, #tpu.memory_space<hbm>> -> memref<10000xi32, #tpu.memory_space<hbm>>
    tpu.wait_dma2 semaphore(%arg19 : memref<!tpu.dma_semaphore, #tpu.memory_space<semaphore_mem>>) src(%dma_wait3A_144 : memref<10000xi32, #tpu.memory_space<hbm>>) dst(%arg6 : memref<10000xi32, #tpu.memory_space<vmem>>)
    %mul3A_145 = arith.constant 10000 : i32
    %mul3A_146 = arith.muli %add3A, %mul3A_145 : i32
    %dma_wait3A_147 = tpu.memref_slice %arg4[%mul3A_146] : memref<320000xi32, #tpu.memory_space<hbm>> -> memref<10000xi32, #tpu.memory_space<hbm>>
    %dma_wait3A_148 = tpu.memref_slice %arg4[%mul3A_146] : memref<320000xi32, #tpu.memory_space<hbm>> -> memref<10000xi32, #tpu.memory_space<hbm>>
    tpu.wait_dma2 semaphore(%arg20 : memref<!tpu.dma_semaphore, #tpu.memory_space<semaphore_mem>>) src(%dma_wait3A_148 : memref<10000xi32, #tpu.memory_space<hbm>>) dst(%arg7 : memref<10000xi32, #tpu.memory_space<vmem>>)
    %mul3A_149 = arith.constant 640 : i32
    %mul3A_150 = arith.muli %arg1, %mul3A_149 : i32
    %add3A_151 = arith.constant 0 : i32
    %add3A_152 = arith.addi %mul3A_150, %add3A_151 : i32
    %dma_wait3A_153 = arith.constant 0 : i32
    %dma_wait3A_154 = tpu.memref_slice %arg8[%add3A_152, %dma_wait3A_153] : memref<10240x128xf32, #tpu.memory_space<vmem_shared>> -> memref<40x128xf32, #tpu.memory_space<vmem_shared>>
    %dma_wait3A_155 = arith.constant 0 : i32
    %dma_wait3A_156 = tpu.memref_slice %arg8[%add3A_152, %dma_wait3A_155] : memref<10240x128xf32, #tpu.memory_space<vmem_shared>> -> memref<40x128xf32, #tpu.memory_space<vmem_shared>>
    tpu.wait_dma2 semaphore(%arg24 : memref<!tpu.dma_semaphore, #tpu.memory_space<semaphore_mem>>) src(%arg9 : memref<40x128xf32, #tpu.memory_space<vmem>>) dst(%dma_wait3A_156 : memref<40x128xf32, #tpu.memory_space<vmem_shared>>)
    %mul3A_157 = arith.constant 640 : i32
    %mul3A_158 = arith.muli %arg1, %mul3A_157 : i32
    %add3A_159 = arith.constant 40 : i32
    %add3A_160 = arith.addi %mul3A_158, %add3A_159 : i32
    %dma_wait3A_161 = arith.constant 0 : i32
    %dma_wait3A_162 = tpu.memref_slice %arg8[%add3A_160, %dma_wait3A_161] : memref<10240x128xf32, #tpu.memory_space<vmem_shared>> -> memref<40x128xf32, #tpu.memory_space<vmem_shared>>
    %dma_wait3A_163 = arith.constant 0 : i32
    %dma_wait3A_164 = tpu.memref_slice %arg8[%add3A_160, %dma_wait3A_163] : memref<10240x128xf32, #tpu.memory_space<vmem_shared>> -> memref<40x128xf32, #tpu.memory_space<vmem_shared>>
    tpu.wait_dma2 semaphore(%arg25 : memref<!tpu.dma_semaphore, #tpu.memory_space<semaphore_mem>>) src(%arg9 : memref<40x128xf32, #tpu.memory_space<vmem>>) dst(%dma_wait3A_164 : memref<40x128xf32, #tpu.memory_space<vmem_shared>>)
    %mul3A_165 = arith.constant 640 : i32
    %mul3A_166 = arith.muli %arg1, %mul3A_165 : i32
    %add3A_167 = arith.constant 80 : i32
    %add3A_168 = arith.addi %mul3A_166, %add3A_167 : i32
    %dma_wait3A_169 = arith.constant 0 : i32
    %dma_wait3A_170 = tpu.memref_slice %arg8[%add3A_168, %dma_wait3A_169] : memref<10240x128xf32, #tpu.memory_space<vmem_shared>> -> memref<40x128xf32, #tpu.memory_space<vmem_shared>>
    %dma_wait3A_171 = arith.constant 0 : i32
    %dma_wait3A_172 = tpu.memref_slice %arg8[%add3A_168, %dma_wait3A_171] : memref<10240x128xf32, #tpu.memory_space<vmem_shared>> -> memref<40x128xf32, #tpu.memory_space<vmem_shared>>
    tpu.wait_dma2 semaphore(%arg26 : memref<!tpu.dma_semaphore, #tpu.memory_space<semaphore_mem>>) src(%arg9 : memref<40x128xf32, #tpu.memory_space<vmem>>) dst(%dma_wait3A_172 : memref<40x128xf32, #tpu.memory_space<vmem_shared>>)
    %mul3A_173 = arith.constant 640 : i32
    %mul3A_174 = arith.muli %arg1, %mul3A_173 : i32
    %add3A_175 = arith.constant 120 : i32
    %add3A_176 = arith.addi %mul3A_174, %add3A_175 : i32
    %dma_wait3A_177 = arith.constant 0 : i32
    %dma_wait3A_178 = tpu.memref_slice %arg8[%add3A_176, %dma_wait3A_177] : memref<10240x128xf32, #tpu.memory_space<vmem_shared>> -> memref<40x128xf32, #tpu.memory_space<vmem_shared>>
    %dma_wait3A_179 = arith.constant 0 : i32
    %dma_wait3A_180 = tpu.memref_slice %arg8[%add3A_176, %dma_wait3A_179] : memref<10240x128xf32, #tpu.memory_space<vmem_shared>> -> memref<40x128xf32, #tpu.memory_space<vmem_shared>>
    tpu.wait_dma2 semaphore(%arg27 : memref<!tpu.dma_semaphore, #tpu.memory_space<semaphore_mem>>) src(%arg9 : memref<40x128xf32, #tpu.memory_space<vmem>>) dst(%dma_wait3A_180 : memref<40x128xf32, #tpu.memory_space<vmem_shared>>)
    %mul3A_181 = arith.constant 640 : i32
    %mul3A_182 = arith.muli %arg1, %mul3A_181 : i32
    %add3A_183 = arith.constant 160 : i32
    %add3A_184 = arith.addi %mul3A_182, %add3A_183 : i32
    %dma_wait3A_185 = arith.constant 0 : i32
    %dma_wait3A_186 = tpu.memref_slice %arg8[%add3A_184, %dma_wait3A_185] : memref<10240x128xf32, #tpu.memory_space<vmem_shared>> -> memref<40x128xf32, #tpu.memory_space<vmem_shared>>
    %dma_wait3A_187 = arith.constant 0 : i32
    %dma_wait3A_188 = tpu.memref_slice %arg8[%add3A_184, %dma_wait3A_187] : memref<10240x128xf32, #tpu.memory_space<vmem_shared>> -> memref<40x128xf32, #tpu.memory_space<vmem_shared>>
    tpu.wait_dma2 semaphore(%arg28 : memref<!tpu.dma_semaphore, #tpu.memory_space<semaphore_mem>>) src(%arg9 : memref<40x128xf32, #tpu.memory_space<vmem>>) dst(%dma_wait3A_188 : memref<40x128xf32, #tpu.memory_space<vmem_shared>>)
    %mul3A_189 = arith.constant 640 : i32
    %mul3A_190 = arith.muli %arg1, %mul3A_189 : i32
    %add3A_191 = arith.constant 200 : i32
    %add3A_192 = arith.addi %mul3A_190, %add3A_191 : i32
    %dma_wait3A_193 = arith.constant 0 : i32
    %dma_wait3A_194 = tpu.memref_slice %arg8[%add3A_192, %dma_wait3A_193] : memref<10240x128xf32, #tpu.memory_space<vmem_shared>> -> memref<40x128xf32, #tpu.memory_space<vmem_shared>>
    %dma_wait3A_195 = arith.constant 0 : i32
    %dma_wait3A_196 = tpu.memref_slice %arg8[%add3A_192, %dma_wait3A_195] : memref<10240x128xf32, #tpu.memory_space<vmem_shared>> -> memref<40x128xf32, #tpu.memory_space<vmem_shared>>
    tpu.wait_dma2 semaphore(%arg24 : memref<!tpu.dma_semaphore, #tpu.memory_space<semaphore_mem>>) src(%arg9 : memref<40x128xf32, #tpu.memory_space<vmem>>) dst(%dma_wait3A_196 : memref<40x128xf32, #tpu.memory_space<vmem_shared>>)
    %mul3A_197 = arith.constant 640 : i32
    %mul3A_198 = arith.muli %arg1, %mul3A_197 : i32
    %add3A_199 = arith.constant 240 : i32
    %add3A_200 = arith.addi %mul3A_198, %add3A_199 : i32
    %dma_wait3A_201 = arith.constant 0 : i32
    %dma_wait3A_202 = tpu.memref_slice %arg8[%add3A_200, %dma_wait3A_201] : memref<10240x128xf32, #tpu.memory_space<vmem_shared>> -> memref<40x128xf32, #tpu.memory_space<vmem_shared>>
    %dma_wait3A_203 = arith.constant 0 : i32
    %dma_wait3A_204 = tpu.memref_slice %arg8[%add3A_200, %dma_wait3A_203] : memref<10240x128xf32, #tpu.memory_space<vmem_shared>> -> memref<40x128xf32, #tpu.memory_space<vmem_shared>>
    tpu.wait_dma2 semaphore(%arg25 : memref<!tpu.dma_semaphore, #tpu.memory_space<semaphore_mem>>) src(%arg9 : memref<40x128xf32, #tpu.memory_space<vmem>>) dst(%dma_wait3A_204 : memref<40x128xf32, #tpu.memory_space<vmem_shared>>)
    %mul3A_205 = arith.constant 640 : i32
    %mul3A_206 = arith.muli %arg1, %mul3A_205 : i32
    %add3A_207 = arith.constant 280 : i32
    %add3A_208 = arith.addi %mul3A_206, %add3A_207 : i32
    %dma_wait3A_209 = arith.constant 0 : i32
    %dma_wait3A_210 = tpu.memref_slice %arg8[%add3A_208, %dma_wait3A_209] : memref<10240x128xf32, #tpu.memory_space<vmem_shared>> -> memref<40x128xf32, #tpu.memory_space<vmem_shared>>
    %dma_wait3A_211 = arith.constant 0 : i32
    %dma_wait3A_212 = tpu.memref_slice %arg8[%add3A_208, %dma_wait3A_211] : memref<10240x128xf32, #tpu.memory_space<vmem_shared>> -> memref<40x128xf32, #tpu.memory_space<vmem_shared>>
    tpu.wait_dma2 semaphore(%arg26 : memref<!tpu.dma_semaphore, #tpu.memory_space<semaphore_mem>>) src(%arg9 : memref<40x128xf32, #tpu.memory_space<vmem>>) dst(%dma_wait3A_212 : memref<40x128xf32, #tpu.memory_space<vmem_shared>>)
    %mul3A_213 = arith.constant 640 : i32
    %mul3A_214 = arith.muli %arg1, %mul3A_213 : i32
    %add3A_215 = arith.constant 320 : i32
    %add3A_216 = arith.addi %mul3A_214, %add3A_215 : i32
    %dma_wait3A_217 = arith.constant 0 : i32
    %dma_wait3A_218 = tpu.memref_slice %arg8[%add3A_216, %dma_wait3A_217] : memref<10240x128xf32, #tpu.memory_space<vmem_shared>> -> memref<40x128xf32, #tpu.memory_space<vmem_shared>>
    %dma_wait3A_219 = arith.constant 0 : i32
    %dma_wait3A_220 = tpu.memref_slice %arg8[%add3A_216, %dma_wait3A_219] : memref<10240x128xf32, #tpu.memory_space<vmem_shared>> -> memref<40x128xf32, #tpu.memory_space<vmem_shared>>
    tpu.wait_dma2 semaphore(%arg27 : memref<!tpu.dma_semaphore, #tpu.memory_space<semaphore_mem>>) src(%arg9 : memref<40x128xf32, #tpu.memory_space<vmem>>) dst(%dma_wait3A_220 : memref<40x128xf32, #tpu.memory_space<vmem_shared>>)
    %mul3A_221 = arith.constant 640 : i32
    %mul3A_222 = arith.muli %arg1, %mul3A_221 : i32
    %add3A_223 = arith.constant 360 : i32
    %add3A_224 = arith.addi %mul3A_222, %add3A_223 : i32
    %dma_wait3A_225 = arith.constant 0 : i32
    %dma_wait3A_226 = tpu.memref_slice %arg8[%add3A_224, %dma_wait3A_225] : memref<10240x128xf32, #tpu.memory_space<vmem_shared>> -> memref<40x128xf32, #tpu.memory_space<vmem_shared>>
    %dma_wait3A_227 = arith.constant 0 : i32
    %dma_wait3A_228 = tpu.memref_slice %arg8[%add3A_224, %dma_wait3A_227] : memref<10240x128xf32, #tpu.memory_space<vmem_shared>> -> memref<40x128xf32, #tpu.memory_space<vmem_shared>>
    tpu.wait_dma2 semaphore(%arg28 : memref<!tpu.dma_semaphore, #tpu.memory_space<semaphore_mem>>) src(%arg9 : memref<40x128xf32, #tpu.memory_space<vmem>>) dst(%dma_wait3A_228 : memref<40x128xf32, #tpu.memory_space<vmem_shared>>)
    %mul3A_229 = arith.constant 640 : i32
    %mul3A_230 = arith.muli %arg1, %mul3A_229 : i32
    %add3A_231 = arith.constant 400 : i32
    %add3A_232 = arith.addi %mul3A_230, %add3A_231 : i32
    %dma_wait3A_233 = arith.constant 0 : i32
    %dma_wait3A_234 = tpu.memref_slice %arg8[%add3A_232, %dma_wait3A_233] : memref<10240x128xf32, #tpu.memory_space<vmem_shared>> -> memref<40x128xf32, #tpu.memory_space<vmem_shared>>
    %dma_wait3A_235 = arith.constant 0 : i32
    %dma_wait3A_236 = tpu.memref_slice %arg8[%add3A_232, %dma_wait3A_235] : memref<10240x128xf32, #tpu.memory_space<vmem_shared>> -> memref<40x128xf32, #tpu.memory_space<vmem_shared>>
    tpu.wait_dma2 semaphore(%arg24 : memref<!tpu.dma_semaphore, #tpu.memory_space<semaphore_mem>>) src(%arg9 : memref<40x128xf32, #tpu.memory_space<vmem>>) dst(%dma_wait3A_236 : memref<40x128xf32, #tpu.memory_space<vmem_shared>>)
    %mul3A_237 = arith.constant 640 : i32
    %mul3A_238 = arith.muli %arg1, %mul3A_237 : i32
    %add3A_239 = arith.constant 440 : i32
    %add3A_240 = arith.addi %mul3A_238, %add3A_239 : i32
    %dma_wait3A_241 = arith.constant 0 : i32
    %dma_wait3A_242 = tpu.memref_slice %arg8[%add3A_240, %dma_wait3A_241] : memref<10240x128xf32, #tpu.memory_space<vmem_shared>> -> memref<40x128xf32, #tpu.memory_space<vmem_shared>>
    %dma_wait3A_243 = arith.constant 0 : i32
    %dma_wait3A_244 = tpu.memref_slice %arg8[%add3A_240, %dma_wait3A_243] : memref<10240x128xf32, #tpu.memory_space<vmem_shared>> -> memref<40x128xf32, #tpu.memory_space<vmem_shared>>
    tpu.wait_dma2 semaphore(%arg25 : memref<!tpu.dma_semaphore, #tpu.memory_space<semaphore_mem>>) src(%arg9 : memref<40x128xf32, #tpu.memory_space<vmem>>) dst(%dma_wait3A_244 : memref<40x128xf32, #tpu.memory_space<vmem_shared>>)
    %mul3A_245 = arith.constant 640 : i32
    %mul3A_246 = arith.muli %arg1, %mul3A_245 : i32
    %add3A_247 = arith.constant 480 : i32
    %add3A_248 = arith.addi %mul3A_246, %add3A_247 : i32
    %dma_wait3A_249 = arith.constant 0 : i32
    %dma_wait3A_250 = tpu.memref_slice %arg8[%add3A_248, %dma_wait3A_249] : memref<10240x128xf32, #tpu.memory_space<vmem_shared>> -> memref<40x128xf32, #tpu.memory_space<vmem_shared>>
    %dma_wait3A_251 = arith.constant 0 : i32
    %dma_wait3A_252 = tpu.memref_slice %arg8[%add3A_248, %dma_wait3A_251] : memref<10240x128xf32, #tpu.memory_space<vmem_shared>> -> memref<40x128xf32, #tpu.memory_space<vmem_shared>>
    tpu.wait_dma2 semaphore(%arg26 : memref<!tpu.dma_semaphore, #tpu.memory_space<semaphore_mem>>) src(%arg9 : memref<40x128xf32, #tpu.memory_space<vmem>>) dst(%dma_wait3A_252 : memref<40x128xf32, #tpu.memory_space<vmem_shared>>)
    %mul3A_253 = arith.constant 640 : i32
    %mul3A_254 = arith.muli %arg1, %mul3A_253 : i32
    %add3A_255 = arith.constant 520 : i32
    %add3A_256 = arith.addi %mul3A_254, %add3A_255 : i32
    %dma_wait3A_257 = arith.constant 0 : i32
    %dma_wait3A_258 = tpu.memref_slice %arg8[%add3A_256, %dma_wait3A_257] : memref<10240x128xf32, #tpu.memory_space<vmem_shared>> -> memref<40x128xf32, #tpu.memory_space<vmem_shared>>
    %dma_wait3A_259 = arith.constant 0 : i32
    %dma_wait3A_260 = tpu.memref_slice %arg8[%add3A_256, %dma_wait3A_259] : memref<10240x128xf32, #tpu.memory_space<vmem_shared>> -> memref<40x128xf32, #tpu.memory_space<vmem_shared>>
    tpu.wait_dma2 semaphore(%arg27 : memref<!tpu.dma_semaphore, #tpu.memory_space<semaphore_mem>>) src(%arg9 : memref<40x128xf32, #tpu.memory_space<vmem>>) dst(%dma_wait3A_260 : memref<40x128xf32, #tpu.memory_space<vmem_shared>>)
    %mul3A_261 = arith.constant 640 : i32
    %mul3A_262 = arith.muli %arg1, %mul3A_261 : i32
    %add3A_263 = arith.constant 560 : i32
    %add3A_264 = arith.addi %mul3A_262, %add3A_263 : i32
    %dma_wait3A_265 = arith.constant 0 : i32
    %dma_wait3A_266 = tpu.memref_slice %arg8[%add3A_264, %dma_wait3A_265] : memref<10240x128xf32, #tpu.memory_space<vmem_shared>> -> memref<40x128xf32, #tpu.memory_space<vmem_shared>>
    %dma_wait3A_267 = arith.constant 0 : i32
    %dma_wait3A_268 = tpu.memref_slice %arg8[%add3A_264, %dma_wait3A_267] : memref<10240x128xf32, #tpu.memory_space<vmem_shared>> -> memref<40x128xf32, #tpu.memory_space<vmem_shared>>
    tpu.wait_dma2 semaphore(%arg28 : memref<!tpu.dma_semaphore, #tpu.memory_space<semaphore_mem>>) src(%arg9 : memref<40x128xf32, #tpu.memory_space<vmem>>) dst(%dma_wait3A_268 : memref<40x128xf32, #tpu.memory_space<vmem_shared>>)
    %mul3A_269 = arith.constant 640 : i32
    %mul3A_270 = arith.muli %arg1, %mul3A_269 : i32
    %add3A_271 = arith.constant 600 : i32
    %add3A_272 = arith.addi %mul3A_270, %add3A_271 : i32
    %dma_wait3A_273 = arith.constant 0 : i32
    %dma_wait3A_274 = tpu.memref_slice %arg8[%add3A_272, %dma_wait3A_273] : memref<10240x128xf32, #tpu.memory_space<vmem_shared>> -> memref<40x128xf32, #tpu.memory_space<vmem_shared>>
    %dma_wait3A_275 = arith.constant 0 : i32
    %dma_wait3A_276 = tpu.memref_slice %arg8[%add3A_272, %dma_wait3A_275] : memref<10240x128xf32, #tpu.memory_space<vmem_shared>> -> memref<40x128xf32, #tpu.memory_space<vmem_shared>>
    tpu.wait_dma2 semaphore(%arg24 : memref<!tpu.dma_semaphore, #tpu.memory_space<semaphore_mem>>) src(%arg9 : memref<40x128xf32, #tpu.memory_space<vmem>>) dst(%dma_wait3A_276 : memref<40x128xf32, #tpu.memory_space<vmem_shared>>)
    %barrier3A = arith.constant 0 : index
    tpu.barrier barrier_id(%barrier3A)
    %get3A = arith.constant 0 : index
    %get3A_277 = tpu.vector_load %arg7[%get3A] {strides = array<i32>} : memref<10000xi32, #tpu.memory_space<vmem>>, vector<16xi32>,
    %get3A_278 = vector.shape_cast %get3A_277 : vector<16xi32> to vector<16xi32>
    %swap3A = arith.constant 0 : index
    %swap3A_279 = tpu.vector_load %arg14[%swap3A] {strides = array<i32>} : memref<40xi32, #tpu.memory_space<vmem>>, vector<16xi32>,
    %swap3A_280 = vector.shape_cast %swap3A_279 : vector<16xi32> to vector<16xi32>
    %swap3A_281 = vector.shape_cast %get3A_278 : vector<16xi32> to vector<16xi32>
    tpu.vector_store %arg14[%swap3A], %swap3A_281 {strides = array<i32>} : memref<40xi32, #tpu.memory_space<vmem>>, vector<16xi32>,
    %get3A_282 = arith.constant 16 : index
    %get3A_283 = tpu.vector_load %arg7[%get3A_282] {strides = array<i32>} : memref<10000xi32, #tpu.memory_space<vmem>>, vector<16xi32>,
    %get3A_284 = vector.shape_cast %get3A_283 : vector<16xi32> to vector<16xi32>
    %swap3A_285 = arith.constant 16 : index
    %swap3A_286 = tpu.vector_load %arg14[%swap3A_285] {strides = array<i32>} : memref<40xi32, #tpu.memory_space<vmem>>, vector<16xi32>,
    %swap3A_287 = vector.shape_cast %swap3A_286 : vector<16xi32> to vector<16xi32>
    %swap3A_288 = vector.shape_cast %get3A_284 : vector<16xi32> to vector<16xi32>
    tpu.vector_store %arg14[%swap3A_285], %swap3A_288 {strides = array<i32>} : memref<40xi32, #tpu.memory_space<vmem>>, vector<16xi32>,
    %get3A_289 = arith.constant 24 : index
    %get3A_290 = tpu.vector_load %arg7[%get3A_289] {strides = array<i32>} : memref<10000xi32, #tpu.memory_space<vmem>>, vector<16xi32>,
    %get3A_291 = vector.shape_cast %get3A_290 : vector<16xi32> to vector<16xi32>
    %swap3A_292 = arith.constant 24 : index
    %swap3A_293 = tpu.vector_load %arg14[%swap3A_292] {strides = array<i32>} : memref<40xi32, #tpu.memory_space<vmem>>, vector<16xi32>,
    %swap3A_294 = vector.shape_cast %swap3A_293 : vector<16xi32> to vector<16xi32>
    %swap3A_295 = vector.shape_cast %get3A_291 : vector<16xi32> to vector<16xi32>
    tpu.vector_store %arg14[%swap3A_292], %swap3A_295 {strides = array<i32>} : memref<40xi32, #tpu.memory_space<vmem>>, vector<16xi32>,
    %dma_start3A_296 = arith.constant 0 : i32
    %dma_start3A_297 = tpu.memref_slice %arg6[%dma_start3A_296] : memref<10000xi32, #tpu.memory_space<vmem>> -> memref<40xi32, #tpu.memory_space<vmem>>
    %dma_start3A_298 = arith.constant 0 : i32
    %dma_start3A_299 = arith.constant 0 : i32
    %dma_start3A_300 = tpu.memref_slice %arg2[%dma_start3A_298, %dma_start3A_299] : memref<10000x128xf32, #tpu.memory_space<hbm>> -> memref<10000x128xf32, #tpu.memory_space<hbm>>
    tpu.enqueue_indirect_dma source(%dma_start3A_300 : memref<10000x128xf32, #tpu.memory_space<hbm>>) target(%arg9 : memref<40x128xf32, #tpu.memory_space<vmem>>) offsets(%dma_start3A_297 : memref<40xi32, #tpu.memory_space<vmem>>) semaphore(%arg19 : memref<!tpu.dma_semaphore, #tpu.memory_space<semaphore_mem>>)
    %get3A_301 = arith.constant 40 : index
    %get3A_302 = tpu.vector_load %arg7[%get3A_301] {strides = array<i32>} : memref<10000xi32, #tpu.memory_space<vmem>>, vector<16xi32>,
    %get3A_303 = vector.shape_cast %get3A_302 : vector<16xi32> to vector<16xi32>
    %swap3A_304 = arith.constant 0 : index
    %swap3A_305 = tpu.vector_load %arg15[%swap3A_304] {strides = array<i32>} : memref<40xi32, #tpu.memory_space<vmem>>, vector<16xi32>,
    %swap3A_306 = vector.shape_cast %swap3A_305 : vector<16xi32> to vector<16xi32>
    %swap3A_307 = vector.shape_cast %get3A_303 : vector<16xi32> to vector<16xi32>
    tpu.vector_store %arg15[%swap3A_304], %swap3A_307 {strides = array<i32>} : memref<40xi32, #tpu.memory_space<vmem>>, vector<16xi32>,
    %get3A_308 = arith.constant 56 : index
    %get3A_309 = tpu.vector_load %arg7[%get3A_308] {strides = array<i32>} : memref<10000xi32, #tpu.memory_space<vmem>>, vector<16xi32>,
    %get3A_310 = vector.shape_cast %get3A_309 : vector<16xi32> to vector<16xi32>
    %swap3A_311 = arith.constant 16 : index
    %swap3A_312 = tpu.vector_load %arg15[%swap3A_311] {strides = array<i32>} : memref<40xi32, #tpu.memory_space<vmem>>, vector<16xi32>,
    %swap3A_313 = vector.shape_cast %swap3A_312 : vector<16xi32> to vector<16xi32>
    %swap3A_314 = vector.shape_cast %get3A_310 : vector<16xi32> to vector<16xi32>
    tpu.vector_store %arg15[%swap3A_311], %swap3A_314 {strides = array<i32>} : memref<40xi32, #tpu.memory_space<vmem>>, vector<16xi32>,
    %get3A_315 = arith.constant 64 : index
    %get3A_316 = tpu.vector_load %arg7[%get3A_315] {strides = array<i32>} : memref<10000xi32, #tpu.memory_space<vmem>>, vector<16xi32>,
    %get3A_317 = vector.shape_cast %get3A_316 : vector<16xi32> to vector<16xi32>
    %swap3A_318 = arith.constant 24 : index
    %swap3A_319 = tpu.vector_load %arg15[%swap3A_318] {strides = array<i32>} : memref<40xi32, #tpu.memory_space<vmem>>, vector<16xi32>,
    %swap3A_320 = vector.shape_cast %swap3A_319 : vector<16xi32> to vector<16xi32>
    %swap3A_321 = vector.shape_cast %get3A_317 : vector<16xi32> to vector<16xi32>
    tpu.vector_store %arg15[%swap3A_318], %swap3A_321 {strides = array<i32>} : memref<40xi32, #tpu.memory_space<vmem>>, vector<16xi32>,
    %dma_start3A_322 = arith.constant 40 : i32
    %dma_start3A_323 = tpu.memref_slice %arg6[%dma_start3A_322] : memref<10000xi32, #tpu.memory_space<vmem>> -> memref<40xi32, #tpu.memory_space<vmem>>
    %dma_start3A_324 = arith.constant 0 : i32
    %dma_start3A_325 = arith.constant 0 : i32
    %dma_start3A_326 = tpu.memref_slice %arg2[%dma_start3A_324, %dma_start3A_325] : memref<10000x128xf32, #tpu.memory_space<hbm>> -> memref<10000x128xf32, #tpu.memory_space<hbm>>
    tpu.enqueue_indirect_dma source(%dma_start3A_326 : memref<10000x128xf32, #tpu.memory_space<hbm>>) target(%arg10 : memref<40x128xf32, #tpu.memory_space<vmem>>) offsets(%dma_start3A_323 : memref<40xi32, #tpu.memory_space<vmem>>) semaphore(%arg20 : memref<!tpu.dma_semaphore, #tpu.memory_space<semaphore_mem>>)
    %get3A_327 = arith.constant 80 : index
    %get3A_328 = tpu.vector_load %arg7[%get3A_327] {strides = array<i32>} : memref<10000xi32, #tpu.memory_space<vmem>>, vector<16xi32>,
    %get3A_329 = vector.shape_cast %get3A_328 : vector<16xi32> to vector<16xi32>
    %swap3A_330 = arith.constant 0 : index
    %swap3A_331 = tpu.vector_load %arg16[%swap3A_330] {strides = array<i32>} : memref<40xi32, #tpu.memory_space<vmem>>, vector<16xi32>,
    %swap3A_332 = vector.shape_cast %swap3A_331 : vector<16xi32> to vector<16xi32>
    %swap3A_333 = vector.shape_cast %get3A_329 : vector<16xi32> to vector<16xi32>
    tpu.vector_store %arg16[%swap3A_330], %swap3A_333 {strides = array<i32>} : memref<40xi32, #tpu.memory_space<vmem>>, vector<16xi32>,
    %get3A_334 = arith.constant 96 : index
    %get3A_335 = tpu.vector_load %arg7[%get3A_334] {strides = array<i32>} : memref<10000xi32, #tpu.memory_space<vmem>>, vector<16xi32>,
    %get3A_336 = vector.shape_cast %get3A_335 : vector<16xi32> to vector<16xi32>
    %swap3A_337 = arith.constant 16 : index
    %swap3A_338 = tpu.vector_load %arg16[%swap3A_337] {strides = array<i32>} : memref<40xi32, #tpu.memory_space<vmem>>, vector<16xi32>,
    %swap3A_339 = vector.shape_cast %swap3A_338 : vector<16xi32> to vector<16xi32>
    %swap3A_340 = vector.shape_cast %get3A_336 : vector<16xi32> to vector<16xi32>
    tpu.vector_store %arg16[%swap3A_337], %swap3A_340 {strides = array<i32>} : memref<40xi32, #tpu.memory_space<vmem>>, vector<16xi32>,
    %get3A_341 = arith.constant 104 : index
    %get3A_342 = tpu.vector_load %arg7[%get3A_341] {strides = array<i32>} : memref<10000xi32, #tpu.memory_space<vmem>>, vector<16xi32>,
    %get3A_343 = vector.shape_cast %get3A_342 : vector<16xi32> to vector<16xi32>
    %swap3A_344 = arith.constant 24 : index
    %swap3A_345 = tpu.vector_load %arg16[%swap3A_344] {strides = array<i32>} : memref<40xi32, #tpu.memory_space<vmem>>, vector<16xi32>,
    %swap3A_346 = vector.shape_cast %swap3A_345 : vector<16xi32> to vector<16xi32>
    %swap3A_347 = vector.shape_cast %get3A_343 : vector<16xi32> to vector<16xi32>
    tpu.vector_store %arg16[%swap3A_344], %swap3A_347 {strides = array<i32>} : memref<40xi32, #tpu.memory_space<vmem>>, vector<16xi32>,
    %dma_start3A_348 = arith.constant 80 : i32
    %dma_start3A_349 = tpu.memref_slice %arg6[%dma_start3A_348] : memref<10000xi32, #tpu.memory_space<vmem>> -> memref<40xi32, #tpu.memory_space<vmem>>
    %dma_start3A_350 = arith.constant 0 : i32
    %dma_start3A_351 = arith.constant 0 : i32
    %dma_start3A_352 = tpu.memref_slice %arg2[%dma_start3A_350, %dma_start3A_351] : memref<10000x128xf32, #tpu.memory_space<hbm>> -> memref<10000x128xf32, #tpu.memory_space<hbm>>
    tpu.enqueue_indirect_dma source(%dma_start3A_352 : memref<10000x128xf32, #tpu.memory_space<hbm>>) target(%arg11 : memref<40x128xf32, #tpu.memory_space<vmem>>) offsets(%dma_start3A_349 : memref<40xi32, #tpu.memory_space<vmem>>) semaphore(%arg21 : memref<!tpu.dma_semaphore, #tpu.memory_space<semaphore_mem>>)
    %get3A_353 = arith.constant 120 : index
    %get3A_354 = tpu.vector_load %arg7[%get3A_353] {strides = array<i32>} : memref<10000xi32, #tpu.memory_space<vmem>>, vector<16xi32>,
    %get3A_355 = vector.shape_cast %get3A_354 : vector<16xi32> to vector<16xi32>
    %swap3A_356 = arith.constant 0 : index
    %swap3A_357 = tpu.vector_load %arg17[%swap3A_356] {strides = array<i32>} : memref<40xi32, #tpu.memory_space<vmem>>, vector<16xi32>,
    %swap3A_358 = vector.shape_cast %swap3A_357 : vector<16xi32> to vector<16xi32>
    %swap3A_359 = vector.shape_cast %get3A_355 : vector<16xi32> to vector<16xi32>
    tpu.vector_store %arg17[%swap3A_356], %swap3A_359 {strides = array<i32>} : memref<40xi32, #tpu.memory_space<vmem>>, vector<16xi32>,
    %get3A_360 = arith.constant 136 : index
    %get3A_361 = tpu.vector_load %arg7[%get3A_360] {strides = array<i32>} : memref<10000xi32, #tpu.memory_space<vmem>>, vector<16xi32>,
    %get3A_362 = vector.shape_cast %get3A_361 : vector<16xi32> to vector<16xi32>
    %swap3A_363 = arith.constant 16 : index
    %swap3A_364 = tpu.vector_load %arg17[%swap3A_363] {strides = array<i32>} : memref<40xi32, #tpu.memory_space<vmem>>, vector<16xi32>,
    %swap3A_365 = vector.shape_cast %swap3A_364 : vector<16xi32> to vector<16xi32>
    %swap3A_366 = vector.shape_cast %get3A_362 : vector<16xi32> to vector<16xi32>
    tpu.vector_store %arg17[%swap3A_363], %swap3A_366 {strides = array<i32>} : memref<40xi32, #tpu.memory_space<vmem>>, vector<16xi32>,
    %get3A_367 = arith.constant 144 : index
    %get3A_368 = tpu.vector_load %arg7[%get3A_367] {strides = array<i32>} : memref<10000xi32, #tpu.memory_space<vmem>>, vector<16xi32>,
    %get3A_369 = vector.shape_cast %get3A_368 : vector<16xi32> to vector<16xi32>
    %swap3A_370 = arith.constant 24 : index
    %swap3A_371 = tpu.vector_load %arg17[%swap3A_370] {strides = array<i32>} : memref<40xi32, #tpu.memory_space<vmem>>, vector<16xi32>,
    %swap3A_372 = vector.shape_cast %swap3A_371 : vector<16xi32> to vector<16xi32>
    %swap3A_373 = vector.shape_cast %get3A_369 : vector<16xi32> to vector<16xi32>
    tpu.vector_store %arg17[%swap3A_370], %swap3A_373 {strides = array<i32>} : memref<40xi32, #tpu.memory_space<vmem>>, vector<16xi32>,
    %dma_start3A_374 = arith.constant 120 : i32
    %dma_start3A_375 = tpu.memref_slice %arg6[%dma_start3A_374] : memref<10000xi32, #tpu.memory_space<vmem>> -> memref<40xi32, #tpu.memory_space<vmem>>
    %dma_start3A_376 = arith.constant 0 : i32
    %dma_start3A_377 = arith.constant 0 : i32
    %dma_start3A_378 = tpu.memref_slice %arg2[%dma_start3A_376, %dma_start3A_377] : memref<10000x128xf32, #tpu.memory_space<hbm>> -> memref<10000x128xf32, #tpu.memory_space<hbm>>
    tpu.enqueue_indirect_dma source(%dma_start3A_378 : memref<10000x128xf32, #tpu.memory_space<hbm>>) target(%arg12 : memref<40x128xf32, #tpu.memory_space<vmem>>) offsets(%dma_start3A_375 : memref<40xi32, #tpu.memory_space<vmem>>) semaphore(%arg22 : memref<!tpu.dma_semaphore, #tpu.memory_space<semaphore_mem>>)
    %get3A_379 = arith.constant 160 : index
    %get3A_380 = tpu.vector_load %arg7[%get3A_379] {strides = array<i32>} : memref<10000xi32, #tpu.memory_space<vmem>>, vector<16xi32>,
    %get3A_381 = vector.shape_cast %get3A_380 : vector<16xi32> to vector<16xi32>
    %swap3A_382 = arith.constant 0 : index
    %swap3A_383 = tpu.vector_load %arg18[%swap3A_382] {strides = array<i32>} : memref<40xi32, #tpu.memory_space<vmem>>, vector<16xi32>,
    %swap3A_384 = vector.shape_cast %swap3A_383 : vector<16xi32> to vector<16xi32>
    %swap3A_385 = vector.shape_cast %get3A_381 : vector<16xi32> to vector<16xi32>
    tpu.vector_store %arg18[%swap3A_382], %swap3A_385 {strides = array<i32>} : memref<40xi32, #tpu.memory_space<vmem>>, vector<16xi32>,
    %get3A_386 = arith.constant 176 : index
    %get3A_387 = tpu.vector_load %arg7[%get3A_386] {strides = array<i32>} : memref<10000xi32, #tpu.memory_space<vmem>>, vector<16xi32>,
    %get3A_388 = vector.shape_cast %get3A_387 : vector<16xi32> to vector<16xi32>
    %swap3A_389 = arith.constant 16 : index
    %swap3A_390 = tpu.vector_load %arg18[%swap3A_389] {strides = array<i32>} : memref<40xi32, #tpu.memory_space<vmem>>, vector<16xi32>,
    %swap3A_391 = vector.shape_cast %swap3A_390 : vector<16xi32> to vector<16xi32>
    %swap3A_392 = vector.shape_cast %get3A_388 : vector<16xi32> to vector<16xi32>
    tpu.vector_store %arg18[%swap3A_389], %swap3A_392 {strides = array<i32>} : memref<40xi32, #tpu.memory_space<vmem>>, vector<16xi32>,
    %get3A_393 = arith.constant 184 : index
    %get3A_394 = tpu.vector_load %arg7[%get3A_393] {strides = array<i32>} : memref<10000xi32, #tpu.memory_space<vmem>>, vector<16xi32>,
    %get3A_395 = vector.shape_cast %get3A_394 : vector<16xi32> to vector<16xi32>
    %swap3A_396 = arith.constant 24 : index
    %swap3A_397 = tpu.vector_load %arg18[%swap3A_396] {strides = array<i32>} : memref<40xi32, #tpu.memory_space<vmem>>, vector<16xi32>,
    %swap3A_398 = vector.shape_cast %swap3A_397 : vector<16xi32> to vector<16xi32>
    %swap3A_399 = vector.shape_cast %get3A_395 : vector<16xi32> to vector<16xi32>
    tpu.vector_store %arg18[%swap3A_396], %swap3A_399 {strides = array<i32>} : memref<40xi32, #tpu.memory_space<vmem>>, vector<16xi32>,
    %dma_start3A_400 = arith.constant 160 : i32
    %dma_start3A_401 = tpu.memref_slice %arg6[%dma_start3A_400] : memref<10000xi32, #tpu.memory_space<vmem>> -> memref<40xi32, #tpu.memory_space<vmem>>
    %dma_start3A_402 = arith.constant 0 : i32
    %dma_start3A_403 = arith.constant 0 : i32
    %dma_start3A_404 = tpu.memref_slice %arg2[%dma_start3A_402, %dma_start3A_403] : memref<10000x128xf32, #tpu.memory_space<hbm>> -> memref<10000x128xf32, #tpu.memory_space<hbm>>
    tpu.enqueue_indirect_dma source(%dma_start3A_404 : memref<10000x128xf32, #tpu.memory_space<hbm>>) target(%arg13 : memref<40x128xf32, #tpu.memory_space<vmem>>) offsets(%dma_start3A_401 : memref<40xi32, #tpu.memory_space<vmem>>) semaphore(%arg23 : memref<!tpu.dma_semaphore, #tpu.memory_space<semaphore_mem>>)
    %scan3A_405 = arith.constant 0 : i32
    %scan3A_406 = arith.constant 0 : i32
    %scan3A_407 = arith.constant 49 : i32
    %scan3A_408 = arith.addi %scan3A_406, %scan3A_407 : i32
    %scan3A_409 = arith.constant 1 : i32
    scf.for %scan3A_471 = %scan3A_406 to %scan3A_408 step %scan3A_409  : i32 {
      %mul3A_472 = arith.constant 5 : i32
      %mul3A_473 = arith.muli %scan3A_471, %mul3A_472 : i32
      %add3A_474 = arith.constant 0 : i32
      %add3A_475 = arith.addi %mul3A_473, %add3A_474 : i32
      %mul3A_476 = arith.constant 40 : i32
      %mul3A_477 = arith.muli %add3A_475, %mul3A_476 : i32
      %dma_wait3A_478 = tpu.memref_slice %arg6[%mul3A_477] : memref<10000xi32, #tpu.memory_space<vmem>> -> memref<40xi32, #tpu.memory_space<vmem>>
      %dma_wait3A_479 = arith.constant 0 : i32
      %dma_wait3A_480 = arith.constant 0 : i32
      %dma_wait3A_481 = tpu.memref_slice %arg2[%dma_wait3A_479, %dma_wait3A_480] : memref<10000x128xf32, #tpu.memory_space<hbm>> -> memref<10000x128xf32, #tpu.memory_space<hbm>>
      tpu.wait_indirect_dma semaphore(%arg19 : memref<!tpu.dma_semaphore, #tpu.memory_space<semaphore_mem>>) src(%dma_wait3A_481 : memref<10000x128xf32, #tpu.memory_space<hbm>>) dst(%arg9 : memref<40x128xf32, #tpu.memory_space<vmem>>)
      %dma_start3A_482 = arith.constant 0 : i32
      %dma_start3A_483 = arith.constant 0 : i32
      %dma_start3A_484 = tpu.memref_slice %arg8[%dma_start3A_482, %dma_start3A_483] : memref<10240x128xf32, #tpu.memory_space<vmem_shared>> -> memref<10240x128xf32, #tpu.memory_space<vmem_shared>>
      tpu.enqueue_indirect_dma source(%arg9 : memref<40x128xf32, #tpu.memory_space<vmem>>) target(%dma_start3A_484 : memref<10240x128xf32, #tpu.memory_space<vmem_shared>>) offsets(%arg14 : memref<40xi32, #tpu.memory_space<vmem>>) semaphore(%arg24 : memref<!tpu.dma_semaphore, #tpu.memory_space<semaphore_mem>>) {add = true}
      %add3A_485 = arith.constant 1 : i32
      %add3A_486 = arith.addi %mul3A_473, %add3A_485 : i32
      %mul3A_487 = arith.constant 40 : i32
      %mul3A_488 = arith.muli %add3A_486, %mul3A_487 : i32
      %dma_wait3A_489 = tpu.memref_slice %arg6[%mul3A_488] : memref<10000xi32, #tpu.memory_space<vmem>> -> memref<40xi32, #tpu.memory_space<vmem>>
      %dma_wait3A_490 = arith.constant 0 : i32
      %dma_wait3A_491 = arith.constant 0 : i32
      %dma_wait3A_492 = tpu.memref_slice %arg2[%dma_wait3A_490, %dma_wait3A_491] : memref<10000x128xf32, #tpu.memory_space<hbm>> -> memref<10000x128xf32, #tpu.memory_space<hbm>>
      tpu.wait_indirect_dma semaphore(%arg20 : memref<!tpu.dma_semaphore, #tpu.memory_space<semaphore_mem>>) src(%dma_wait3A_492 : memref<10000x128xf32, #tpu.memory_space<hbm>>) dst(%arg10 : memref<40x128xf32, #tpu.memory_space<vmem>>)
      %dma_start3A_493 = arith.constant 0 : i32
      %dma_start3A_494 = arith.constant 0 : i32
      %dma_start3A_495 = tpu.memref_slice %arg8[%dma_start3A_493, %dma_start3A_494] : memref<10240x128xf32, #tpu.memory_space<vmem_shared>> -> memref<10240x128xf32, #tpu.memory_space<vmem_shared>>
      tpu.enqueue_indirect_dma source(%arg10 : memref<40x128xf32, #tpu.memory_space<vmem>>) target(%dma_start3A_495 : memref<10240x128xf32, #tpu.memory_space<vmem_shared>>) offsets(%arg15 : memref<40xi32, #tpu.memory_space<vmem>>) semaphore(%arg25 : memref<!tpu.dma_semaphore, #tpu.memory_space<semaphore_mem>>) {add = true}
      %add3A_496 = arith.constant 2 : i32
      %add3A_497 = arith.addi %mul3A_473, %add3A_496 : i32
      %mul3A_498 = arith.constant 40 : i32
      %mul3A_499 = arith.muli %add3A_497, %mul3A_498 : i32
      %dma_wait3A_500 = tpu.memref_slice %arg6[%mul3A_499] : memref<10000xi32, #tpu.memory_space<vmem>> -> memref<40xi32, #tpu.memory_space<vmem>>
      %dma_wait3A_501 = arith.constant 0 : i32
      %dma_wait3A_502 = arith.constant 0 : i32
      %dma_wait3A_503 = tpu.memref_slice %arg2[%dma_wait3A_501, %dma_wait3A_502] : memref<10000x128xf32, #tpu.memory_space<hbm>> -> memref<10000x128xf32, #tpu.memory_space<hbm>>
      tpu.wait_indirect_dma semaphore(%arg21 : memref<!tpu.dma_semaphore, #tpu.memory_space<semaphore_mem>>) src(%dma_wait3A_503 : memref<10000x128xf32, #tpu.memory_space<hbm>>) dst(%arg11 : memref<40x128xf32, #tpu.memory_space<vmem>>)
      %dma_start3A_504 = arith.constant 0 : i32
      %dma_start3A_505 = arith.constant 0 : i32
      %dma_start3A_506 = tpu.memref_slice %arg8[%dma_start3A_504, %dma_start3A_505] : memref<10240x128xf32, #tpu.memory_space<vmem_shared>> -> memref<10240x128xf32, #tpu.memory_space<vmem_shared>>
      tpu.enqueue_indirect_dma source(%arg11 : memref<40x128xf32, #tpu.memory_space<vmem>>) target(%dma_start3A_506 : memref<10240x128xf32, #tpu.memory_space<vmem_shared>>) offsets(%arg16 : memref<40xi32, #tpu.memory_space<vmem>>) semaphore(%arg26 : memref<!tpu.dma_semaphore, #tpu.memory_space<semaphore_mem>>) {add = true}
      %add3A_507 = arith.constant 3 : i32
      %add3A_508 = arith.addi %mul3A_473, %add3A_507 : i32
      %mul3A_509 = arith.constant 40 : i32
      %mul3A_510 = arith.muli %add3A_508, %mul3A_509 : i32
      %dma_wait3A_511 = tpu.memref_slice %arg6[%mul3A_510] : memref<10000xi32, #tpu.memory_space<vmem>> -> memref<40xi32, #tpu.memory_space<vmem>>
      %dma_wait3A_512 = arith.constant 0 : i32
      %dma_wait3A_513 = arith.constant 0 : i32
      %dma_wait3A_514 = tpu.memref_slice %arg2[%dma_wait3A_512, %dma_wait3A_513] : memref<10000x128xf32, #tpu.memory_space<hbm>> -> memref<10000x128xf32, #tpu.memory_space<hbm>>
      tpu.wait_indirect_dma semaphore(%arg22 : memref<!tpu.dma_semaphore, #tpu.memory_space<semaphore_mem>>) src(%dma_wait3A_514 : memref<10000x128xf32, #tpu.memory_space<hbm>>) dst(%arg12 : memref<40x128xf32, #tpu.memory_space<vmem>>)
      %dma_start3A_515 = arith.constant 0 : i32
      %dma_start3A_516 = arith.constant 0 : i32
      %dma_start3A_517 = tpu.memref_slice %arg8[%dma_start3A_515, %dma_start3A_516] : memref<10240x128xf32, #tpu.memory_space<vmem_shared>> -> memref<10240x128xf32, #tpu.memory_space<vmem_shared>>
      tpu.enqueue_indirect_dma source(%arg12 : memref<40x128xf32, #tpu.memory_space<vmem>>) target(%dma_start3A_517 : memref<10240x128xf32, #tpu.memory_space<vmem_shared>>) offsets(%arg17 : memref<40xi32, #tpu.memory_space<vmem>>) semaphore(%arg27 : memref<!tpu.dma_semaphore, #tpu.memory_space<semaphore_mem>>) {add = true}
      %add3A_518 = arith.constant 4 : i32
      %add3A_519 = arith.addi %mul3A_473, %add3A_518 : i32
      %mul3A_520 = arith.constant 40 : i32
      %mul3A_521 = arith.muli %add3A_519, %mul3A_520 : i32
      %dma_wait3A_522 = tpu.memref_slice %arg6[%mul3A_521] : memref<10000xi32, #tpu.memory_space<vmem>> -> memref<40xi32, #tpu.memory_space<vmem>>
      %dma_wait3A_523 = arith.constant 0 : i32
      %dma_wait3A_524 = arith.constant 0 : i32
      %dma_wait3A_525 = tpu.memref_slice %arg2[%dma_wait3A_523, %dma_wait3A_524] : memref<10000x128xf32, #tpu.memory_space<hbm>> -> memref<10000x128xf32, #tpu.memory_space<hbm>>
      tpu.wait_indirect_dma semaphore(%arg23 : memref<!tpu.dma_semaphore, #tpu.memory_space<semaphore_mem>>) src(%dma_wait3A_525 : memref<10000x128xf32, #tpu.memory_space<hbm>>) dst(%arg13 : memref<40x128xf32, #tpu.memory_space<vmem>>)
      %dma_start3A_526 = arith.constant 0 : i32
      %dma_start3A_527 = arith.constant 0 : i32
      %dma_start3A_528 = tpu.memref_slice %arg8[%dma_start3A_526, %dma_start3A_527] : memref<10240x128xf32, #tpu.memory_space<vmem_shared>> -> memref<10240x128xf32, #tpu.memory_space<vmem_shared>>
      tpu.enqueue_indirect_dma source(%arg13 : memref<40x128xf32, #tpu.memory_space<vmem>>) target(%dma_start3A_528 : memref<10240x128xf32, #tpu.memory_space<vmem_shared>>) offsets(%arg18 : memref<40xi32, #tpu.memory_space<vmem>>) semaphore(%arg28 : memref<!tpu.dma_semaphore, #tpu.memory_space<semaphore_mem>>) {add = true}
      %dma_wait3A_529 = arith.constant 0 : i32
      %dma_wait3A_530 = arith.constant 0 : i32
      %dma_wait3A_531 = tpu.memref_slice %arg8[%dma_wait3A_529, %dma_wait3A_530] : memref<10240x128xf32, #tpu.memory_space<vmem_shared>> -> memref<10240x128xf32, #tpu.memory_space<vmem_shared>>
      tpu.wait_indirect_dma semaphore(%arg24 : memref<!tpu.dma_semaphore, #tpu.memory_space<semaphore_mem>>) src(%arg9 : memref<40x128xf32, #tpu.memory_space<vmem>>) dst(%dma_wait3A_531 : memref<10240x128xf32, #tpu.memory_space<vmem_shared>>)
      %add3A_532 = arith.constant 5 : i32
      %add3A_533 = arith.addi %mul3A_473, %add3A_532 : i32
      %add3A_534 = arith.constant 0 : i32
      %add3A_535 = arith.addi %add3A_533, %add3A_534 : i32
      %mul3A_536 = arith.constant 40 : i32
      %mul3A_537 = arith.muli %add3A_535, %mul3A_536 : i32
      %add3A_538 = arith.constant 0 : i32
      %add3A_539 = arith.addi %mul3A_537, %add3A_538 : i32
      %get3A_540 = arith.index_cast %add3A_539 : i32 to index
      %get3A_541 = tpu.vector_load %arg7[%get3A_540] {strides = array<i32>} : memref<10000xi32, #tpu.memory_space<vmem>>, vector<16xi32>,
      %get3A_542 = vector.shape_cast %get3A_541 : vector<16xi32> to vector<16xi32>
      %swap3A_543 = arith.constant 0 : index
      %swap3A_544 = tpu.vector_load %arg14[%swap3A_543] {strides = array<i32>} : memref<40xi32, #tpu.memory_space<vmem>>, vector<16xi32>,
      %swap3A_545 = vector.shape_cast %swap3A_544 : vector<16xi32> to vector<16xi32>
      %swap3A_546 = vector.shape_cast %get3A_542 : vector<16xi32> to vector<16xi32>
      tpu.vector_store %arg14[%swap3A_543], %swap3A_546 {strides = array<i32>} : memref<40xi32, #tpu.memory_space<vmem>>, vector<16xi32>,
      %mul3A_547 = arith.constant 40 : i32
      %mul3A_548 = arith.muli %add3A_535, %mul3A_547 : i32
      %add3A_549 = arith.constant 16 : i32
      %add3A_550 = arith.addi %mul3A_548, %add3A_549 : i32
      %get3A_551 = arith.index_cast %add3A_550 : i32 to index
      %get3A_552 = tpu.vector_load %arg7[%get3A_551] {strides = array<i32>} : memref<10000xi32, #tpu.memory_space<vmem>>, vector<16xi32>,
      %get3A_553 = vector.shape_cast %get3A_552 : vector<16xi32> to vector<16xi32>
      %swap3A_554 = arith.constant 16 : index
      %swap3A_555 = tpu.vector_load %arg14[%swap3A_554] {strides = array<i32>} : memref<40xi32, #tpu.memory_space<vmem>>, vector<16xi32>,
      %swap3A_556 = vector.shape_cast %swap3A_555 : vector<16xi32> to vector<16xi32>
      %swap3A_557 = vector.shape_cast %get3A_553 : vector<16xi32> to vector<16xi32>
      tpu.vector_store %arg14[%swap3A_554], %swap3A_557 {strides = array<i32>} : memref<40xi32, #tpu.memory_space<vmem>>, vector<16xi32>,
      %mul3A_558 = arith.constant 40 : i32
      %mul3A_559 = arith.muli %add3A_535, %mul3A_558 : i32
      %add3A_560 = arith.constant 24 : i32
      %add3A_561 = arith.addi %mul3A_559, %add3A_560 : i32
      %get3A_562 = arith.index_cast %add3A_561 : i32 to index
      %get3A_563 = tpu.vector_load %arg7[%get3A_562] {strides = array<i32>} : memref<10000xi32, #tpu.memory_space<vmem>>, vector<16xi32>,
      %get3A_564 = vector.shape_cast %get3A_563 : vector<16xi32> to vector<16xi32>
      %swap3A_565 = arith.constant 24 : index
      %swap3A_566 = tpu.vector_load %arg14[%swap3A_565] {strides = array<i32>} : memref<40xi32, #tpu.memory_space<vmem>>, vector<16xi32>,
      %swap3A_567 = vector.shape_cast %swap3A_566 : vector<16xi32> to vector<16xi32>
      %swap3A_568 = vector.shape_cast %get3A_564 : vector<16xi32> to vector<16xi32>
      tpu.vector_store %arg14[%swap3A_565], %swap3A_568 {strides = array<i32>} : memref<40xi32, #tpu.memory_space<vmem>>, vector<16xi32>,
      %add3A_569 = arith.constant 5 : i32
      %add3A_570 = arith.addi %mul3A_473, %add3A_569 : i32
      %add3A_571 = arith.constant 0 : i32
      %add3A_572 = arith.addi %add3A_570, %add3A_571 : i32
      %mul3A_573 = arith.constant 40 : i32
      %mul3A_574 = arith.muli %add3A_572, %mul3A_573 : i32
      %dma_start3A_575 = tpu.memref_slice %arg6[%mul3A_574] : memref<10000xi32, #tpu.memory_space<vmem>> -> memref<40xi32, #tpu.memory_space<vmem>>
      %dma_start3A_576 = arith.constant 0 : i32
      %dma_start3A_577 = arith.constant 0 : i32
      %dma_start3A_578 = tpu.memref_slice %arg2[%dma_start3A_576, %dma_start3A_577] : memref<10000x128xf32, #tpu.memory_space<hbm>> -> memref<10000x128xf32, #tpu.memory_space<hbm>>
      tpu.enqueue_indirect_dma source(%dma_start3A_578 : memref<10000x128xf32, #tpu.memory_space<hbm>>) target(%arg9 : memref<40x128xf32, #tpu.memory_space<vmem>>) offsets(%dma_start3A_575 : memref<40xi32, #tpu.memory_space<vmem>>) semaphore(%arg19 : memref<!tpu.dma_semaphore, #tpu.memory_space<semaphore_mem>>)
      %dma_wait3A_579 = arith.constant 0 : i32
      %dma_wait3A_580 = arith.constant 0 : i32
      %dma_wait3A_581 = tpu.memref_slice %arg8[%dma_wait3A_579, %dma_wait3A_580] : memref<10240x128xf32, #tpu.memory_space<vmem_shared>> -> memref<10240x128xf32, #tpu.memory_space<vmem_shared>>
      tpu.wait_indirect_dma semaphore(%arg25 : memref<!tpu.dma_semaphore, #tpu.memory_space<semaphore_mem>>) src(%arg10 : memref<40x128xf32, #tpu.memory_space<vmem>>) dst(%dma_wait3A_581 : memref<10240x128xf32, #tpu.memory_space<vmem_shared>>)
      %add3A_582 = arith.constant 5 : i32
      %add3A_583 = arith.addi %mul3A_473, %add3A_582 : i32
      %add3A_584 = arith.constant 1 : i32
      %add3A_585 = arith.addi %add3A_583, %add3A_584 : i32
      %mul3A_586 = arith.constant 40 : i32
      %mul3A_587 = arith.muli %add3A_585, %mul3A_586 : i32
      %add3A_588 = arith.constant 0 : i32
      %add3A_589 = arith.addi %mul3A_587, %add3A_588 : i32
      %get3A_590 = arith.index_cast %add3A_589 : i32 to index
      %get3A_591 = tpu.vector_load %arg7[%get3A_590] {strides = array<i32>} : memref<10000xi32, #tpu.memory_space<vmem>>, vector<16xi32>,
      %get3A_592 = vector.shape_cast %get3A_591 : vector<16xi32> to vector<16xi32>
      %swap3A_593 = arith.constant 0 : index
      %swap3A_594 = tpu.vector_load %arg15[%swap3A_593] {strides = array<i32>} : memref<40xi32, #tpu.memory_space<vmem>>, vector<16xi32>,
      %swap3A_595 = vector.shape_cast %swap3A_594 : vector<16xi32> to vector<16xi32>
      %swap3A_596 = vector.shape_cast %get3A_592 : vector<16xi32> to vector<16xi32>
      tpu.vector_store %arg15[%swap3A_593], %swap3A_596 {strides = array<i32>} : memref<40xi32, #tpu.memory_space<vmem>>, vector<16xi32>,
      %mul3A_597 = arith.constant 40 : i32
      %mul3A_598 = arith.muli %add3A_585, %mul3A_597 : i32
      %add3A_599 = arith.constant 16 : i32
      %add3A_600 = arith.addi %mul3A_598, %add3A_599 : i32
      %get3A_601 = arith.index_cast %add3A_600 : i32 to index
      %get3A_602 = tpu.vector_load %arg7[%get3A_601] {strides = array<i32>} : memref<10000xi32, #tpu.memory_space<vmem>>, vector<16xi32>,
      %get3A_603 = vector.shape_cast %get3A_602 : vector<16xi32> to vector<16xi32>
      %swap3A_604 = arith.constant 16 : index
      %swap3A_605 = tpu.vector_load %arg15[%swap3A_604] {strides = array<i32>} : memref<40xi32, #tpu.memory_space<vmem>>, vector<16xi32>,
      %swap3A_606 = vector.shape_cast %swap3A_605 : vector<16xi32> to vector<16xi32>
      %swap3A_607 = vector.shape_cast %get3A_603 : vector<16xi32> to vector<16xi32>
      tpu.vector_store %arg15[%swap3A_604], %swap3A_607 {strides = array<i32>} : memref<40xi32, #tpu.memory_space<vmem>>, vector<16xi32>,
      %mul3A_608 = arith.constant 40 : i32
      %mul3A_609 = arith.muli %add3A_585, %mul3A_608 : i32
      %add3A_610 = arith.constant 24 : i32
      %add3A_611 = arith.addi %mul3A_609, %add3A_610 : i32
      %get3A_612 = arith.index_cast %add3A_611 : i32 to index
      %get3A_613 = tpu.vector_load %arg7[%get3A_612] {strides = array<i32>} : memref<10000xi32, #tpu.memory_space<vmem>>, vector<16xi32>,
      %get3A_614 = vector.shape_cast %get3A_613 : vector<16xi32> to vector<16xi32>
      %swap3A_615 = arith.constant 24 : index
      %swap3A_616 = tpu.vector_load %arg15[%swap3A_615] {strides = array<i32>} : memref<40xi32, #tpu.memory_space<vmem>>, vector<16xi32>,
      %swap3A_617 = vector.shape_cast %swap3A_616 : vector<16xi32> to vector<16xi32>
      %swap3A_618 = vector.shape_cast %get3A_614 : vector<16xi32> to vector<16xi32>
      tpu.vector_store %arg15[%swap3A_615], %swap3A_618 {strides = array<i32>} : memref<40xi32, #tpu.memory_space<vmem>>, vector<16xi32>,
      %add3A_619 = arith.constant 5 : i32
      %add3A_620 = arith.addi %mul3A_473, %add3A_619 : i32
      %add3A_621 = arith.constant 1 : i32
      %add3A_622 = arith.addi %add3A_620, %add3A_621 : i32
      %mul3A_623 = arith.constant 40 : i32
      %mul3A_624 = arith.muli %add3A_622, %mul3A_623 : i32
      %dma_start3A_625 = tpu.memref_slice %arg6[%mul3A_624] : memref<10000xi32, #tpu.memory_space<vmem>> -> memref<40xi32, #tpu.memory_space<vmem>>
      %dma_start3A_626 = arith.constant 0 : i32
      %dma_start3A_627 = arith.constant 0 : i32
      %dma_start3A_628 = tpu.memref_slice %arg2[%dma_start3A_626, %dma_start3A_627] : memref<10000x128xf32, #tpu.memory_space<hbm>> -> memref<10000x128xf32, #tpu.memory_space<hbm>>
      tpu.enqueue_indirect_dma source(%dma_start3A_628 : memref<10000x128xf32, #tpu.memory_space<hbm>>) target(%arg10 : memref<40x128xf32, #tpu.memory_space<vmem>>) offsets(%dma_start3A_625 : memref<40xi32, #tpu.memory_space<vmem>>) semaphore(%arg20 : memref<!tpu.dma_semaphore, #tpu.memory_space<semaphore_mem>>)
      %dma_wait3A_629 = arith.constant 0 : i32
      %dma_wait3A_630 = arith.constant 0 : i32
      %dma_wait3A_631 = tpu.memref_slice %arg8[%dma_wait3A_629, %dma_wait3A_630] : memref<10240x128xf32, #tpu.memory_space<vmem_shared>> -> memref<10240x128xf32, #tpu.memory_space<vmem_shared>>
      tpu.wait_indirect_dma semaphore(%arg26 : memref<!tpu.dma_semaphore, #tpu.memory_space<semaphore_mem>>) src(%arg11 : memref<40x128xf32, #tpu.memory_space<vmem>>) dst(%dma_wait3A_631 : memref<10240x128xf32, #tpu.memory_space<vmem_shared>>)
      %add3A_632 = arith.constant 5 : i32
      %add3A_633 = arith.addi %mul3A_473, %add3A_632 : i32
      %add3A_634 = arith.constant 2 : i32
      %add3A_635 = arith.addi %add3A_633, %add3A_634 : i32
      %mul3A_636 = arith.constant 40 : i32
      %mul3A_637 = arith.muli %add3A_635, %mul3A_636 : i32
      %add3A_638 = arith.constant 0 : i32
      %add3A_639 = arith.addi %mul3A_637, %add3A_638 : i32
      %get3A_640 = arith.index_cast %add3A_639 : i32 to index
      %get3A_641 = tpu.vector_load %arg7[%get3A_640] {strides = array<i32>} : memref<10000xi32, #tpu.memory_space<vmem>>, vector<16xi32>,
      %get3A_642 = vector.shape_cast %get3A_641 : vector<16xi32> to vector<16xi32>
      %swap3A_643 = arith.constant 0 : index
      %swap3A_644 = tpu.vector_load %arg16[%swap3A_643] {strides = array<i32>} : memref<40xi32, #tpu.memory_space<vmem>>, vector<16xi32>,
      %swap3A_645 = vector.shape_cast %swap3A_644 : vector<16xi32> to vector<16xi32>
      %swap3A_646 = vector.shape_cast %get3A_642 : vector<16xi32> to vector<16xi32>
      tpu.vector_store %arg16[%swap3A_643], %swap3A_646 {strides = array<i32>} : memref<40xi32, #tpu.memory_space<vmem>>, vector<16xi32>,
      %mul3A_647 = arith.constant 40 : i32
      %mul3A_648 = arith.muli %add3A_635, %mul3A_647 : i32
      %add3A_649 = arith.constant 16 : i32
      %add3A_650 = arith.addi %mul3A_648, %add3A_649 : i32
      %get3A_651 = arith.index_cast %add3A_650 : i32 to index
      %get3A_652 = tpu.vector_load %arg7[%get3A_651] {strides = array<i32>} : memref<10000xi32, #tpu.memory_space<vmem>>, vector<16xi32>,
      %get3A_653 = vector.shape_cast %get3A_652 : vector<16xi32> to vector<16xi32>
      %swap3A_654 = arith.constant 16 : index
      %swap3A_655 = tpu.vector_load %arg16[%swap3A_654] {strides = array<i32>} : memref<40xi32, #tpu.memory_space<vmem>>, vector<16xi32>,
      %swap3A_656 = vector.shape_cast %swap3A_655 : vector<16xi32> to vector<16xi32>
      %swap3A_657 = vector.shape_cast %get3A_653 : vector<16xi32> to vector<16xi32>
      tpu.vector_store %arg16[%swap3A_654], %swap3A_657 {strides = array<i32>} : memref<40xi32, #tpu.memory_space<vmem>>, vector<16xi32>,
      %mul3A_658 = arith.constant 40 : i32
      %mul3A_659 = arith.muli %add3A_635, %mul3A_658 : i32
      %add3A_660 = arith.constant 24 : i32
      %add3A_661 = arith.addi %mul3A_659, %add3A_660 : i32
      %get3A_662 = arith.index_cast %add3A_661 : i32 to index
      %get3A_663 = tpu.vector_load %arg7[%get3A_662] {strides = array<i32>} : memref<10000xi32, #tpu.memory_space<vmem>>, vector<16xi32>,
      %get3A_664 = vector.shape_cast %get3A_663 : vector<16xi32> to vector<16xi32>
      %swap3A_665 = arith.constant 24 : index
      %swap3A_666 = tpu.vector_load %arg16[%swap3A_665] {strides = array<i32>} : memref<40xi32, #tpu.memory_space<vmem>>, vector<16xi32>,
      %swap3A_667 = vector.shape_cast %swap3A_666 : vector<16xi32> to vector<16xi32>
      %swap3A_668 = vector.shape_cast %get3A_664 : vector<16xi32> to vector<16xi32>
      tpu.vector_store %arg16[%swap3A_665], %swap3A_668 {strides = array<i32>} : memref<40xi32, #tpu.memory_space<vmem>>, vector<16xi32>,
      %add3A_669 = arith.constant 5 : i32
      %add3A_670 = arith.addi %mul3A_473, %add3A_669 : i32
      %add3A_671 = arith.constant 2 : i32
      %add3A_672 = arith.addi %add3A_670, %add3A_671 : i32
      %mul3A_673 = arith.constant 40 : i32
      %mul3A_674 = arith.muli %add3A_672, %mul3A_673 : i32
      %dma_start3A_675 = tpu.memref_slice %arg6[%mul3A_674] : memref<10000xi32, #tpu.memory_space<vmem>> -> memref<40xi32, #tpu.memory_space<vmem>>
      %dma_start3A_676 = arith.constant 0 : i32
      %dma_start3A_677 = arith.constant 0 : i32
      %dma_start3A_678 = tpu.memref_slice %arg2[%dma_start3A_676, %dma_start3A_677] : memref<10000x128xf32, #tpu.memory_space<hbm>> -> memref<10000x128xf32, #tpu.memory_space<hbm>>
      tpu.enqueue_indirect_dma source(%dma_start3A_678 : memref<10000x128xf32, #tpu.memory_space<hbm>>) target(%arg11 : memref<40x128xf32, #tpu.memory_space<vmem>>) offsets(%dma_start3A_675 : memref<40xi32, #tpu.memory_space<vmem>>) semaphore(%arg21 : memref<!tpu.dma_semaphore, #tpu.memory_space<semaphore_mem>>)
      %dma_wait3A_679 = arith.constant 0 : i32
      %dma_wait3A_680 = arith.constant 0 : i32
      %dma_wait3A_681 = tpu.memref_slice %arg8[%dma_wait3A_679, %dma_wait3A_680] : memref<10240x128xf32, #tpu.memory_space<vmem_shared>> -> memref<10240x128xf32, #tpu.memory_space<vmem_shared>>
      tpu.wait_indirect_dma semaphore(%arg27 : memref<!tpu.dma_semaphore, #tpu.memory_space<semaphore_mem>>) src(%arg12 : memref<40x128xf32, #tpu.memory_space<vmem>>) dst(%dma_wait3A_681 : memref<10240x128xf32, #tpu.memory_space<vmem_shared>>)
      %add3A_682 = arith.constant 5 : i32
      %add3A_683 = arith.addi %mul3A_473, %add3A_682 : i32
      %add3A_684 = arith.constant 3 : i32
      %add3A_685 = arith.addi %add3A_683, %add3A_684 : i32
      %mul3A_686 = arith.constant 40 : i32
      %mul3A_687 = arith.muli %add3A_685, %mul3A_686 : i32
      %add3A_688 = arith.constant 0 : i32
      %add3A_689 = arith.addi %mul3A_687, %add3A_688 : i32
      %get3A_690 = arith.index_cast %add3A_689 : i32 to index
      %get3A_691 = tpu.vector_load %arg7[%get3A_690] {strides = array<i32>} : memref<10000xi32, #tpu.memory_space<vmem>>, vector<16xi32>,
      %get3A_692 = vector.shape_cast %get3A_691 : vector<16xi32> to vector<16xi32>
      %swap3A_693 = arith.constant 0 : index
      %swap3A_694 = tpu.vector_load %arg17[%swap3A_693] {strides = array<i32>} : memref<40xi32, #tpu.memory_space<vmem>>, vector<16xi32>,
      %swap3A_695 = vector.shape_cast %swap3A_694 : vector<16xi32> to vector<16xi32>
      %swap3A_696 = vector.shape_cast %get3A_692 : vector<16xi32> to vector<16xi32>
      tpu.vector_store %arg17[%swap3A_693], %swap3A_696 {strides = array<i32>} : memref<40xi32, #tpu.memory_space<vmem>>, vector<16xi32>,
      %mul3A_697 = arith.constant 40 : i32
      %mul3A_698 = arith.muli %add3A_685, %mul3A_697 : i32
      %add3A_699 = arith.constant 16 : i32
      %add3A_700 = arith.addi %mul3A_698, %add3A_699 : i32
      %get3A_701 = arith.index_cast %add3A_700 : i32 to index
      %get3A_702 = tpu.vector_load %arg7[%get3A_701] {strides = array<i32>} : memref<10000xi32, #tpu.memory_space<vmem>>, vector<16xi32>,
      %get3A_703 = vector.shape_cast %get3A_702 : vector<16xi32> to vector<16xi32>
      %swap3A_704 = arith.constant 16 : index
      %swap3A_705 = tpu.vector_load %arg17[%swap3A_704] {strides = array<i32>} : memref<40xi32, #tpu.memory_space<vmem>>, vector<16xi32>,
      %swap3A_706 = vector.shape_cast %swap3A_705 : vector<16xi32> to vector<16xi32>
      %swap3A_707 = vector.shape_cast %get3A_703 : vector<16xi32> to vector<16xi32>
      tpu.vector_store %arg17[%swap3A_704], %swap3A_707 {strides = array<i32>} : memref<40xi32, #tpu.memory_space<vmem>>, vector<16xi32>,
      %mul3A_708 = arith.constant 40 : i32
      %mul3A_709 = arith.muli %add3A_685, %mul3A_708 : i32
      %add3A_710 = arith.constant 24 : i32
      %add3A_711 = arith.addi %mul3A_709, %add3A_710 : i32
      %get3A_712 = arith.index_cast %add3A_711 : i32 to index
      %get3A_713 = tpu.vector_load %arg7[%get3A_712] {strides = array<i32>} : memref<10000xi32, #tpu.memory_space<vmem>>, vector<16xi32>,
      %get3A_714 = vector.shape_cast %get3A_713 : vector<16xi32> to vector<16xi32>
      %swap3A_715 = arith.constant 24 : index
      %swap3A_716 = tpu.vector_load %arg17[%swap3A_715] {strides = array<i32>} : memref<40xi32, #tpu.memory_space<vmem>>, vector<16xi32>,
      %swap3A_717 = vector.shape_cast %swap3A_716 : vector<16xi32> to vector<16xi32>
      %swap3A_718 = vector.shape_cast %get3A_714 : vector<16xi32> to vector<16xi32>
      tpu.vector_store %arg17[%swap3A_715], %swap3A_718 {strides = array<i32>} : memref<40xi32, #tpu.memory_space<vmem>>, vector<16xi32>,
      %add3A_719 = arith.constant 5 : i32
      %add3A_720 = arith.addi %mul3A_473, %add3A_719 : i32
      %add3A_721 = arith.constant 3 : i32
      %add3A_722 = arith.addi %add3A_720, %add3A_721 : i32
      %mul3A_723 = arith.constant 40 : i32
      %mul3A_724 = arith.muli %add3A_722, %mul3A_723 : i32
      %dma_start3A_725 = tpu.memref_slice %arg6[%mul3A_724] : memref<10000xi32, #tpu.memory_space<vmem>> -> memref<40xi32, #tpu.memory_space<vmem>>
      %dma_start3A_726 = arith.constant 0 : i32
      %dma_start3A_727 = arith.constant 0 : i32
      %dma_start3A_728 = tpu.memref_slice %arg2[%dma_start3A_726, %dma_start3A_727] : memref<10000x128xf32, #tpu.memory_space<hbm>> -> memref<10000x128xf32, #tpu.memory_space<hbm>>
      tpu.enqueue_indirect_dma source(%dma_start3A_728 : memref<10000x128xf32, #tpu.memory_space<hbm>>) target(%arg12 : memref<40x128xf32, #tpu.memory_space<vmem>>) offsets(%dma_start3A_725 : memref<40xi32, #tpu.memory_space<vmem>>) semaphore(%arg22 : memref<!tpu.dma_semaphore, #tpu.memory_space<semaphore_mem>>)
      %dma_wait3A_729 = arith.constant 0 : i32
      %dma_wait3A_730 = arith.constant 0 : i32
      %dma_wait3A_731 = tpu.memref_slice %arg8[%dma_wait3A_729, %dma_wait3A_730] : memref<10240x128xf32, #tpu.memory_space<vmem_shared>> -> memref<10240x128xf32, #tpu.memory_space<vmem_shared>>
      tpu.wait_indirect_dma semaphore(%arg28 : memref<!tpu.dma_semaphore, #tpu.memory_space<semaphore_mem>>) src(%arg13 : memref<40x128xf32, #tpu.memory_space<vmem>>) dst(%dma_wait3A_731 : memref<10240x128xf32, #tpu.memory_space<vmem_shared>>)
      %add3A_732 = arith.constant 5 : i32
      %add3A_733 = arith.addi %mul3A_473, %add3A_732 : i32
      %add3A_734 = arith.constant 4 : i32
      %add3A_735 = arith.addi %add3A_733, %add3A_734 : i32
      %mul3A_736 = arith.constant 40 : i32
      %mul3A_737 = arith.muli %add3A_735, %mul3A_736 : i32
      %add3A_738 = arith.constant 0 : i32
      %add3A_739 = arith.addi %mul3A_737, %add3A_738 : i32
      %get3A_740 = arith.index_cast %add3A_739 : i32 to index
      %get3A_741 = tpu.vector_load %arg7[%get3A_740] {strides = array<i32>} : memref<10000xi32, #tpu.memory_space<vmem>>, vector<16xi32>,
      %get3A_742 = vector.shape_cast %get3A_741 : vector<16xi32> to vector<16xi32>
      %swap3A_743 = arith.constant 0 : index
      %swap3A_744 = tpu.vector_load %arg18[%swap3A_743] {strides = array<i32>} : memref<40xi32, #tpu.memory_space<vmem>>, vector<16xi32>,
      %swap3A_745 = vector.shape_cast %swap3A_744 : vector<16xi32> to vector<16xi32>
      %swap3A_746 = vector.shape_cast %get3A_742 : vector<16xi32> to vector<16xi32>
      tpu.vector_store %arg18[%swap3A_743], %swap3A_746 {strides = array<i32>} : memref<40xi32, #tpu.memory_space<vmem>>, vector<16xi32>,
      %mul3A_747 = arith.constant 40 : i32
      %mul3A_748 = arith.muli %add3A_735, %mul3A_747 : i32
      %add3A_749 = arith.constant 16 : i32
      %add3A_750 = arith.addi %mul3A_748, %add3A_749 : i32
      %get3A_751 = arith.index_cast %add3A_750 : i32 to index
      %get3A_752 = tpu.vector_load %arg7[%get3A_751] {strides = array<i32>} : memref<10000xi32, #tpu.memory_space<vmem>>, vector<16xi32>,
      %get3A_753 = vector.shape_cast %get3A_752 : vector<16xi32> to vector<16xi32>
      %swap3A_754 = arith.constant 16 : index
      %swap3A_755 = tpu.vector_load %arg18[%swap3A_754] {strides = array<i32>} : memref<40xi32, #tpu.memory_space<vmem>>, vector<16xi32>,
      %swap3A_756 = vector.shape_cast %swap3A_755 : vector<16xi32> to vector<16xi32>
      %swap3A_757 = vector.shape_cast %get3A_753 : vector<16xi32> to vector<16xi32>
      tpu.vector_store %arg18[%swap3A_754], %swap3A_757 {strides = array<i32>} : memref<40xi32, #tpu.memory_space<vmem>>, vector<16xi32>,
      %mul3A_758 = arith.constant 40 : i32
      %mul3A_759 = arith.muli %add3A_735, %mul3A_758 : i32
      %add3A_760 = arith.constant 24 : i32
      %add3A_761 = arith.addi %mul3A_759, %add3A_760 : i32
      %get3A_762 = arith.index_cast %add3A_761 : i32 to index
      %get3A_763 = tpu.vector_load %arg7[%get3A_762] {strides = array<i32>} : memref<10000xi32, #tpu.memory_space<vmem>>, vector<16xi32>,
      %get3A_764 = vector.shape_cast %get3A_763 : vector<16xi32> to vector<16xi32>
      %swap3A_765 = arith.constant 24 : index
      %swap3A_766 = tpu.vector_load %arg18[%swap3A_765] {strides = array<i32>} : memref<40xi32, #tpu.memory_space<vmem>>, vector<16xi32>,
      %swap3A_767 = vector.shape_cast %swap3A_766 : vector<16xi32> to vector<16xi32>
      %swap3A_768 = vector.shape_cast %get3A_764 : vector<16xi32> to vector<16xi32>
      tpu.vector_store %arg18[%swap3A_765], %swap3A_768 {strides = array<i32>} : memref<40xi32, #tpu.memory_space<vmem>>, vector<16xi32>,
      %add3A_769 = arith.constant 5 : i32
      %add3A_770 = arith.addi %mul3A_473, %add3A_769 : i32
      %add3A_771 = arith.constant 4 : i32
      %add3A_772 = arith.addi %add3A_770, %add3A_771 : i32
      %mul3A_773 = arith.constant 40 : i32
      %mul3A_774 = arith.muli %add3A_772, %mul3A_773 : i32
      %dma_start3A_775 = tpu.memref_slice %arg6[%mul3A_774] : memref<10000xi32, #tpu.memory_space<vmem>> -> memref<40xi32, #tpu.memory_space<vmem>>
      %dma_start3A_776 = arith.constant 0 : i32
      %dma_start3A_777 = arith.constant 0 : i32
      %dma_start3A_778 = tpu.memref_slice %arg2[%dma_start3A_776, %dma_start3A_777] : memref<10000x128xf32, #tpu.memory_space<hbm>> -> memref<10000x128xf32, #tpu.memory_space<hbm>>
      tpu.enqueue_indirect_dma source(%dma_start3A_778 : memref<10000x128xf32, #tpu.memory_space<hbm>>) target(%arg13 : memref<40x128xf32, #tpu.memory_space<vmem>>) offsets(%dma_start3A_775 : memref<40xi32, #tpu.memory_space<vmem>>) semaphore(%arg23 : memref<!tpu.dma_semaphore, #tpu.memory_space<semaphore_mem>>)
    }
    %scan3A_410 = arith.constant 49 : i32
    %dma_wait3A_411 = arith.constant 9800 : i32
    %dma_wait3A_412 = tpu.memref_slice %arg6[%dma_wait3A_411] : memref<10000xi32, #tpu.memory_space<vmem>> -> memref<40xi32, #tpu.memory_space<vmem>>
    %dma_wait3A_413 = arith.constant 0 : i32
    %dma_wait3A_414 = arith.constant 0 : i32
    %dma_wait3A_415 = tpu.memref_slice %arg2[%dma_wait3A_413, %dma_wait3A_414] : memref<10000x128xf32, #tpu.memory_space<hbm>> -> memref<10000x128xf32, #tpu.memory_space<hbm>>
    tpu.wait_indirect_dma semaphore(%arg19 : memref<!tpu.dma_semaphore, #tpu.memory_space<semaphore_mem>>) src(%dma_wait3A_415 : memref<10000x128xf32, #tpu.memory_space<hbm>>) dst(%arg9 : memref<40x128xf32, #tpu.memory_space<vmem>>)
    %dma_start3A_416 = arith.constant 0 : i32
    %dma_start3A_417 = arith.constant 0 : i32
    %dma_start3A_418 = tpu.memref_slice %arg8[%dma_start3A_416, %dma_start3A_417] : memref<10240x128xf32, #tpu.memory_space<vmem_shared>> -> memref<10240x128xf32, #tpu.memory_space<vmem_shared>>
    tpu.enqueue_indirect_dma source(%arg9 : memref<40x128xf32, #tpu.memory_space<vmem>>) target(%dma_start3A_418 : memref<10240x128xf32, #tpu.memory_space<vmem_shared>>) offsets(%arg14 : memref<40xi32, #tpu.memory_space<vmem>>) semaphore(%arg24 : memref<!tpu.dma_semaphore, #tpu.memory_space<semaphore_mem>>) {add = true}
    %dma_wait3A_419 = arith.constant 9840 : i32
    %dma_wait3A_420 = tpu.memref_slice %arg6[%dma_wait3A_419] : memref<10000xi32, #tpu.memory_space<vmem>> -> memref<40xi32, #tpu.memory_space<vmem>>
    %dma_wait3A_421 = arith.constant 0 : i32
    %dma_wait3A_422 = arith.constant 0 : i32
    %dma_wait3A_423 = tpu.memref_slice %arg2[%dma_wait3A_421, %dma_wait3A_422] : memref<10000x128xf32, #tpu.memory_space<hbm>> -> memref<10000x128xf32, #tpu.memory_space<hbm>>
    tpu.wait_indirect_dma semaphore(%arg20 : memref<!tpu.dma_semaphore, #tpu.memory_space<semaphore_mem>>) src(%dma_wait3A_423 : memref<10000x128xf32, #tpu.memory_space<hbm>>) dst(%arg10 : memref<40x128xf32, #tpu.memory_space<vmem>>)
    %dma_start3A_424 = arith.constant 0 : i32
    %dma_start3A_425 = arith.constant 0 : i32
    %dma_start3A_426 = tpu.memref_slice %arg8[%dma_start3A_424, %dma_start3A_425] : memref<10240x128xf32, #tpu.memory_space<vmem_shared>> -> memref<10240x128xf32, #tpu.memory_space<vmem_shared>>
    tpu.enqueue_indirect_dma source(%arg10 : memref<40x128xf32, #tpu.memory_space<vmem>>) target(%dma_start3A_426 : memref<10240x128xf32, #tpu.memory_space<vmem_shared>>) offsets(%arg15 : memref<40xi32, #tpu.memory_space<vmem>>) semaphore(%arg25 : memref<!tpu.dma_semaphore, #tpu.memory_space<semaphore_mem>>) {add = true}
    %dma_wait3A_427 = arith.constant 9880 : i32
    %dma_wait3A_428 = tpu.memref_slice %arg6[%dma_wait3A_427] : memref<10000xi32, #tpu.memory_space<vmem>> -> memref<40xi32, #tpu.memory_space<vmem>>
    %dma_wait3A_429 = arith.constant 0 : i32
    %dma_wait3A_430 = arith.constant 0 : i32
    %dma_wait3A_431 = tpu.memref_slice %arg2[%dma_wait3A_429, %dma_wait3A_430] : memref<10000x128xf32, #tpu.memory_space<hbm>> -> memref<10000x128xf32, #tpu.memory_space<hbm>>
    tpu.wait_indirect_dma semaphore(%arg21 : memref<!tpu.dma_semaphore, #tpu.memory_space<semaphore_mem>>) src(%dma_wait3A_431 : memref<10000x128xf32, #tpu.memory_space<hbm>>) dst(%arg11 : memref<40x128xf32, #tpu.memory_space<vmem>>)
    %dma_start3A_432 = arith.constant 0 : i32
    %dma_start3A_433 = arith.constant 0 : i32
    %dma_start3A_434 = tpu.memref_slice %arg8[%dma_start3A_432, %dma_start3A_433] : memref<10240x128xf32, #tpu.memory_space<vmem_shared>> -> memref<10240x128xf32, #tpu.memory_space<vmem_shared>>
    tpu.enqueue_indirect_dma source(%arg11 : memref<40x128xf32, #tpu.memory_space<vmem>>) target(%dma_start3A_434 : memref<10240x128xf32, #tpu.memory_space<vmem_shared>>) offsets(%arg16 : memref<40xi32, #tpu.memory_space<vmem>>) semaphore(%arg26 : memref<!tpu.dma_semaphore, #tpu.memory_space<semaphore_mem>>) {add = true}
    %dma_wait3A_435 = arith.constant 9920 : i32
    %dma_wait3A_436 = tpu.memref_slice %arg6[%dma_wait3A_435] : memref<10000xi32, #tpu.memory_space<vmem>> -> memref<40xi32, #tpu.memory_space<vmem>>
    %dma_wait3A_437 = arith.constant 0 : i32
    %dma_wait3A_438 = arith.constant 0 : i32
    %dma_wait3A_439 = tpu.memref_slice %arg2[%dma_wait3A_437, %dma_wait3A_438] : memref<10000x128xf32, #tpu.memory_space<hbm>> -> memref<10000x128xf32, #tpu.memory_space<hbm>>
    tpu.wait_indirect_dma semaphore(%arg22 : memref<!tpu.dma_semaphore, #tpu.memory_space<semaphore_mem>>) src(%dma_wait3A_439 : memref<10000x128xf32, #tpu.memory_space<hbm>>) dst(%arg12 : memref<40x128xf32, #tpu.memory_space<vmem>>)
    %dma_start3A_440 = arith.constant 0 : i32
    %dma_start3A_441 = arith.constant 0 : i32
    %dma_start3A_442 = tpu.memref_slice %arg8[%dma_start3A_440, %dma_start3A_441] : memref<10240x128xf32, #tpu.memory_space<vmem_shared>> -> memref<10240x128xf32, #tpu.memory_space<vmem_shared>>
    tpu.enqueue_indirect_dma source(%arg12 : memref<40x128xf32, #tpu.memory_space<vmem>>) target(%dma_start3A_442 : memref<10240x128xf32, #tpu.memory_space<vmem_shared>>) offsets(%arg17 : memref<40xi32, #tpu.memory_space<vmem>>) semaphore(%arg27 : memref<!tpu.dma_semaphore, #tpu.memory_space<semaphore_mem>>) {add = true}
    %dma_wait3A_443 = arith.constant 9960 : i32
    %dma_wait3A_444 = tpu.memref_slice %arg6[%dma_wait3A_443] : memref<10000xi32, #tpu.memory_space<vmem>> -> memref<40xi32, #tpu.memory_space<vmem>>
    %dma_wait3A_445 = arith.constant 0 : i32
    %dma_wait3A_446 = arith.constant 0 : i32
    %dma_wait3A_447 = tpu.memref_slice %arg2[%dma_wait3A_445, %dma_wait3A_446] : memref<10000x128xf32, #tpu.memory_space<hbm>> -> memref<10000x128xf32, #tpu.memory_space<hbm>>
    tpu.wait_indirect_dma semaphore(%arg23 : memref<!tpu.dma_semaphore, #tpu.memory_space<semaphore_mem>>) src(%dma_wait3A_447 : memref<10000x128xf32, #tpu.memory_space<hbm>>) dst(%arg13 : memref<40x128xf32, #tpu.memory_space<vmem>>)
    %dma_start3A_448 = arith.constant 0 : i32
    %dma_start3A_449 = arith.constant 0 : i32
    %dma_start3A_450 = tpu.memref_slice %arg8[%dma_start3A_448, %dma_start3A_449] : memref<10240x128xf32, #tpu.memory_space<vmem_shared>> -> memref<10240x128xf32, #tpu.memory_space<vmem_shared>>
    tpu.enqueue_indirect_dma source(%arg13 : memref<40x128xf32, #tpu.memory_space<vmem>>) target(%dma_start3A_450 : memref<10240x128xf32, #tpu.memory_space<vmem_shared>>) offsets(%arg18 : memref<40xi32, #tpu.memory_space<vmem>>) semaphore(%arg28 : memref<!tpu.dma_semaphore, #tpu.memory_space<semaphore_mem>>) {add = true}
    %dma_wait3A_451 = arith.constant 0 : i32
    %dma_wait3A_452 = arith.constant 0 : i32
    %dma_wait3A_453 = tpu.memref_slice %arg8[%dma_wait3A_451, %dma_wait3A_452] : memref<10240x128xf32, #tpu.memory_space<vmem_shared>> -> memref<10240x128xf32, #tpu.memory_space<vmem_shared>>
    tpu.wait_indirect_dma semaphore(%arg24 : memref<!tpu.dma_semaphore, #tpu.memory_space<semaphore_mem>>) src(%arg9 : memref<40x128xf32, #tpu.memory_space<vmem>>) dst(%dma_wait3A_453 : memref<10240x128xf32, #tpu.memory_space<vmem_shared>>)
    %dma_wait3A_454 = arith.constant 0 : i32
    %dma_wait3A_455 = arith.constant 0 : i32
    %dma_wait3A_456 = tpu.memref_slice %arg8[%dma_wait3A_454, %dma_wait3A_455] : memref<10240x128xf32, #tpu.memory_space<vmem_shared>> -> memref<10240x128xf32, #tpu.memory_space<vmem_shared>>
    tpu.wait_indirect_dma semaphore(%arg25 : memref<!tpu.dma_semaphore, #tpu.memory_space<semaphore_mem>>) src(%arg10 : memref<40x128xf32, #tpu.memory_space<vmem>>) dst(%dma_wait3A_456 : memref<10240x128xf32, #tpu.memory_space<vmem_shared>>)
    %dma_wait3A_457 = arith.constant 0 : i32
    %dma_wait3A_458 = arith.constant 0 : i32
    %dma_wait3A_459 = tpu.memref_slice %arg8[%dma_wait3A_457, %dma_wait3A_458] : memref<10240x128xf32, #tpu.memory_space<vmem_shared>> -> memref<10240x128xf32, #tpu.memory_space<vmem_shared>>
    tpu.wait_indirect_dma semaphore(%arg26 : memref<!tpu.dma_semaphore, #tpu.memory_space<semaphore_mem>>) src(%arg11 : memref<40x128xf32, #tpu.memory_space<vmem>>) dst(%dma_wait3A_459 : memref<10240x128xf32, #tpu.memory_space<vmem_shared>>)
    %dma_wait3A_460 = arith.constant 0 : i32
    %dma_wait3A_461 = arith.constant 0 : i32
    %dma_wait3A_462 = tpu.memref_slice %arg8[%dma_wait3A_460, %dma_wait3A_461] : memref<10240x128xf32, #tpu.memory_space<vmem_shared>> -> memref<10240x128xf32, #tpu.memory_space<vmem_shared>>
    tpu.wait_indirect_dma semaphore(%arg27 : memref<!tpu.dma_semaphore, #tpu.memory_space<semaphore_mem>>) src(%arg12 : memref<40x128xf32, #tpu.memory_space<vmem>>) dst(%dma_wait3A_462 : memref<10240x128xf32, #tpu.memory_space<vmem_shared>>)
    %dma_wait3A_463 = arith.constant 0 : i32
    %dma_wait3A_464 = arith.constant 0 : i32
    %dma_wait3A_465 = tpu.memref_slice %arg8[%dma_wait3A_463, %dma_wait3A_464] : memref<10240x128xf32, #tpu.memory_space<vmem_shared>> -> memref<10240x128xf32, #tpu.memory_space<vmem_shared>>
    tpu.wait_indirect_dma semaphore(%arg28 : memref<!tpu.dma_semaphore, #tpu.memory_space<semaphore_mem>>) src(%arg13 : memref<40x128xf32, #tpu.memory_space<vmem>>) dst(%dma_wait3A_465 : memref<10240x128xf32, #tpu.memory_space<vmem_shared>>)
    %barrier3A_466 = arith.constant 0 : index
    tpu.barrier barrier_id(%barrier3A_466)
    %mul3A_467 = arith.constant 640 : i32
    %mul3A_468 = arith.muli %arg1, %mul3A_467 : i32
    %mul3A_469 = arith.constant 640 : i32
    %mul3A_470 = arith.muli %arg1, %mul3A_469 : i32
    "tpu.region"() ({
      %run_scoped3A = tpu.sem_alloc : memref<!tpu.dma_semaphore, #tpu.memory_space<semaphore_mem>>
      %dma_start3A_471 = arith.constant 0 : i32
      %dma_start3A_472 = arith.constant 0 : i32
      %dma_start3A_473 = tpu.memref_slice %arg5[%arg0, %dma_start3A_471, %dma_start3A_472] : memref<2x10240x128xf32, #tpu.memory_space<hbm>> -> memref<1x10240x128xf32, #tpu.memory_space<hbm>>
      %dma_start3A_474 = tpu.memref_squeeze %dma_start3A_473 : memref<1x10240x128xf32, #tpu.memory_space<hbm>> -> memref<10240x128xf32, #tpu.memory_space<hbm>>
      %dma_start3A_475 = arith.constant 0 : i32
      %dma_start3A_476 = tpu.memref_slice %dma_start3A_474[%mul3A_470, %dma_start3A_475] : memref<10240x128xf32, #tpu.memory_space<hbm>> -> memref<640x128xf32, #tpu.memory_space<hbm>>
      %dma_start3A_477 = arith.constant 0 : i32
      %dma_start3A_478 = tpu.memref_slice %arg8[%mul3A_468, %dma_start3A_477] : memref<10240x128xf32, #tpu.memory_space<vmem_shared>> -> memref<640x128xf32, #tpu.memory_space<vmem_shared>>
      tpu.enqueue_dma source(%dma_start3A_478 : memref<640x128xf32, #tpu.memory_space<vmem_shared>>) target(%dma_start3A_476 : memref<640x128xf32, #tpu.memory_space<hbm>>) target_semaphore(%run_scoped3A : memref<!tpu.dma_semaphore, #tpu.memory_space<semaphore_mem>>)
      %dma_wait3A_479 = arith.constant 0 : i32
      %dma_wait3A_480 = arith.constant 0 : i32
      %dma_wait3A_481 = tpu.memref_slice %arg5[%arg0, %dma_wait3A_479, %dma_wait3A_480] : memref<2x10240x128xf32, #tpu.memory_space<hbm>> -> memref<1x10240x128xf32, #tpu.memory_space<hbm>>
      %dma_wait3A_482 = tpu.memref_squeeze %dma_wait3A_481 : memref<1x10240x128xf32, #tpu.memory_space<hbm>> -> memref<10240x128xf32, #tpu.memory_space<hbm>>
      %dma_wait3A_483 = arith.constant 0 : i32
      %dma_wait3A_484 = tpu.memref_slice %dma_wait3A_482[%mul3A_470, %dma_wait3A_483] : memref<10240x128xf32, #tpu.memory_space<hbm>> -> memref<640x128xf32, #tpu.memory_space<hbm>>
      %dma_wait3A_485 = arith.constant 0 : i32
      %dma_wait3A_486 = tpu.memref_slice %arg8[%mul3A_468, %dma_wait3A_485] : memref<10240x128xf32, #tpu.memory_space<vmem_shared>> -> memref<640x128xf32, #tpu.memory_space<vmem_shared>>
      tpu.wait_dma2 semaphore(%run_scoped3A : memref<!tpu.dma_semaphore, #tpu.memory_space<semaphore_mem>>) src(%dma_wait3A_486 : memref<640x128xf32, #tpu.memory_space<vmem_shared>>) dst(%dma_wait3A_484 : memref<640x128xf32, #tpu.memory_space<hbm>>)
      tpu.yield
    }) : () -> ()
    return
  }
}

module attributes {stable_mosaic.version = 14 : i64} {
  func.func @_combine_body(%arg0: i32, %arg1: memref<2000x128xf32, #tpu.memory_space<vmem>>, %arg2: memref<2x2000x128xf32, #tpu.memory_space<vmem>>, %arg3: memref<128x128xf32, #tpu.memory_space<vmem>>, %arg4: memref<2000x128xf32, #tpu.memory_space<vmem>>) attributes {dimension_semantics = [#tpu.dimension_semantics<arbitrary>], iteration_bounds = array<i64: 5>, scalar_prefetch = 0 : i64, scratch_operands = 0 : i64, tpu.core_type = #tpu.core_type<tc>, window_params = [{transform_indices = @transform_0, window_bounds = array<i64: 2000, 128>}, {transform_indices = @transform_1, window_bounds = array<i64: 2, 2000, 128>}, {pipeline_mode = #tpu.pipeline_mode<synchronous>, transform_indices = @transform_2, window_bounds = array<i64: 128, 128>}, {transform_indices = @transform_3, window_bounds = array<i64: 2000, 128>}]} {
    %get3A = arith.constant 0 : index
    %get3A_0 = arith.constant 0 : index
    %get3A_1 = arith.constant 0 : index
    %get3A_2 = vector.load %arg2[%get3A, %get3A_0, %get3A_1] : memref<2x2000x128xf32, #tpu.memory_space<vmem>>, vector<1x2000x128xf32>
    %get3A_3 = vector.shape_cast %get3A_2 : vector<1x2000x128xf32> to vector<2000x128xf32>
    %get3A_4 = arith.constant 1 : index
    %get3A_5 = arith.constant 0 : index
    %get3A_6 = arith.constant 0 : index
    %get3A_7 = vector.load %arg2[%get3A_4, %get3A_5, %get3A_6] : memref<2x2000x128xf32, #tpu.memory_space<vmem>>, vector<1x2000x128xf32>
    %get3A_8 = vector.shape_cast %get3A_7 : vector<1x2000x128xf32> to vector<2000x128xf32>
    %add3A = arith.addf %get3A_3, %get3A_8 : vector<2000x128xf32>
    %get3A_9 = arith.constant 0 : index
    %get3A_10 = arith.constant 0 : index
    %get3A_11 = vector.load %arg1[%get3A_9, %get3A_10] : memref<2000x128xf32, #tpu.memory_space<vmem>>, vector<2000x128xf32>
    %get3A_12 = arith.constant 0 : index
    %get3A_13 = arith.constant 0 : index
    %get3A_14 = vector.load %arg3[%get3A_12, %get3A_13] : memref<128x128xf32, #tpu.memory_space<vmem>>, vector<128x128xf32>
    %convert_element_type3A = arith.truncf %get3A_14 : vector<128x128xf32> to vector<128x128xbf16>
    %convert_element_type3A_15 = arith.extf %convert_element_type3A : vector<128x128xbf16> to vector<128x128xf32>
    %dot_general3A = arith.constant dense<0.000000e+00> : vector<2000x128xf32>
    %dot_general3A_16 = tpu.matmul %add3A, %convert_element_type3A_15, %dot_general3A {dimension_numbers = #tpu.dot_dimension_numbers<[1], [1], [0], [0], [0, 0, 1, 0], [], []>, precision = #tpu.contract_precision<fp32>, transpose_lhs_hint = false} : vector<2000x128xf32>, vector<128x128xf32>, vector<2000x128xf32> -> vector<2000x128xf32>
    %add3A_17 = arith.addf %get3A_11, %dot_general3A_16 : vector<2000x128xf32>
    %max3A = arith.constant 0.000000e+00 : f32
    %max3A_18 = vector.broadcast %max3A : f32 to vector<2000x128xf32>
    %max3A_19 = arith.maximumf %add3A_17, %max3A_18 : vector<2000x128xf32>
    %convert_element_type3A_20 = arith.truncf %max3A_19 : vector<2000x128xf32> to vector<2000x128xbf16>
    %convert_element_type3A_21 = arith.extf %convert_element_type3A_20 : vector<2000x128xbf16> to vector<2000x128xf32>
    %swap3A = arith.constant 0 : index
    %swap3A_22 = arith.constant 0 : index
    %swap3A_23 = vector.load %arg4[%swap3A, %swap3A_22] : memref<2000x128xf32, #tpu.memory_space<vmem>>, vector<2000x128xf32>
    tpu.vector_store %arg4[%swap3A, %swap3A_22], %convert_element_type3A_21 {strides = array<i32>} : memref<2000x128xf32, #tpu.memory_space<vmem>>, vector<2000x128xf32>,
    return
  }
  func.func @transform_0(%arg0: i32) -> (i32, i32) {
    %c0_i32 = arith.constant 0 : i32
    %c0_i32_0 = arith.constant 0 : i32
    return %arg0, %c0_i32 : i32, i32
  }
  func.func @transform_1(%arg0: i32) -> (i32, i32, i32) {
    %c0_i32 = arith.constant 0 : i32
    %c0_i32_0 = arith.constant 0 : i32
    %c0_i32_1 = arith.constant 0 : i32
    return %c0_i32, %arg0, %c0_i32_0 : i32, i32, i32
  }
  func.func @transform_2(%arg0: i32) -> (i32, i32) {
    %c0_i32 = arith.constant 0 : i32
    %c0_i32_0 = arith.constant 0 : i32
    %c0_i32_1 = arith.constant 0 : i32
    return %c0_i32, %c0_i32_0 : i32, i32
  }
  func.func @transform_3(%arg0: i32) -> (i32, i32) {
    %c0_i32 = arith.constant 0 : i32
    %c0_i32_0 = arith.constant 0 : i32
    return %arg0, %c0_i32 : i32, i32
  }
}

module attributes {stable_mosaic.version = 14 : i64} {
  func.func @_root_body(%arg0: i32, %arg1: memref<2000x128xf32, #tpu.memory_space<vmem>>, %arg2: memref<128x128xf32, #tpu.memory_space<vmem>>, %arg3: memref<2000x128xf32, #tpu.memory_space<vmem>>) attributes {dimension_semantics = [#tpu.dimension_semantics<arbitrary>], iteration_bounds = array<i64: 5>, scalar_prefetch = 0 : i64, scratch_operands = 0 : i64, tpu.core_type = #tpu.core_type<tc>, window_params = [{transform_indices = @transform_0, window_bounds = array<i64: 2000, 128>}, {pipeline_mode = #tpu.pipeline_mode<synchronous>, transform_indices = @transform_1, window_bounds = array<i64: 128, 128>}, {transform_indices = @transform_2, window_bounds = array<i64: 2000, 128>}]} {
    %get3A = arith.constant 0 : index
    %get3A_0 = arith.constant 0 : index
    %get3A_1 = vector.load %arg1[%get3A, %get3A_0] : memref<2000x128xf32, #tpu.memory_space<vmem>>, vector<2000x128xf32>
    %get3A_2 = arith.constant 0 : index
    %get3A_3 = arith.constant 0 : index
    %get3A_4 = vector.load %arg2[%get3A_2, %get3A_3] : memref<128x128xf32, #tpu.memory_space<vmem>>, vector<128x128xf32>
    %convert_element_type3A = arith.truncf %get3A_4 : vector<128x128xf32> to vector<128x128xbf16>
    %convert_element_type3A_5 = arith.extf %convert_element_type3A : vector<128x128xbf16> to vector<128x128xf32>
    %dot_general3A = arith.constant dense<0.000000e+00> : vector<2000x128xf32>
    %dot_general3A_6 = tpu.matmul %get3A_1, %convert_element_type3A_5, %dot_general3A {dimension_numbers = #tpu.dot_dimension_numbers<[1], [1], [0], [0], [0, 0, 1, 0], [], []>, precision = #tpu.contract_precision<fp32>, transpose_lhs_hint = false} : vector<2000x128xf32>, vector<128x128xf32>, vector<2000x128xf32> -> vector<2000x128xf32>
    %swap3A = arith.constant 0 : index
    %swap3A_7 = arith.constant 0 : index
    %swap3A_8 = vector.load %arg3[%swap3A, %swap3A_7] : memref<2000x128xf32, #tpu.memory_space<vmem>>, vector<2000x128xf32>
    tpu.vector_store %arg3[%swap3A, %swap3A_7], %dot_general3A_6 {strides = array<i32>} : memref<2000x128xf32, #tpu.memory_space<vmem>>, vector<2000x128xf32>,
    return
  }
  func.func @transform_0(%arg0: i32) -> (i32, i32) {
    %c0_i32 = arith.constant 0 : i32
    %c0_i32_0 = arith.constant 0 : i32
    return %arg0, %c0_i32 : i32, i32
  }
  func.func @transform_1(%arg0: i32) -> (i32, i32) {
    %c0_i32 = arith.constant 0 : i32
    %c0_i32_0 = arith.constant 0 : i32
    %c0_i32_1 = arith.constant 0 : i32
    return %c0_i32, %c0_i32_0 : i32, i32
  }
  func.func @transform_2(%arg0: i32) -> (i32, i32) {
    %c0_i32 = arith.constant 0 : i32
    %c0_i32_0 = arith.constant 0 : i32
    return %arg0, %c0_i32 : i32, i32
  }
}

module attributes {stable_mosaic.version = 14 : i64} {
  func.func @_final_body(%arg0: i32, %arg1: memref<2000x128xf32, #tpu.memory_space<vmem>>, %arg2: memref<2x2000x128xf32, #tpu.memory_space<vmem>>, %arg3: memref<128x128xf32, #tpu.memory_space<vmem>>, %arg4: memref<1x128xf32, #tpu.memory_space<vmem>>, %arg5: memref<2000x1xf32, #tpu.memory_space<vmem>>) attributes {dimension_semantics = [#tpu.dimension_semantics<arbitrary>], iteration_bounds = array<i64: 5>, scalar_prefetch = 0 : i64, scratch_operands = 0 : i64, tpu.core_type = #tpu.core_type<tc>, window_params = [{transform_indices = @transform_0, window_bounds = array<i64: 2000, 128>}, {transform_indices = @transform_1, window_bounds = array<i64: 2, 2000, 128>}, {pipeline_mode = #tpu.pipeline_mode<synchronous>, transform_indices = @transform_2, window_bounds = array<i64: 128, 128>}, {pipeline_mode = #tpu.pipeline_mode<synchronous>, transform_indices = @transform_3, window_bounds = array<i64: 1, 128>}, {transform_indices = @transform_4, window_bounds = array<i64: 2000, 1>}]} {
    %get3A = arith.constant 0 : index
    %get3A_0 = arith.constant 0 : index
    %get3A_1 = arith.constant 0 : index
    %get3A_2 = vector.load %arg2[%get3A, %get3A_0, %get3A_1] : memref<2x2000x128xf32, #tpu.memory_space<vmem>>, vector<1x2000x128xf32>
    %get3A_3 = vector.shape_cast %get3A_2 : vector<1x2000x128xf32> to vector<2000x128xf32>
    %get3A_4 = arith.constant 1 : index
    %get3A_5 = arith.constant 0 : index
    %get3A_6 = arith.constant 0 : index
    %get3A_7 = vector.load %arg2[%get3A_4, %get3A_5, %get3A_6] : memref<2x2000x128xf32, #tpu.memory_space<vmem>>, vector<1x2000x128xf32>
    %get3A_8 = vector.shape_cast %get3A_7 : vector<1x2000x128xf32> to vector<2000x128xf32>
    %add3A = arith.addf %get3A_3, %get3A_8 : vector<2000x128xf32>
    %get3A_9 = arith.constant 0 : index
    %get3A_10 = arith.constant 0 : index
    %get3A_11 = vector.load %arg1[%get3A_9, %get3A_10] : memref<2000x128xf32, #tpu.memory_space<vmem>>, vector<2000x128xf32>
    %get3A_12 = arith.constant 0 : index
    %get3A_13 = arith.constant 0 : index
    %get3A_14 = vector.load %arg3[%get3A_12, %get3A_13] : memref<128x128xf32, #tpu.memory_space<vmem>>, vector<128x128xf32>
    %convert_element_type3A = arith.truncf %get3A_14 : vector<128x128xf32> to vector<128x128xbf16>
    %convert_element_type3A_15 = arith.extf %convert_element_type3A : vector<128x128xbf16> to vector<128x128xf32>
    %dot_general3A = arith.constant dense<0.000000e+00> : vector<2000x128xf32>
    %dot_general3A_16 = tpu.matmul %add3A, %convert_element_type3A_15, %dot_general3A {dimension_numbers = #tpu.dot_dimension_numbers<[1], [1], [0], [0], [0, 0, 1, 0], [], []>, precision = #tpu.contract_precision<fp32>, transpose_lhs_hint = false} : vector<2000x128xf32>, vector<128x128xf32>, vector<2000x128xf32> -> vector<2000x128xf32>
    %add3A_17 = arith.addf %get3A_11, %dot_general3A_16 : vector<2000x128xf32>
    %max3A = arith.constant 0.000000e+00 : f32
    %max3A_18 = vector.broadcast %max3A : f32 to vector<2000x128xf32>
    %max3A_19 = arith.maximumf %add3A_17, %max3A_18 : vector<2000x128xf32>
    %convert_element_type3A_20 = arith.truncf %max3A_19 : vector<2000x128xf32> to vector<2000x128xbf16>
    %convert_element_type3A_21 = arith.extf %convert_element_type3A_20 : vector<2000x128xbf16> to vector<2000x128xf32>
    %get3A_22 = arith.constant 0 : index
    %get3A_23 = arith.constant 0 : index
    %get3A_24 = vector.load %arg4[%get3A_22, %get3A_23] : memref<1x128xf32, #tpu.memory_space<vmem>>, vector<1x128xf32>
    %convert_element_type3A_25 = arith.truncf %get3A_24 : vector<1x128xf32> to vector<1x128xbf16>
    %convert_element_type3A_26 = arith.extf %convert_element_type3A_25 : vector<1x128xbf16> to vector<1x128xf32>
    %dot_general3A_27 = arith.constant dense<0.000000e+00> : vector<2000x1xf32>
    %dot_general3A_28 = tpu.matmul %convert_element_type3A_21, %convert_element_type3A_26, %dot_general3A_27 {dimension_numbers = #tpu.dot_dimension_numbers<[1], [1], [0], [0], [0, 0, 1, 0], [], []>, precision = #tpu.contract_precision<fp32>, transpose_lhs_hint = false} : vector<2000x128xf32>, vector<1x128xf32>, vector<2000x1xf32> -> vector<2000x1xf32>
    %swap3A = arith.constant 0 : index
    %swap3A_29 = arith.constant 0 : index
    %swap3A_30 = vector.load %arg5[%swap3A, %swap3A_29] : memref<2000x1xf32, #tpu.memory_space<vmem>>, vector<2000x1xf32>
    tpu.vector_store %arg5[%swap3A, %swap3A_29], %dot_general3A_28 {strides = array<i32>} : memref<2000x1xf32, #tpu.memory_space<vmem>>, vector<2000x1xf32>,
    return
  }
  func.func @transform_0(%arg0: i32) -> (i32, i32) {
    %c0_i32 = arith.constant 0 : i32
    %c0_i32_0 = arith.constant 0 : i32
    return %arg0, %c0_i32 : i32, i32
  }
  func.func @transform_1(%arg0: i32) -> (i32, i32, i32) {
    %c0_i32 = arith.constant 0 : i32
    %c0_i32_0 = arith.constant 0 : i32
    %c0_i32_1 = arith.constant 0 : i32
    return %c0_i32, %arg0, %c0_i32_0 : i32, i32, i32
  }
  func.func @transform_2(%arg0: i32) -> (i32, i32) {
    %c0_i32 = arith.constant 0 : i32
    %c0_i32_0 = arith.constant 0 : i32
    %c0_i32_1 = arith.constant 0 : i32
    return %c0_i32, %c0_i32_0 : i32, i32
  }
  func.func @transform_3(%arg0: i32) -> (i32, i32) {
    %c0_i32 = arith.constant 0 : i32
    %c0_i32_0 = arith.constant 0 : i32
    %c0_i32_1 = arith.constant 0 : i32
    return %c0_i32, %c0_i32_0 : i32, i32
  }
  func.func @transform_4(%arg0: i32) -> (i32, i32) {
    %c0_i32 = arith.constant 0 : i32
    %c0_i32_0 = arith.constant 0 : i32
    return %arg0, %c0_i32 : i32, i32
  }
}

</mosaic_0001>

<sc_bundles>
// kernel: kernel.11.cloned.1.call-start
scs
__scs_entry_jumppad:
0x0: {  	(pc) =	sbr.rel $0x88, $3  }
0x1: {  	(tag) =	ssettag $0x0;
	lr =	simm.s32 $0x1  }
0x2: {  	[smem:$0x3F9C] =	sst lr;
	_ =	strace $0xD0000000  }
0x3: {  	_ = 	snop  }
0x4: {  	_ = 	snop  }
0x5: {  	_ = 	snop  }
0x6: {  	_ = 	snop  }
0x7: {  	_ = 	snop  }
__scs_overlays_trampoline_lowered:
0x8: {  	[smem:$0x3FAB] =	sst s0  }
0x9: {  	[smem:$0x3FAC] =	sst s1  }
0xa: {  	[smem:$0x3FAD] =	sst s2  }
0xb: {  	[smem:$0x3FAE] =	sst s3  }
0xc: {  	[smem:$0x3FAF] =	sst s4  }
0xd: {  	[smem:$0x3FB0] =	sst s5  }
0xe: {  	[smem:$0x3FB1] =	sst s6  }
0xf: {  	[smem:$0x3FB2] =	sst s7  }
0x10: {  	[smem:$0x3FB3] =	sst s8  }
0x11: {  	[smem:$0x3FB4] =	sst s9;
	s0 =	simm.s32 @!p0 $0x0  }
0x12: {  	s1 =	sld [smem:$0x3F9A];
	s0 =	simm.s32 @p0 $0x1  }
0x13: {  	[smem:$0x3FB5] =	sst s0;
	s0 =	simm.s32 @!p1 $0x0  }
0x14: {  	s2 =	sld [smem:$0x3F99];
	s0 =	simm.s32 @p1 $0x1  }
0x15: {  	[smem:$0x3FB6] =	sst s0;
	s0 =	simm.s32 @!p2 $0x0  }
0x16: {  	s3 =	sld [smem:$0x3FDB];
	s0 =	simm.s32 @p2 $0x1  }
0x17: {  	s4 =	simm.s32 $0x1BF5;
	[smem:$0x3FB8] =	sst s0  }
0x18: {  	s0 =	sld [smem:$0x3F9B];
	_ =	swait.ge [sflag:s4], $0x0  }
0x19: {  	s7 =	sld [smem:$0x3F9C]  }
0x1a: {  	s8 =	sadd.s32 $0xFFFFE003, lr  }
0x1b: {  	s9 =	sadd.s32 $0xFFFFFEF7, lr;
	s5 =	simm.s32 $0xFFFFFFFF;
	p2 =	slt.u32 s8, $0xFFFFF086  }
0x1c: {  	p1 =	slt.u32 s9, $0xF7A;
	s5 =	simm.s32 @!p2 $0x0  }
0x1d: {  	s5 =	simm.s32 @p1 $0x1;
	p0 =	seq.s32 s7, s2  }
0x1e: {  	s7 =	smul.u32 @!p0 $0xF7A, s2;
	p2 =	seq.s32 @!p0 s5, $0x0  }
0x1f: {  	s9 =	smul.u32 $0xF7A, s1;
	s8 =	simm.s32 @!p0 $0x1BF5;
	p2 =	por !p2, p0  }
0x20: {  	[sflag:s8] =	ssyncset.s32 @!p0 $0xFFFFF086;
	s6 =	sadd.s32 @!p0 s3, s7;
	s7 =	simm.s32 @!p0 $0x108  }
0x21: {  	s3 =	sadd.s32 s3, s9;
	s6 =	sadd.s32 @!p0 $0x88, s6;
	s7 =	simm.s32 @p2 $0x1082  }
0x22: {  	[simem:s7], [sflag:s8] =	dma.local @!p0 [hbm:s6], $0xF7A  }
0x23: {  	s9 =	sor.u32 $0xD0000000, s2;
	s6 =	simm.s32 $0x108;
	_ =	swait.ge @!p0 [sflag:s8], $0x0  }
0x24: {  	s3 =	sadd.s32 $0x88, s3;
	s6 =	simm.s32 @!p1 $0x1082;
	[sflag:s4] =	ssyncset.s32 $0xFFFFF086  }
0x25: {  	[simem:s6], [sflag:s4] =	dma.local [hbm:s3], $0xF7A  }
0x26: {  	[smem:$0x3F9C] =	sst s1;
	(tag) =	ssettag s2;
	_ =	strace s9  }
0x27: {  	s1 =	sld [smem:$0x3FAC]  }
0x28: {  	s2 =	sld [smem:$0x3FAD]  }
0x29: {  	s4 =	sld [smem:$0x3FAF]  }
0x2a: {  	p0 =	seq.s32 s5, $0x0;
	s5 =	sld [smem:$0x3FB0]  }
0x2b: {  	s6 =	sld [smem:$0x3FB1]  }
0x2c: {  	s7 =	sld [smem:$0x3FB2]  }
0x2d: {  	s3 =	simm.s32 $0x108;
	s8 =	sld [smem:$0x3FB3]  }
0x2e: {  	s3 =	simm.s32 @!p0 $0x1082;
	s9 =	sld [smem:$0x3FB4]  }
0x2f: {  	lr =	sadd.s32 s0, s3;
	s0 =	sld [smem:$0x3FAB]  }
0x30: {  	s3 =	sld [smem:$0x3FAE]  }
0x31: {  	[smem:$0x3FB7] =	sst s10  }
0x32: {  	s10 =	sld [smem:$0x3FB5];
	_ =	sdelay $0x3  }
0x33: {  	p0 =	seq.s32 s10, $0x1;
	s10 =	sld [smem:$0x3FB7];
	_ =	sdelay $0x3  }
0x34: {  	[smem:$0x3FB7] =	sst s10  }
0x35: {  	s10 =	sld [smem:$0x3FB6];
	_ =	sdelay $0x3  }
0x36: {  	p1 =	seq.s32 s10, $0x1;
	s10 =	sld [smem:$0x3FB7];
	_ =	sdelay $0x3  }
0x37: {  	[smem:$0x3FB7] =	sst s10  }
0x38: {  	s10 =	sld [smem:$0x3FB8]  }
0x39: {  	_ = 	snop;
	(pc) =	sbr.ind lr, $3  }
0x3a: {  	_ = 	snop  }
0x3b: {  	_ = 	snop  }
0x3c: {  	p2 =	seq.s32 s10, $0x1;
	s10 =	sld [smem:$0x3FB7]  }
0x3d: {  	_ =	shalt  }
0x3e: {  	_ =	shalt  }
0x3f: {  	_ =	shalt  }
0x40: {  	_ =	shalt  }
0x41: {  	_ =	shalt  }
0x42: {  	_ =	shalt  }
0x43: {  	_ =	shalt  }
0x44: {  	_ =	shalt  }
0x45: {  	_ =	shalt  }
0x46: {  	_ =	shalt  }
0x47: {  	_ =	shalt  }
0x48: {  	_ =	shalt  }
0x49: {  	_ =	shalt  }
0x4a: {  	_ =	shalt  }
0x4b: {  	_ =	shalt  }
0x4c: {  	_ =	shalt  }
0x4d: {  	_ =	shalt  }
0x4e: {  	_ =	shalt  }
0x4f: {  	_ =	shalt  }
0x50: {  	_ =	shalt  }
0x51: {  	_ =	shalt  }
0x52: {  	_ =	shalt  }
0x53: {  	_ =	shalt  }
0x54: {  	_ =	shalt  }
0x55: {  	_ =	shalt  }
0x56: {  	_ =	shalt  }
0x57: {  	_ =	shalt  }
0x58: {  	_ =	shalt  }
0x59: {  	_ =	shalt  }
0x5a: {  	_ =	shalt  }
0x5b: {  	_ =	shalt  }
0x5c: {  	_ =	shalt  }
0x5d: {  	_ =	shalt  }
0x5e: {  	_ =	shalt  }
0x5f: {  	_ =	shalt  }
0x60: {  	_ =	shalt  }
0x61: {  	_ =	shalt  }
0x62: {  	_ =	shalt  }
0x63: {  	_ =	shalt  }
0x64: {  	_ =	shalt  }
0x65: {  	_ =	shalt  }
0x66: {  	_ =	shalt  }
0x67: {  	_ =	shalt  }
0x68: {  	_ =	shalt  }
0x69: {  	_ =	shalt  }
0x6a: {  	_ =	shalt  }
0x6b: {  	_ =	shalt  }
0x6c: {  	_ =	shalt  }
0x6d: {  	_ =	shalt  }
0x6e: {  	_ =	shalt  }
0x6f: {  	_ =	shalt  }
0x70: {  	_ =	shalt  }
0x71: {  	_ =	shalt  }
0x72: {  	_ =	shalt  }
0x73: {  	_ =	shalt  }
0x74: {  	_ =	shalt  }
0x75: {  	_ =	shalt  }
0x76: {  	_ =	shalt  }
0x77: {  	_ =	shalt  }
0x78: {  	_ =	shalt  }
0x79: {  	_ =	shalt  }
0x7a: {  	_ =	shalt  }
0x7b: {  	_ =	shalt  }
0x7c: {  	_ =	shalt  }
0x7d: {  	_ =	shalt  }
0x7e: {  	_ =	shalt  }
0x7f: {  	_ =	shalt  }
0x80: {  	_ =	shalt  }
0x81: {  	_ =	shalt  }
0x82: {  	_ =	shalt  }
0x83: {  	_ =	shalt  }
0x84: {  	_ =	shalt  }
0x85: {  	_ =	shalt  }
0x86: {  	_ =	shalt  }
0x87: {  	_ =	shalt  }
.Lfunc_end0:
.L_simem_size_0:
called_computation.1_lowered:
.L_overlay_start_0:
0x88: {  	s2 =	sld [smem:$0x3FD9]  }
0x89: {  	s3 =	sld [smem:$0x3FFE];
	_ =	sdelay $0x1  }
0x8a: {  	s1 =	srdreg.scid  }
0x8b: {  	s0 =	sand.u32 $0x1, s1  }
0x8c: {  	s16 =	sshll.u32 s0, $0xA;
	s2 =	sadd.s32 s3, s2  }
0x8d: {  	s2 =	sadd.s32 s2, s16  }
0x8e: {  	[smem:$0x3FC3] =	sst s2  }
0x8f: {  	_ = 	snop  }
0x90: {  	(tm) =	ssettm $0x1  }
0x91: {  	s17 =	sld [smem:$0x3FFB];
	_ =	sdelay $0x3  }
0x92: {  	_ =	strace s17  }
0x93: {  	s2 =	sld [smem:$0x3FFC];
	_ =	sdelay $0x3  }
0x94: {  	_ =	strace s2  }
0x95: {  	s2 =	sld [smem:$0x3FFD];
	_ =	sdelay $0x3  }
0x96: {  	_ =	strace s2  }
0x97: {  	_ =	strace $0x8FFFFFFF  }
0x98: {  	s18 =	sld [smem:$0x3FDB];
	_ =	sdelay $0x1  }
0x99: {  	s19 =	simm.s32 $_scs_section_size  }
0x9a: {  	s4 =	simm.s32 $_size__tile_overlayer_lowered;
	s5 =	simm.s32 $_tile_overlayer_lowered  }
0x9b: {  	s22 =	simm.s32 $0x1BFF;
	s21 =	sshll.u32 s5, $0x1;
	s2 =	sadd.s32 s19, s18  }
0x9c: {  	s6 =	simm.s32 $0x0;
	s20 =	sshll.u32 s4, $0x1;
	s4 =	sadd.s32 s21, s2  }
0x9d: {  	[timem:s6], [sflag:s22] =	dma.local [hbm:s4], s20  }
0x9e: {  	_ =	swait.ge [sflag:s22], s20  }
0x9f: {  	s3 =	ssub.s32 $0x0, s20;
	[sflag:s22] =	ssyncset.done $0x0  }
0xa0: {  	[sflag:s22] =	ssyncadd.s32 s3;
	_ =	sdelay $0x1  }
0xa1: {  	s23 =	simm.s32 $0x1B8B  }
0xa2: {  	_ =	swait.ge [sflag:s23], $0x1  }
0xa3: {  	[sflag:s23] =	ssyncset.done $0x0  }
0xa4: {  	s25 =	simm.s32 $0x1B8E;
	s24 =	sld [smem:$0x3FFE];
	[sflag:s23] =	ssyncadd.s32 $0xFFFFFFFF  }
0xa5: {  	s26 =	simm.s32 $execute0_lowered;
	[smem:$0x3FD2] =	sst s25  }
0xa6: {  	s4 =	sshll.u32 s26, $0x1;
	_ =	strace $0x80000049;
	[dreg:$0x1] =	wrdreg $0xFFFFFFFF  }
0xa7: {  	s28 =	simm.s32 $_size_execute0_lowered;
	s2 =	sadd.s32 s2, s4;
	[dreg:$0x0] =	wrdreg $0x0  }
0xa8: {  	s4 =	sshll.u32 s28, $0x1;
	[dreg:$0x2] =	wrdreg s2  }
0xa9: {  	[dreg:$0x3] =	wrdreg s4  }
0xaa: {  	[dreg:$0x4] =	wrdreg $0xC0  }
0xab: {  	_ =	task [dreg:s6], $0x5FFFF  }
0xac: {  	[dreg:$0x1] =	wrdreg $0xFFFFFFFF  }
0xad: {  	[dreg:$0x0] =	wrdreg $0x60  }
0xae: {  	[dreg:$0x2] =	wrdreg s24  }
0xaf: {  	[dreg:$0x3] =	wrdreg $0x4F000  }
0xb0: {  	[dreg:$0x4] =	wrdreg $0x9  }
0xb1: {  	_ =	task.clear_ibuf [dreg:s6], $0x5FFFF;
	_ =	strace $0x90000049  }
0xb2: {  	s29 =	simm.s32 $0x9;
	_ =	strace $0x8000004B  }
0xb3: {  	_ =	swait.ge [sflag:s29], $0x1  }
0xb4: {  	[sflag:s29] =	ssyncadd.s32 $0xFFFFFFFF  }
0xb5: {  	_ =	strace $0x9000004B  }
0xb6: {  	_ =	sfence  }
0xb7: {  	s30 =	sld [smem:$0x0];
	_ =	sdelay $0x2  }
0xb8: {  	s31 =	sshll.u32 s1, $0xD;
	s1 =	sshrl.u32 s1, $0x2  }
0xb9: {  	s3 =	sand.u32 $0x4000, s31;
	s1 =	sadd.s32 s1, s30  }
0xba: {  	s0 =	sor.u32 s3, s0;
	s1 =	sshll.u32 s1, $0x11  }
0xbb: {  	s0 =	sor.u32 s1, s0  }
0xbc: {  	s0 =	sadd.s32 $0x8F2B, s0  }
0xbd: {  	[sflag:s0] =	ssyncadd.remote.s32 $0x1  }
0xbe: {  	_ =	sfence.sel $0xFFFF  }
0xbf: {  	[dreg:$0x0] =	wrdreg $0xFFFFFFFF;
	(pc) =	sbr.abs _section_cstart, $3  }
0xc0: {  	[dreg:$0x1] =	wrdreg $0xFFFFFFFF  }
0xc1: {  	_ =	task.clear_ibuf [dreg:s6], $0x2FFFF;
	_ =	strace $0x9FFFFFFF  }
0xc2: {  	(tm) =	ssettm $0x7FFFFFFF  }
0xc3: {  	_ =	shalt  }
tec
execute0_lowered:
.L_overlay_start_1:
0x0: {  	(tag) =	ssettag $0x1  }
0x1: {  	s8 =	stileid.u32  }
0x2: {  	s5 =	smul.u32 $0x50000, s8  }
0x3: {  	s1 =	rddreg [dreg:$0x0]  }
0x4: {  	s0 =	srdreg.scid;
	s2 =	rddreg [dreg:$0x1];
	s5 =	sshrl.u32 s5, $0x2  }
0x5: {  	s4 =	simm.s32 $0x0;
	s28 =	simm.s32 $0x1;
	s5 =	sadd.s32 s5, s2  }
0x6: {  	s29 =	simm.s32 $0x2;
	[smem:$0x7FF] =	sst s4;
	s10 =	sadd.s32 $0x1400, s5  }
0x7: {  	_ =	strace $0x8000004A;
	s11 =	sadd.s32 $0x2800, s5;
	[dreg:$0x5] =	wrdreg s10  }
0x8: {  	s30 =	simm.s32 $0x6;
	s12 =	sadd.s32 $0x3C00, s5;
	[dreg:$0x6] =	wrdreg s11  }
0x9: {  	s31 =	simm.s32 $0x7;
	s13 =	sadd.s32 $0x5000, s5;
	[dreg:$0x7] =	wrdreg s12  }
0xa: {  	s0 =	sand.u32 $0x1, s0;
	s14 =	sadd.s32 $0x6400, s5;
	[dreg:$0x8] =	wrdreg s13  }
0xb: {  	s4 =	sadd.s32 $0x14E00, s1;
	s15 =	sadd.s32 $0x7800, s5;
	[dreg:$0x9] =	wrdreg s14  }
0xc: {  	s22 =	smul.u32 $0x2800, s8;
	s16 =	sadd.s32 $0x8C00, s5;
	[dreg:$0xa] =	wrdreg s15  }
0xd: {  	s3 =	sshll.u32 s0, $0x4;
	s17 =	sadd.s32 $0xA000, s5;
	[dreg:$0xb] =	wrdreg s16  }
0xe: {  	s6 =	smul.u32 $0x28000, s0;
	s18 =	sadd.s32 $0xB400, s5;
	[dreg:$0xc] =	wrdreg s17  }
0xf: {  	s0 =	ssub.s32 $0x2, s0;
	s19 =	sadd.s32 $0xC800, s5;
	[dreg:$0xd] =	wrdreg s18  }
0x10: {  	s3 =	sor.u32 s8, s3;
	s20 =	sadd.s32 $0xDC00, s5;
	[dreg:$0xe] =	wrdreg s19  }
0x11: {  	s7 =	sshrl.u32 s0, $0x1;
	s21 =	sadd.s32 $0xF000, s5;
	[dreg:$0xf] =	wrdreg s20  }
0x12: {  	s8 =	simm.s32 $0x1CB00;
	s23 =	sadd.s32 $0x10400, s5;
	[dreg:$0x10] =	wrdreg s21  }
0x13: {  	s3 =	smul.u32 $0x4E2, s3;
	s24 =	sadd.s32 $0x11800, s5;
	[dreg:$0x11] =	wrdreg s23  }
0x14: {  	s0 =	ssub.s32 s0, s7;
	s25 =	sadd.s32 $0x12C00, s5;
	[dreg:$0x12] =	wrdreg s24  }
0x15: {  	s7 =	simm.s32 $0x1B700;
	s0 =	smax.u32 s0, $0x1;
	[dreg:$0x13] =	wrdreg s25  }
0x16: {  	s3 =	sadd.s32 s3, s1;
	s1 =	sadd.s32 s6, s1;
	[dreg:$0x14] =	wrdreg s0  }
0x17: {  	s0 =	simm.s32 $0x8;
	s25 =	simm.s32 $0x9;
	s6 =	simm.s32 $0x1A300  }
0x18: {  	s10 =	simm.s32 $0x1F300;
	s11 =	simm.s32 $0x1F380;
	s12 =	simm.s32 $0x3  }
0x19: {  	s13 =	simm.s32 $0x1F400;
	s14 =	simm.s32 $0x4;
	s15 =	simm.s32 $0x1F480  }
0x1a: {  	s16 =	simm.s32 $0x5;
	s17 =	simm.s32 $0x1F500;
	s9 =	sadd.s32 $0xB000, s3  }
0x1b: {  	s18 =	simm.s32 $0xB;
	s3 =	sadd.s32 $0x1200, s3;
	[dreg:$0x3] =	wrdreg s9  }
0x1c: {  	s19 =	simm.s32 $0x0;
	s1 =	sadd.s32 $0x3C000, s1;
	[dreg:$0x4] =	wrdreg s3  }
0x1d: {  	s26 =	sadd.s32 s22, s1;
	s1 =	simm.s32 $0xA;
	s3 =	simm.s32 $0x28  }
0x1e: {  	v0 =	vimm.f32 $0.0e+00;
	s9 =	simm.s32 $0x1DF00;
	[dreg:$0x15] =	wrdreg s26;
	s26 =	simm.s32 $0x18F00  }
.LBB2_1:
0x1f: {  	s20 =	simm.s32 $0x0;
	s21 =	rddreg [dreg:$0x3]  }
0x20: {  	[tilespmem:s20], [sflag:$0x1] =	stream.linear.gather [hbm4b:s21+s20], $0x2710, $0x38;
	[tilespmem:$0x1F580] =	vst v63  }
0x21: {  	s24 =	rddreg [dreg:$0x4];
	s22 =	simm.s32 $0x2780  }
0x22: {  	[tilespmem:s22], [sflag:$0x2] =	stream.linear.gather [hbm4b:s24+s20], $0x2710, $0x38;
	[tilespmem:$0x1F580] =	vst v63  }
0x23: {  	s21 =	simm.s32 $0x200;
	s20 =	simm.s32 $0x0  }
.LBB2_2:
0x24: {  	p0 =	sne.s32 s21, $0x4E00;
	[tilespmem:s20+$0x18F70] =	vst v0  }
0x25: {  	[tilespmem:s20+$0x18F00] =	vst v0  }
0x26: {  	[tilespmem:s20+$0x18F10] =	vst v0  }
.Ltmp0:
0x27: {  	[tilespmem:s20+$0x18F20] =	vst v0;
	(pc) =	sbr.rel @p0 .LBB2_2-.Ltmp0, $4  }
0x28: {  	[tilespmem:s20+$0x18F30] =	vst v0  }
0x29: {  	[tilespmem:s20+$0x18F40] =	vst v0  }
0x2a: {  	[tilespmem:s20+$0x18F50] =	vst v0  }
0x2b: {  	[tilespmem:s20+$0x18F60] =	vst v0;
	s20 =	sshra.s32 s21, $0x2;
	s21 =	sadd.s32 $0x200, s21  }
0x2c: {  	[tilespmem:s20+$0x18F70] =	vst v0  }
0x2d: {  	[tilespmem:s20+$0x18F00] =	vst v0  }
0x2e: {  	[tilespmem:s20+$0x18F10] =	vst v0  }
0x2f: {  	[tilespmem:s20+$0x18F20] =	vst v0  }
0x30: {  	[tilespmem:s20+$0x18F30] =	vst v0  }
0x31: {  	[tilespmem:s20+$0x18F40] =	vst v0  }
0x32: {  	[tilespmem:s20+$0x18F50] =	vst v0  }
0x33: {  	[tilespmem:s20+$0x18F60] =	vst v0  }
0x34: {  	[spmem:s5] =	stream.linear.scatter [tilespmem:s26], [sflag:$0x6], $0x1400, $0x38;
	[tilespmem:$0x1F580] =	vst v63  }
0x35: {  	s21 =	rddreg [dreg:$0x5]  }
0x36: {  	[spmem:s21] =	stream.linear.scatter [tilespmem:s26], [sflag:$0x7], $0x1400, $0x38;
	[tilespmem:$0x1F580] =	vst v63  }
0x37: {  	s22 =	rddreg [dreg:$0x6]  }
0x38: {  	[spmem:s22] =	stream.linear.scatter [tilespmem:s26], [sflag:$0x8], $0x1400, $0x38;
	[tilespmem:$0x1F580] =	vst v63  }
0x39: {  	s23 =	rddreg [dreg:$0x7]  }
0x3a: {  	[spmem:s23] =	stream.linear.scatter [tilespmem:s26], [sflag:$0x9], $0x1400, $0x38;
	[tilespmem:$0x1F580] =	vst v63  }
0x3b: {  	s24 =	rddreg [dreg:$0x8]  }
0x3c: {  	[spmem:s24] =	stream.linear.scatter [tilespmem:s26], [sflag:$0xA], $0x1400, $0x38;
	[tilespmem:$0x1F580] =	vst v63  }
0x3d: {  	s21 =	rddreg [dreg:$0x9]  }
0x3e: {  	[spmem:s21] =	stream.linear.scatter [tilespmem:s26], [sflag:$0x6], $0x1400, $0x38;
	[tilespmem:$0x1F580] =	vst v63  }
0x3f: {  	s22 =	rddreg [dreg:$0xa]  }
0x40: {  	[spmem:s22] =	stream.linear.scatter [tilespmem:s26], [sflag:$0x7], $0x1400, $0x38;
	[tilespmem:$0x1F580] =	vst v63  }
0x41: {  	s23 =	rddreg [dreg:$0xb]  }
0x42: {  	[spmem:s23] =	stream.linear.scatter [tilespmem:s26], [sflag:$0x8], $0x1400, $0x38;
	[tilespmem:$0x1F580] =	vst v63  }
0x43: {  	s24 =	rddreg [dreg:$0xc]  }
0x44: {  	[spmem:s24] =	stream.linear.scatter [tilespmem:s26], [sflag:$0x9], $0x1400, $0x38;
	[tilespmem:$0x1F580] =	vst v63  }
0x45: {  	s21 =	rddreg [dreg:$0xd]  }
0x46: {  	[spmem:s21] =	stream.linear.scatter [tilespmem:s26], [sflag:$0xA], $0x1400, $0x38;
	[tilespmem:$0x1F580] =	vst v63  }
0x47: {  	s22 =	rddreg [dreg:$0xe]  }
0x48: {  	[spmem:s22] =	stream.linear.scatter [tilespmem:s26], [sflag:$0x6], $0x1400, $0x38;
	[tilespmem:$0x1F580] =	vst v63  }
0x49: {  	s23 =	rddreg [dreg:$0xf]  }
0x4a: {  	[spmem:s23] =	stream.linear.scatter [tilespmem:s26], [sflag:$0x7], $0x1400, $0x38;
	[tilespmem:$0x1F580] =	vst v63  }
0x4b: {  	s24 =	rddreg [dreg:$0x10]  }
0x4c: {  	[spmem:s24] =	stream.linear.scatter [tilespmem:s26], [sflag:$0x8], $0x1400, $0x38;
	[tilespmem:$0x1F580] =	vst v63  }
0x4d: {  	s21 =	rddreg [dreg:$0x11]  }
0x4e: {  	[spmem:s21] =	stream.linear.scatter [tilespmem:s26], [sflag:$0x9], $0x1400, $0x38;
	[tilespmem:$0x1F580] =	vst v63  }
0x4f: {  	s22 =	rddreg [dreg:$0x12]  }
0x50: {  	[spmem:s22] =	stream.linear.scatter [tilespmem:s26], [sflag:$0xA], $0x1400, $0x38;
	[tilespmem:$0x1F580] =	vst v63  }
0x51: {  	s23 =	rddreg [dreg:$0x13]  }
0x52: {  	[spmem:s23] =	stream.linear.scatter [tilespmem:s26], [sflag:$0x6], $0x1400, $0x38;
	[tilespmem:$0x1F580] =	vst v63  }
0x53: {  	_ =	swait.ge [sflag:s28], $0x2710  }
0x54: {  	[sflag:s28] =	ssyncset.done $0x0  }
0x55: {  	[sflag:s28] =	ssyncadd.s32 $0xFFFFD8F0  }
0x56: {  	_ =	swait.ge [sflag:s29], $0x2710  }
0x57: {  	[sflag:s29] =	ssyncset.done $0x0  }
0x58: {  	[sflag:s29] =	ssyncadd.s32 $0xFFFFD8F0  }
0x59: {  	_ =	swait.ge [sflag:s30], $0x1400  }
0x5a: {  	[sflag:s30] =	ssyncset.done $0x0  }
0x5b: {  	[sflag:s30] =	ssyncadd.s32 $0xFFFFEC00  }
0x5c: {  	_ =	swait.ge [sflag:s31], $0x1400  }
0x5d: {  	[sflag:s31] =	ssyncset.done $0x0  }
0x5e: {  	[sflag:s31] =	ssyncadd.s32 $0xFFFFEC00  }
0x5f: {  	_ =	swait.ge [sflag:s0], $0x1400  }
0x60: {  	[sflag:s0] =	ssyncset.done $0x0  }
0x61: {  	[sflag:s0] =	ssyncadd.s32 $0xFFFFEC00  }
0x62: {  	_ =	swait.ge [sflag:s25], $0x1400  }
0x63: {  	[sflag:s25] =	ssyncset.done $0x0  }
0x64: {  	[sflag:s25] =	ssyncadd.s32 $0xFFFFEC00  }
0x65: {  	_ =	swait.ge [sflag:s1], $0x1400  }
0x66: {  	[sflag:s1] =	ssyncset.done $0x0  }
0x67: {  	[sflag:s1] =	ssyncadd.s32 $0xFFFFEC00  }
0x68: {  	_ =	swait.ge [sflag:s30], $0x1400  }
0x69: {  	[sflag:s30] =	ssyncset.done $0x0  }
0x6a: {  	[sflag:s30] =	ssyncadd.s32 $0xFFFFEC00  }
0x6b: {  	_ =	swait.ge [sflag:s31], $0x1400  }
0x6c: {  	[sflag:s31] =	ssyncset.done $0x0  }
0x6d: {  	[sflag:s31] =	ssyncadd.s32 $0xFFFFEC00  }
0x6e: {  	_ =	swait.ge [sflag:s0], $0x1400  }
0x6f: {  	[sflag:s0] =	ssyncset.done $0x0  }
0x70: {  	[sflag:s0] =	ssyncadd.s32 $0xFFFFEC00  }
0x71: {  	_ =	swait.ge [sflag:s25], $0x1400  }
0x72: {  	[sflag:s25] =	ssyncset.done $0x0  }
0x73: {  	[sflag:s25] =	ssyncadd.s32 $0xFFFFEC00  }
0x74: {  	_ =	swait.ge [sflag:s1], $0x1400  }
0x75: {  	[sflag:s1] =	ssyncset.done $0x0  }
0x76: {  	[sflag:s1] =	ssyncadd.s32 $0xFFFFEC00  }
0x77: {  	_ =	swait.ge [sflag:s30], $0x1400  }
0x78: {  	[sflag:s30] =	ssyncset.done $0x0  }
0x79: {  	[sflag:s30] =	ssyncadd.s32 $0xFFFFEC00  }
0x7a: {  	_ =	swait.ge [sflag:s31], $0x1400  }
0x7b: {  	[sflag:s31] =	ssyncset.done $0x0  }
0x7c: {  	[sflag:s31] =	ssyncadd.s32 $0xFFFFEC00  }
0x7d: {  	_ =	swait.ge [sflag:s0], $0x1400  }
0x7e: {  	[sflag:s0] =	ssyncset.done $0x0  }
0x7f: {  	[sflag:s0] =	ssyncadd.s32 $0xFFFFEC00  }
0x80: {  	_ =	swait.ge [sflag:s25], $0x1400  }
0x81: {  	[sflag:s25] =	ssyncset.done $0x0  }
0x82: {  	[sflag:s25] =	ssyncadd.s32 $0xFFFFEC00  }
0x83: {  	_ =	swait.ge [sflag:s1], $0x1400  }
0x84: {  	[sflag:s1] =	ssyncset.done $0x0  }
0x85: {  	[sflag:s1] =	ssyncadd.s32 $0xFFFFEC00  }
0x86: {  	_ =	swait.ge [sflag:s30], $0x1400  }
0x87: {  	[sflag:s30] =	ssyncset.done $0x0  }
0x88: {  	[sflag:s30] =	ssyncadd.s32 $0xFFFFEC00  }
0x89: {  	[bflag:$0x0] =	sbarrier.arrive $0xFFFF  }
0x8a: {  	v1 =	vld [tilespmem:$0x2780]  }
0x8b: {  	v2 =	vld [tilespmem:$0x2790]  }
0x8c: {  	v3 =	vld [tilespmem:$0x2798];
	_ =	sdelay $0x2  }
0x8d: {  	[tilespmem:$0x1F300] =	vst v1  }
0x8e: {  	[tilespmem:$0x1F310] =	vst v2  }
0x8f: {  	s24 =	simm.s32 $0x0;
	[tilespmem:$0x1F318] =	vst v3  }
0x90: {  	[tilespmem:s26], [sflag:$0x1] =	stream.indirect.gather [hbm4b:s4+s3], $0x80, s24, s3, $0xb8;
	[tilespmem:$0x1F580] =	vst v63  }
0x91: {  	v1 =	vld [tilespmem:$0x27A8]  }
0x92: {  	v2 =	vld [tilespmem:$0x27B8]  }
0x93: {  	v3 =	vld [tilespmem:$0x27C0];
	_ =	sdelay $0x2  }
0x94: {  	[tilespmem:$0x1F380] =	vst v1  }
0x95: {  	[tilespmem:$0x1F390] =	vst v2  }
0x96: {  	[tilespmem:$0x1F398] =	vst v3  }
0x97: {  	[tilespmem:s6], [sflag:$0x2] =	stream.indirect.gather [hbm4b:s4+s3], $0x80, s3, s3, $0xb8;
	[tilespmem:$0x1F580] =	vst v63  }
0x98: {  	v1 =	vld [tilespmem:$0x27D0]  }
0x99: {  	v2 =	vld [tilespmem:$0x27E0]  }
0x9a: {  	v3 =	vld [tilespmem:$0x27E8];
	_ =	sdelay $0x2  }
0x9b: {  	[tilespmem:$0x1F400] =	vst v1  }
0x9c: {  	[tilespmem:$0x1F410] =	vst v2  }
0x9d: {  	s21 =	simm.s32 $0x50;
	[tilespmem:$0x1F418] =	vst v3  }
0x9e: {  	[tilespmem:s7], [sflag:$0x3] =	stream.indirect.gather [hbm4b:s4+s3], $0x80, s21, s3, $0xb8;
	[tilespmem:$0x1F580] =	vst v63  }
0x9f: {  	v1 =	vld [tilespmem:$0x27F8]  }
0xa0: {  	v2 =	vld [tilespmem:$0x2808]  }
0xa1: {  	v3 =	vld [tilespmem:$0x2810];
	_ =	sdelay $0x2  }
0xa2: {  	[tilespmem:$0x1F480] =	vst v1  }
0xa3: {  	[tilespmem:$0x1F490] =	vst v2  }
0xa4: {  	s22 =	simm.s32 $0x78;
	[tilespmem:$0x1F498] =	vst v3  }
0xa5: {  	[tilespmem:s8], [sflag:$0x4] =	stream.indirect.gather [hbm4b:s4+s3], $0x80, s22, s3, $0xb8;
	[tilespmem:$0x1F580] =	vst v63  }
0xa6: {  	v1 =	vld [tilespmem:$0x2820]  }
0xa7: {  	v2 =	vld [tilespmem:$0x2830]  }
0xa8: {  	v3 =	vld [tilespmem:$0x2838];
	_ =	sdelay $0x2  }
0xa9: {  	[tilespmem:$0x1F500] =	vst v1  }
0xaa: {  	[tilespmem:$0x1F510] =	vst v2  }
0xab: {  	s23 =	simm.s32 $0xA0;
	[tilespmem:$0x1F518] =	vst v3  }
0xac: {  	[tilespmem:s9], [sflag:$0x5] =	stream.indirect.gather [hbm4b:s4+s3], $0x80, s23, s3, $0xb8;
	[tilespmem:$0x1F580] =	vst v63  }
0xad: {  	_ =	swait.ge [sflag:s28], $0x1400  }
0xae: {  	[sflag:s28] =	ssyncset.done $0x0  }
0xaf: {  	[sflag:s28] =	ssyncadd.s32 $0xFFFFEC00  }
0xb0: {  	[spmem:s2] =	stream.indirect.scatter.add.f32 [tilespmem:s26], [sflag:$0x6], $0x80, s10, s3, $0xb8;
	[tilespmem:$0x1F580] =	vst v63  }
0xb1: {  	_ =	swait.ge [sflag:s29], $0x1400  }
0xb2: {  	[sflag:s29] =	ssyncset.done $0x0  }
0xb3: {  	[sflag:s29] =	ssyncadd.s32 $0xFFFFEC00  }
0xb4: {  	[spmem:s2] =	stream.indirect.scatter.add.f32 [tilespmem:s6], [sflag:$0x7], $0x80, s11, s3, $0xb8;
	[tilespmem:$0x1F580] =	vst v63  }
0xb5: {  	_ =	swait.ge [sflag:s12], $0x1400  }
0xb6: {  	[sflag:s12] =	ssyncset.done $0x0  }
0xb7: {  	[sflag:s12] =	ssyncadd.s32 $0xFFFFEC00  }
0xb8: {  	[spmem:s2] =	stream.indirect.scatter.add.f32 [tilespmem:s7], [sflag:$0x8], $0x80, s13, s3, $0xb8;
	[tilespmem:$0x1F580] =	vst v63  }
0xb9: {  	_ =	swait.ge [sflag:s14], $0x1400  }
0xba: {  	[sflag:s14] =	ssyncset.done $0x0  }
0xbb: {  	[sflag:s14] =	ssyncadd.s32 $0xFFFFEC00  }
0xbc: {  	[spmem:s2] =	stream.indirect.scatter.add.f32 [tilespmem:s8], [sflag:$0x9], $0x80, s15, s3, $0xb8;
	[tilespmem:$0x1F580] =	vst v63  }
0xbd: {  	_ =	swait.ge [sflag:s16], $0x1400  }
0xbe: {  	[sflag:s16] =	ssyncset.done $0x0  }
0xbf: {  	[sflag:s16] =	ssyncadd.s32 $0xFFFFEC00  }
0xc0: {  	[spmem:s2] =	stream.indirect.scatter.add.f32 [tilespmem:s9], [sflag:$0xA], $0x80, s17, s3, $0xb8;
	[tilespmem:$0x1F580] =	vst v63  }
0xc1: {  	_ =	swait.ge [sflag:s30], $0x1400  }
0xc2: {  	[sflag:s30] =	ssyncset.done $0x0  }
0xc3: {  	s21 =	simm.s32 $0x0;
	[sflag:s30] =	ssyncadd.s32 $0xFFFFEC00  }
0xc4: {  	v1 =	vld [tilespmem:s21+$0x2848];
	_ =	sdelay $0x4  }
0xc5: {  	[tilespmem:$0x1F300] =	vst v1  }
0xc6: {  	v1 =	vld [tilespmem:s21+$0x2858];
	_ =	sdelay $0x4  }
0xc7: {  	[tilespmem:$0x1F310] =	vst v1  }
0xc8: {  	v1 =	vld [tilespmem:s21+$0x2860];
	_ =	sdelay $0x4  }
0xc9: {  	s22 =	simm.s32 $0xC8;
	[tilespmem:$0x1F318] =	vst v1  }
0xca: {  	[tilespmem:s26], [sflag:$0x1] =	stream.indirect.gather [hbm4b:s4+s3], $0x80, s22, s3, $0xb8;
	[tilespmem:$0x1F580] =	vst v63  }
0xcb: {  	_ =	swait.ge [sflag:s31], $0x1400  }
0xcc: {  	[sflag:s31] =	ssyncset.done $0x0  }
0xcd: {  	[sflag:s31] =	ssyncadd.s32 $0xFFFFEC00  }
0xce: {  	v1 =	vld [tilespmem:s21+$0x2870];
	_ =	sdelay $0x4  }
0xcf: {  	s20 =	sand.u32 $0x3FF8, s24;
	[tilespmem:$0x1F380] =	vst v1  }
0xd0: {  	v1 =	vld [tilespmem:s20+$0x2880];
	_ =	sdelay $0x4  }
0xd1: {  	[tilespmem:$0x1F390] =	vst v1  }
0xd2: {  	v1 =	vld [tilespmem:s21+$0x2888];
	_ =	sdelay $0x4  }
0xd3: {  	s24 =	simm.s32 $0xF0;
	[tilespmem:$0x1F398] =	vst v1  }
0xd4: {  	[tilespmem:s6], [sflag:$0x2] =	stream.indirect.gather [hbm4b:s4+s3], $0x80, s24, s3, $0xb8;
	[tilespmem:$0x1F580] =	vst v63  }
0xd5: {  	_ =	swait.ge [sflag:s0], $0x1400  }
0xd6: {  	[sflag:s0] =	ssyncset.done $0x0  }
0xd7: {  	[sflag:s0] =	ssyncadd.s32 $0xFFFFEC00  }
0xd8: {  	v1 =	vld [tilespmem:s21+$0x2898];
	_ =	sdelay $0x4  }
0xd9: {  	[tilespmem:$0x1F400] =	vst v1  }
0xda: {  	v1 =	vld [tilespmem:s21+$0x28A8];
	_ =	sdelay $0x4  }
0xdb: {  	[tilespmem:$0x1F410] =	vst v1  }
0xdc: {  	v1 =	vld [tilespmem:s21+$0x28B0];
	_ =	sdelay $0x4  }
0xdd: {  	s23 =	simm.s32 $0x118;
	[tilespmem:$0x1F418] =	vst v1  }
0xde: {  	[tilespmem:s7], [sflag:$0x3] =	stream.indirect.gather [hbm4b:s4+s3], $0x80, s23, s3, $0xb8;
	[tilespmem:$0x1F580] =	vst v63  }
0xdf: {  	_ =	swait.ge [sflag:s25], $0x1400  }
0xe0: {  	[sflag:s25] =	ssyncset.done $0x0  }
0xe1: {  	[sflag:s25] =	ssyncadd.s32 $0xFFFFEC00  }
0xe2: {  	v1 =	vld [tilespmem:s21+$0x28C0];
	_ =	sdelay $0x4  }
0xe3: {  	[tilespmem:$0x1F480] =	vst v1  }
0xe4: {  	v1 =	vld [tilespmem:s21+$0x28D0];
	_ =	sdelay $0x4  }
0xe5: {  	[tilespmem:$0x1F490] =	vst v1  }
0xe6: {  	v1 =	vld [tilespmem:s21+$0x28D8];
	_ =	sdelay $0x4  }
0xe7: {  	s24 =	simm.s32 $0x140;
	[tilespmem:$0x1F498] =	vst v1  }
0xe8: {  	[tilespmem:s8], [sflag:$0x4] =	stream.indirect.gather [hbm4b:s4+s3], $0x80, s24, s3, $0xb8;
	[tilespmem:$0x1F580] =	vst v63  }
0xe9: {  	_ =	swait.ge [sflag:s1], $0x1400  }
0xea: {  	[sflag:s1] =	ssyncset.done $0x0  }
0xeb: {  	[sflag:s1] =	ssyncadd.s32 $0xFFFFEC00  }
0xec: {  	v1 =	vld [tilespmem:s21+$0x28E8];
	_ =	sdelay $0x4  }
0xed: {  	[tilespmem:$0x1F500] =	vst v1  }
0xee: {  	v1 =	vld [tilespmem:s21+$0x28F8];
	_ =	sdelay $0x4  }
0xef: {  	[tilespmem:$0x1F510] =	vst v1  }
0xf0: {  	v1 =	vld [tilespmem:s20+$0x2900];
	_ =	sdelay $0x4  }
0xf1: {  	s22 =	simm.s32 $0x168;
	s21 =	simm.s32 $0xC8;
	s20 =	simm.s32 $0x320;
	[tilespmem:$0x1F518] =	vst v1  }
.LBB2_4:
0xf2: {  	[tilespmem:s9], [sflag:$0x5] =	stream.indirect.gather [hbm4b:s4+s3], $0x80, s22, s3, $0xb8;
	[tilespmem:$0x1F580] =	vst v63  }
0xf3: {  	s22 =	smov.u32 s20  }
0xf4: {  	p0 =	sne.s32 s20, $0x9600;
	s20 =	sadd.s32 $0x320, s20;
	_ =	swait.ge [sflag:s28], $0x1400  }
0xf5: {  	[sflag:s28] =	ssyncset.done $0x0  }
0xf6: {  	[sflag:s28] =	ssyncadd.s32 $0xFFFFEC00  }
0xf7: {  	[spmem:s2] =	stream.indirect.scatter.add.f32 [tilespmem:s26], [sflag:$0x6], $0x80, s10, s3, $0xb8;
	[tilespmem:$0x1F580] =	vst v63  }
0xf8: {  	_ =	swait.ge [sflag:s29], $0x1400  }
0xf9: {  	[sflag:s29] =	ssyncset.done $0x0  }
0xfa: {  	[sflag:s29] =	ssyncadd.s32 $0xFFFFEC00  }
0xfb: {  	[spmem:s2] =	stream.indirect.scatter.add.f32 [tilespmem:s6], [sflag:$0x7], $0x80, s11, s3, $0xb8;
	[tilespmem:$0x1F580] =	vst v63  }
0xfc: {  	_ =	swait.ge [sflag:s12], $0x1400  }
0xfd: {  	[sflag:s12] =	ssyncset.done $0x0  }
0xfe: {  	[sflag:s12] =	ssyncadd.s32 $0xFFFFEC00  }
0xff: {  	[spmem:s2] =	stream.indirect.scatter.add.f32 [tilespmem:s7], [sflag:$0x8], $0x80, s13, s3, $0xb8;
	[tilespmem:$0x1F580] =	vst v63  }
0x100: {  	_ =	swait.ge [sflag:s14], $0x1400  }
0x101: {  	[sflag:s14] =	ssyncset.done $0x0  }
0x102: {  	[sflag:s14] =	ssyncadd.s32 $0xFFFFEC00  }
0x103: {  	[spmem:s2] =	stream.indirect.scatter.add.f32 [tilespmem:s8], [sflag:$0x9], $0x80, s15, s3, $0xb8;
	[tilespmem:$0x1F580] =	vst v63  }
0x104: {  	_ =	swait.ge [sflag:s16], $0x1400  }
0x105: {  	[sflag:s16] =	ssyncset.done $0x0  }
0x106: {  	[sflag:s16] =	ssyncadd.s32 $0xFFFFEC00  }
0x107: {  	[spmem:s2] =	stream.indirect.scatter.add.f32 [tilespmem:s9], [sflag:$0xA], $0x80, s17, s3, $0xb8;
	[tilespmem:$0x1F580] =	vst v63  }
0x108: {  	_ =	swait.ge [sflag:s30], $0x1400  }
0x109: {  	[sflag:s30] =	ssyncset.done $0x0  }
0x10a: {  	s22 =	sshra.s32 s22, $0x2;
	[sflag:s30] =	ssyncadd.s32 $0xFFFFEC00  }
0x10b: {  	v1 =	vld [tilespmem:s22+$0x2848];
	_ =	sdelay $0x4  }
0x10c: {  	[tilespmem:$0x1F300] =	vst v1  }
0x10d: {  	v1 =	vld [tilespmem:s22+$0x2858];
	_ =	sdelay $0x4  }
0x10e: {  	[tilespmem:$0x1F310] =	vst v1  }
0x10f: {  	v1 =	vld [tilespmem:s22+$0x2860];
	_ =	sdelay $0x4  }
0x110: {  	s23 =	sadd.s32 $0xC8, s22;
	[tilespmem:$0x1F318] =	vst v1  }
0x111: {  	[tilespmem:s26], [sflag:$0x1] =	stream.indirect.gather [hbm4b:s4+s3], $0x80, s23, s3, $0xb8;
	[tilespmem:$0x1F580] =	vst v63  }
0x112: {  	_ =	swait.ge [sflag:s31], $0x1400  }
0x113: {  	[sflag:s31] =	ssyncset.done $0x0  }
0x114: {  	[sflag:s31] =	ssyncadd.s32 $0xFFFFEC00  }
0x115: {  	v1 =	vld [tilespmem:s22+$0x2870];
	_ =	sdelay $0x4  }
0x116: {  	s23 =	sand.u32 $0x3FF8, s21;
	[tilespmem:$0x1F380] =	vst v1  }
0x117: {  	v1 =	vld [tilespmem:s23+$0x2880];
	_ =	sdelay $0x4  }
0x118: {  	[tilespmem:$0x1F390] =	vst v1  }
0x119: {  	v1 =	vld [tilespmem:s22+$0x2888];
	_ =	sdelay $0x4  }
0x11a: {  	s24 =	sadd.s32 $0xF0, s22;
	[tilespmem:$0x1F398] =	vst v1  }
0x11b: {  	[tilespmem:s6], [sflag:$0x2] =	stream.indirect.gather [hbm4b:s4+s3], $0x80, s24, s3, $0xb8;
	[tilespmem:$0x1F580] =	vst v63  }
0x11c: {  	_ =	swait.ge [sflag:s0], $0x1400  }
0x11d: {  	[sflag:s0] =	ssyncset.done $0x0  }
0x11e: {  	[sflag:s0] =	ssyncadd.s32 $0xFFFFEC00  }
0x11f: {  	v1 =	vld [tilespmem:s22+$0x2898];
	_ =	sdelay $0x4  }
0x120: {  	[tilespmem:$0x1F400] =	vst v1  }
0x121: {  	v1 =	vld [tilespmem:s22+$0x28A8];
	_ =	sdelay $0x4  }
0x122: {  	[tilespmem:$0x1F410] =	vst v1  }
0x123: {  	v1 =	vld [tilespmem:s22+$0x28B0];
	_ =	sdelay $0x4  }
0x124: {  	s24 =	sadd.s32 $0x118, s22;
	[tilespmem:$0x1F418] =	vst v1  }
0x125: {  	[tilespmem:s7], [sflag:$0x3] =	stream.indirect.gather [hbm4b:s4+s3], $0x80, s24, s3, $0xb8;
	[tilespmem:$0x1F580] =	vst v63  }
0x126: {  	_ =	swait.ge [sflag:s25], $0x1400  }
0x127: {  	[sflag:s25] =	ssyncset.done $0x0  }
0x128: {  	[sflag:s25] =	ssyncadd.s32 $0xFFFFEC00  }
0x129: {  	v1 =	vld [tilespmem:s22+$0x28C0];
	_ =	sdelay $0x4  }
0x12a: {  	[tilespmem:$0x1F480] =	vst v1  }
0x12b: {  	v1 =	vld [tilespmem:s22+$0x28D0];
	_ =	sdelay $0x4  }
0x12c: {  	[tilespmem:$0x1F490] =	vst v1  }
0x12d: {  	v1 =	vld [tilespmem:s22+$0x28D8];
	_ =	sdelay $0x4  }
0x12e: {  	s24 =	sadd.s32 $0x140, s22;
	[tilespmem:$0x1F498] =	vst v1  }
0x12f: {  	[tilespmem:s8], [sflag:$0x4] =	stream.indirect.gather [hbm4b:s4+s3], $0x80, s24, s3, $0xb8;
	[tilespmem:$0x1F580] =	vst v63  }
0x130: {  	_ =	swait.ge [sflag:s1], $0x1400  }
0x131: {  	[sflag:s1] =	ssyncset.done $0x0  }
0x132: {  	[sflag:s1] =	ssyncadd.s32 $0xFFFFEC00  }
0x133: {  	v1 =	vld [tilespmem:s22+$0x28E8];
	_ =	sdelay $0x4  }
0x134: {  	[tilespmem:$0x1F500] =	vst v1  }
0x135: {  	v1 =	vld [tilespmem:s22+$0x28F8];
	_ =	sdelay $0x4  }
0x136: {  	[tilespmem:$0x1F510] =	vst v1  }
0x137: {  	v1 =	vld [tilespmem:s23+$0x2900]  }
.Ltmp1:
0x138: {  	(pc) =	sbr.rel @p0 .LBB2_4-.Ltmp1, $2  }
0x139: {  	_ =	sdelay $0x2  }
0x13a: {  	s21 =	sadd.s32 $0xC8, s21;
	s22 =	sadd.s32 $0x168, s22;
	[tilespmem:$0x1F518] =	vst v1  }
0x13b: {  	[tilespmem:s9], [sflag:$0x5] =	stream.indirect.gather [hbm4b:s4+s3], $0x80, s22, s3, $0xb8;
	[tilespmem:$0x1F580] =	vst v63  }
0x13c: {  	_ =	swait.ge [sflag:s28], $0x1400  }
0x13d: {  	[sflag:s28] =	ssyncset.done $0x0  }
0x13e: {  	[sflag:s28] =	ssyncadd.s32 $0xFFFFEC00  }
0x13f: {  	[spmem:s2] =	stream.indirect.scatter.add.f32 [tilespmem:s26], [sflag:$0x6], $0x80, s10, s3, $0xb8;
	[tilespmem:$0x1F580] =	vst v63  }
0x140: {  	_ =	swait.ge [sflag:s29], $0x1400  }
0x141: {  	[sflag:s29] =	ssyncset.done $0x0  }
0x142: {  	[sflag:s29] =	ssyncadd.s32 $0xFFFFEC00  }
0x143: {  	[spmem:s2] =	stream.indirect.scatter.add.f32 [tilespmem:s6], [sflag:$0x7], $0x80, s11, s3, $0xb8;
	[tilespmem:$0x1F580] =	vst v63  }
0x144: {  	_ =	swait.ge [sflag:s12], $0x1400  }
0x145: {  	[sflag:s12] =	ssyncset.done $0x0  }
0x146: {  	[sflag:s12] =	ssyncadd.s32 $0xFFFFEC00  }
0x147: {  	[spmem:s2] =	stream.indirect.scatter.add.f32 [tilespmem:s7], [sflag:$0x8], $0x80, s13, s3, $0xb8;
	[tilespmem:$0x1F580] =	vst v63  }
0x148: {  	_ =	swait.ge [sflag:s14], $0x1400  }
0x149: {  	[sflag:s14] =	ssyncset.done $0x0  }
0x14a: {  	[sflag:s14] =	ssyncadd.s32 $0xFFFFEC00  }
0x14b: {  	[spmem:s2] =	stream.indirect.scatter.add.f32 [tilespmem:s8], [sflag:$0x9], $0x80, s15, s3, $0xb8;
	[tilespmem:$0x1F580] =	vst v63  }
0x14c: {  	_ =	swait.ge [sflag:s16], $0x1400  }
0x14d: {  	[sflag:s16] =	ssyncset.done $0x0  }
0x14e: {  	[sflag:s16] =	ssyncadd.s32 $0xFFFFEC00  }
0x14f: {  	[spmem:s2] =	stream.indirect.scatter.add.f32 [tilespmem:s9], [sflag:$0xA], $0x80, s17, s3, $0xb8;
	[tilespmem:$0x1F580] =	vst v63  }
0x150: {  	_ =	swait.ge [sflag:s30], $0x1400  }
0x151: {  	[sflag:s30] =	ssyncset.done $0x0  }
0x152: {  	[sflag:s30] =	ssyncadd.s32 $0xFFFFEC00  }
0x153: {  	_ =	swait.ge [sflag:s31], $0x1400  }
0x154: {  	[sflag:s31] =	ssyncset.done $0x0  }
0x155: {  	[sflag:s31] =	ssyncadd.s32 $0xFFFFEC00  }
0x156: {  	_ =	swait.ge [sflag:s0], $0x1400  }
0x157: {  	[sflag:s0] =	ssyncset.done $0x0  }
0x158: {  	[sflag:s0] =	ssyncadd.s32 $0xFFFFEC00  }
0x159: {  	_ =	swait.ge [sflag:s25], $0x1400  }
0x15a: {  	[sflag:s25] =	ssyncset.done $0x0  }
0x15b: {  	[sflag:s25] =	ssyncadd.s32 $0xFFFFEC00  }
0x15c: {  	_ =	swait.ge [sflag:s1], $0x1400  }
0x15d: {  	[sflag:s1] =	ssyncset.done $0x0  }
0x15e: {  	s20 =	stileid.u32;
	[sflag:s1] =	ssyncadd.s32 $0xFFFFEC00  }
0x15f: {  	s20 =	sshll.u32 s20, $0x6;
	[bflag:$0x0] =	sbarrier.arrive $0xFFFF  }
0x160: {  	s21 =	sshrl.u32 s5, $0x3;
	s20 =	sor.u32 $0x1C0B, s20;
	s23 =	rddreg [dreg:$0x15]  }
0x161: {  	[hbm:s23], [sflag:s20] =	dma.local [spmem:s21], $0x2800  }
0x162: {  	_ =	swait.ge [sflag:s18], $0x2800  }
0x163: {  	s19 =	sadd.s32 $0x1, s19;
	s24 =	rddreg [dreg:$0x14]  }
0x164: {  	p0 =	sne.s32 s19, s24  }
.Ltmp2:
0x165: {  	_ = 	snop;
	(pc) =	sbr.rel @p0 .LBB2_1-.Ltmp2, $3  }
0x166: {  	_ =	sdelay $0x1  }
0x167: {  	[sflag:s18] =	ssyncset.done $0x0  }
0x168: {  	[sflag:s18] =	ssyncadd.s32 $0xFFFFD800  }
0x169: {  	_ =	sfence.sel $0x180000  }
0x16a: {  	[bflag:$0x0] =	sbarrier.arrive $0xFFFF  }
0x16b: {  	_ =	strace $0x9000004A  }
0x16c: {  	s0 =	stileid.u32;
	[bflag:$0x2] =	sbarrier.arrive $0xFFFF  }
0x16d: {  	p0 =	sne.s32 s0, $0x0;
	s0 =	rddreg [dreg:$0x2]  }
0x16e: {  	s0 =	sadd.s32 @!p0 $0x100000, s0  }
0x16f: {  	[sflag:s0] =	ssyncadd.tile.s32 @!p0 $0x1;
	_ =	shalt  }
.Lfunc_end2:
_tile_overlayer_lowered:
.L_overlay_start_2:
0x170: {  	(tag) =	ssettag $0x2  }
0x171: {  	s0 =	rddreg [dreg:$0x0];
	s2 =	stileid.u32  }
0x172: {  	s1 =	rddreg [dreg:$0x1];
	p0 =	sne.s32 s2, $0x0  }
0x173: {  	s3 =	rddreg [dreg:$0x2];
	[bflag:$0x3] =	sbarrier.arrive $0xFFFF;
	s2 =	simm.s32 @!p0 $0x1C0B  }
0x174: {  	[timem:s3], [sflag:s2] =	dma.local @!p0 [hbm:s0], s1  }
0x175: {  	s0 =	simm.s32 @!p0 $0xB  }
0x176: {  	_ =	swait.ge @!p0 [sflag:s0], s1  }
0x177: {  	s1 =	ssub.s32 @!p0 $0x0, s1;
	[sflag:s0] =	ssyncset.done @!p0 $0x0  }
0x178: {  	[sflag:s0] =	ssyncadd.s32 @!p0 s1  }
0x179: {  	[bflag:$0x3] =	sbarrier.arrive $0xFFFF  }
0x17a: {  	_ =	shalt  }

// kernel: kernel.8.cloned.1.call-start
scs
__scs_entry_jumppad:
0x0: {  	(pc) =	sbr.rel $0x88, $3  }
0x1: {  	(tag) =	ssettag $0x0;
	lr =	simm.s32 $0x1  }
0x2: {  	[smem:$0x3F9C] =	sst lr;
	_ =	strace $0xD0000000  }
0x3: {  	_ = 	snop  }
0x4: {  	_ = 	snop  }
0x5: {  	_ = 	snop  }
0x6: {  	_ = 	snop  }
0x7: {  	_ = 	snop  }
__scs_overlays_trampoline_lowered:
0x8: {  	[smem:$0x3FAB] =	sst s0  }
0x9: {  	[smem:$0x3FAC] =	sst s1  }
0xa: {  	[smem:$0x3FAD] =	sst s2  }
0xb: {  	[smem:$0x3FAE] =	sst s3  }
0xc: {  	[smem:$0x3FAF] =	sst s4  }
0xd: {  	[smem:$0x3FB0] =	sst s5  }
0xe: {  	[smem:$0x3FB1] =	sst s6  }
0xf: {  	[smem:$0x3FB2] =	sst s7  }
0x10: {  	[smem:$0x3FB3] =	sst s8  }
0x11: {  	[smem:$0x3FB4] =	sst s9;
	s0 =	simm.s32 @!p0 $0x0  }
0x12: {  	s1 =	sld [smem:$0x3F9A];
	s0 =	simm.s32 @p0 $0x1  }
0x13: {  	[smem:$0x3FB5] =	sst s0;
	s0 =	simm.s32 @!p1 $0x0  }
0x14: {  	s2 =	sld [smem:$0x3F99];
	s0 =	simm.s32 @p1 $0x1  }
0x15: {  	[smem:$0x3FB6] =	sst s0;
	s0 =	simm.s32 @!p2 $0x0  }
0x16: {  	s3 =	sld [smem:$0x3FDB];
	s0 =	simm.s32 @p2 $0x1  }
0x17: {  	s4 =	simm.s32 $0x1BF5;
	[smem:$0x3FB8] =	sst s0  }
0x18: {  	s0 =	sld [smem:$0x3F9B];
	_ =	swait.ge [sflag:s4], $0x0  }
0x19: {  	s7 =	sld [smem:$0x3F9C]  }
0x1a: {  	s8 =	sadd.s32 $0xFFFFE003, lr  }
0x1b: {  	s9 =	sadd.s32 $0xFFFFFEF7, lr;
	s5 =	simm.s32 $0xFFFFFFFF;
	p2 =	slt.u32 s8, $0xFFFFF086  }
0x1c: {  	p1 =	slt.u32 s9, $0xF7A;
	s5 =	simm.s32 @!p2 $0x0  }
0x1d: {  	s5 =	simm.s32 @p1 $0x1;
	p0 =	seq.s32 s7, s2  }
0x1e: {  	s7 =	smul.u32 @!p0 $0xF7A, s2;
	p2 =	seq.s32 @!p0 s5, $0x0  }
0x1f: {  	s9 =	smul.u32 $0xF7A, s1;
	s8 =	simm.s32 @!p0 $0x1BF5;
	p2 =	por !p2, p0  }
0x20: {  	[sflag:s8] =	ssyncset.s32 @!p0 $0xFFFFF086;
	s6 =	sadd.s32 @!p0 s3, s7;
	s7 =	simm.s32 @!p0 $0x108  }
0x21: {  	s3 =	sadd.s32 s3, s9;
	s6 =	sadd.s32 @!p0 $0x88, s6;
	s7 =	simm.s32 @p2 $0x1082  }
0x22: {  	[simem:s7], [sflag:s8] =	dma.local @!p0 [hbm:s6], $0xF7A  }
0x23: {  	s9 =	sor.u32 $0xD0000000, s2;
	s6 =	simm.s32 $0x108;
	_ =	swait.ge @!p0 [sflag:s8], $0x0  }
0x24: {  	s3 =	sadd.s32 $0x88, s3;
	s6 =	simm.s32 @!p1 $0x1082;
	[sflag:s4] =	ssyncset.s32 $0xFFFFF086  }
0x25: {  	[simem:s6], [sflag:s4] =	dma.local [hbm:s3], $0xF7A  }
0x26: {  	[smem:$0x3F9C] =	sst s1;
	(tag) =	ssettag s2;
	_ =	strace s9  }
0x27: {  	s1 =	sld [smem:$0x3FAC]  }
0x28: {  	s2 =	sld [smem:$0x3FAD]  }
0x29: {  	s4 =	sld [smem:$0x3FAF]  }
0x2a: {  	p0 =	seq.s32 s5, $0x0;
	s5 =	sld [smem:$0x3FB0]  }
0x2b: {  	s6 =	sld [smem:$0x3FB1]  }
0x2c: {  	s7 =	sld [smem:$0x3FB2]  }
0x2d: {  	s3 =	simm.s32 $0x108;
	s8 =	sld [smem:$0x3FB3]  }
0x2e: {  	s3 =	simm.s32 @!p0 $0x1082;
	s9 =	sld [smem:$0x3FB4]  }
0x2f: {  	lr =	sadd.s32 s0, s3;
	s0 =	sld [smem:$0x3FAB]  }
0x30: {  	s3 =	sld [smem:$0x3FAE]  }
0x31: {  	[smem:$0x3FB7] =	sst s10  }
0x32: {  	s10 =	sld [smem:$0x3FB5];
	_ =	sdelay $0x3  }
0x33: {  	p0 =	seq.s32 s10, $0x1;
	s10 =	sld [smem:$0x3FB7];
	_ =	sdelay $0x3  }
0x34: {  	[smem:$0x3FB7] =	sst s10  }
0x35: {  	s10 =	sld [smem:$0x3FB6];
	_ =	sdelay $0x3  }
0x36: {  	p1 =	seq.s32 s10, $0x1;
	s10 =	sld [smem:$0x3FB7];
	_ =	sdelay $0x3  }
0x37: {  	[smem:$0x3FB7] =	sst s10  }
0x38: {  	s10 =	sld [smem:$0x3FB8]  }
0x39: {  	_ = 	snop;
	(pc) =	sbr.ind lr, $3  }
0x3a: {  	_ = 	snop  }
0x3b: {  	_ = 	snop  }
0x3c: {  	p2 =	seq.s32 s10, $0x1;
	s10 =	sld [smem:$0x3FB7]  }
0x3d: {  	_ =	shalt  }
0x3e: {  	_ =	shalt  }
0x3f: {  	_ =	shalt  }
0x40: {  	_ =	shalt  }
0x41: {  	_ =	shalt  }
0x42: {  	_ =	shalt  }
0x43: {  	_ =	shalt  }
0x44: {  	_ =	shalt  }
0x45: {  	_ =	shalt  }
0x46: {  	_ =	shalt  }
0x47: {  	_ =	shalt  }
0x48: {  	_ =	shalt  }
0x49: {  	_ =	shalt  }
0x4a: {  	_ =	shalt  }
0x4b: {  	_ =	shalt  }
0x4c: {  	_ =	shalt  }
0x4d: {  	_ =	shalt  }
0x4e: {  	_ =	shalt  }
0x4f: {  	_ =	shalt  }
0x50: {  	_ =	shalt  }
0x51: {  	_ =	shalt  }
0x52: {  	_ =	shalt  }
0x53: {  	_ =	shalt  }
0x54: {  	_ =	shalt  }
0x55: {  	_ =	shalt  }
0x56: {  	_ =	shalt  }
0x57: {  	_ =	shalt  }
0x58: {  	_ =	shalt  }
0x59: {  	_ =	shalt  }
0x5a: {  	_ =	shalt  }
0x5b: {  	_ =	shalt  }
0x5c: {  	_ =	shalt  }
0x5d: {  	_ =	shalt  }
0x5e: {  	_ =	shalt  }
0x5f: {  	_ =	shalt  }
0x60: {  	_ =	shalt  }
0x61: {  	_ =	shalt  }
0x62: {  	_ =	shalt  }
0x63: {  	_ =	shalt  }
0x64: {  	_ =	shalt  }
0x65: {  	_ =	shalt  }
0x66: {  	_ =	shalt  }
0x67: {  	_ =	shalt  }
0x68: {  	_ =	shalt  }
0x69: {  	_ =	shalt  }
0x6a: {  	_ =	shalt  }
0x6b: {  	_ =	shalt  }
0x6c: {  	_ =	shalt  }
0x6d: {  	_ =	shalt  }
0x6e: {  	_ =	shalt  }
0x6f: {  	_ =	shalt  }
0x70: {  	_ =	shalt  }
0x71: {  	_ =	shalt  }
0x72: {  	_ =	shalt  }
0x73: {  	_ =	shalt  }
0x74: {  	_ =	shalt  }
0x75: {  	_ =	shalt  }
0x76: {  	_ =	shalt  }
0x77: {  	_ =	shalt  }
0x78: {  	_ =	shalt  }
0x79: {  	_ =	shalt  }
0x7a: {  	_ =	shalt  }
0x7b: {  	_ =	shalt  }
0x7c: {  	_ =	shalt  }
0x7d: {  	_ =	shalt  }
0x7e: {  	_ =	shalt  }
0x7f: {  	_ =	shalt  }
0x80: {  	_ =	shalt  }
0x81: {  	_ =	shalt  }
0x82: {  	_ =	shalt  }
0x83: {  	_ =	shalt  }
0x84: {  	_ =	shalt  }
0x85: {  	_ =	shalt  }
0x86: {  	_ =	shalt  }
0x87: {  	_ =	shalt  }
.Lfunc_end0:
.L_simem_size_0:
called_computation_lowered:
.L_overlay_start_0:
0x88: {  	s2 =	sld [smem:$0x3FD9]  }
0x89: {  	s3 =	sld [smem:$0x3FFE];
	_ =	sdelay $0x1  }
0x8a: {  	s1 =	srdreg.scid  }
0x8b: {  	s0 =	sand.u32 $0x1, s1  }
0x8c: {  	s16 =	sshll.u32 s0, $0xA;
	s2 =	sadd.s32 s3, s2  }
0x8d: {  	s2 =	sadd.s32 s2, s16  }
0x8e: {  	[smem:$0x3FC3] =	sst s2  }
0x8f: {  	_ = 	snop  }
0x90: {  	(tm) =	ssettm $0x1  }
0x91: {  	s17 =	sld [smem:$0x3FFB];
	_ =	sdelay $0x3  }
0x92: {  	_ =	strace s17  }
0x93: {  	s2 =	sld [smem:$0x3FFC];
	_ =	sdelay $0x3  }
0x94: {  	_ =	strace s2  }
0x95: {  	s2 =	sld [smem:$0x3FFD];
	_ =	sdelay $0x3  }
0x96: {  	_ =	strace s2  }
0x97: {  	_ =	strace $0x8FFFFFFF  }
0x98: {  	s18 =	sld [smem:$0x3FDB];
	_ =	sdelay $0x1  }
0x99: {  	s19 =	simm.s32 $_scs_section_size  }
0x9a: {  	s4 =	simm.s32 $_size__tile_overlayer_lowered;
	s5 =	simm.s32 $_tile_overlayer_lowered  }
0x9b: {  	s22 =	simm.s32 $0x1BFF;
	s21 =	sshll.u32 s5, $0x1;
	s2 =	sadd.s32 s19, s18  }
0x9c: {  	s6 =	simm.s32 $0x0;
	s20 =	sshll.u32 s4, $0x1;
	s4 =	sadd.s32 s21, s2  }
0x9d: {  	[timem:s6], [sflag:s22] =	dma.local [hbm:s4], s20  }
0x9e: {  	_ =	swait.ge [sflag:s22], s20  }
0x9f: {  	s3 =	ssub.s32 $0x0, s20;
	[sflag:s22] =	ssyncset.done $0x0  }
0xa0: {  	[sflag:s22] =	ssyncadd.s32 s3;
	_ =	sdelay $0x1  }
0xa1: {  	s23 =	simm.s32 $0x1B8B  }
0xa2: {  	_ =	swait.ge [sflag:s23], $0x1  }
0xa3: {  	[sflag:s23] =	ssyncset.done $0x0  }
0xa4: {  	s25 =	simm.s32 $0x1B8E;
	s24 =	sld [smem:$0x3FFE];
	[sflag:s23] =	ssyncadd.s32 $0xFFFFFFFF  }
0xa5: {  	s26 =	simm.s32 $execute0_lowered;
	[smem:$0x3FD2] =	sst s25  }
0xa6: {  	s4 =	sshll.u32 s26, $0x1;
	_ =	strace $0x80000046;
	[dreg:$0x1] =	wrdreg $0xFFFFFFFF  }
0xa7: {  	s28 =	simm.s32 $_size_execute0_lowered;
	s2 =	sadd.s32 s2, s4;
	[dreg:$0x0] =	wrdreg $0x0  }
0xa8: {  	s4 =	sshll.u32 s28, $0x1;
	[dreg:$0x2] =	wrdreg s2  }
0xa9: {  	[dreg:$0x3] =	wrdreg s4  }
0xaa: {  	[dreg:$0x4] =	wrdreg $0xC0  }
0xab: {  	_ =	task [dreg:s6], $0x5FFFF  }
0xac: {  	[dreg:$0x1] =	wrdreg $0xFFFFFFFF  }
0xad: {  	[dreg:$0x0] =	wrdreg $0x60  }
0xae: {  	[dreg:$0x2] =	wrdreg s24  }
0xaf: {  	[dreg:$0x3] =	wrdreg $0x4F000  }
0xb0: {  	[dreg:$0x4] =	wrdreg $0x9  }
0xb1: {  	_ =	task.clear_ibuf [dreg:s6], $0x5FFFF;
	_ =	strace $0x90000046  }
0xb2: {  	s29 =	simm.s32 $0x9;
	_ =	strace $0x80000048  }
0xb3: {  	_ =	swait.ge [sflag:s29], $0x1  }
0xb4: {  	[sflag:s29] =	ssyncadd.s32 $0xFFFFFFFF  }
0xb5: {  	_ =	strace $0x90000048  }
0xb6: {  	_ =	sfence  }
0xb7: {  	s30 =	sld [smem:$0x0];
	_ =	sdelay $0x2  }
0xb8: {  	s31 =	sshll.u32 s1, $0xD;
	s1 =	sshrl.u32 s1, $0x2  }
0xb9: {  	s3 =	sand.u32 $0x4000, s31;
	s1 =	sadd.s32 s1, s30  }
0xba: {  	s0 =	sor.u32 s3, s0;
	s1 =	sshll.u32 s1, $0x11  }
0xbb: {  	s0 =	sor.u32 s1, s0  }
0xbc: {  	s0 =	sadd.s32 $0x8F2B, s0  }
0xbd: {  	[sflag:s0] =	ssyncadd.remote.s32 $0x1  }
0xbe: {  	_ =	sfence.sel $0xFFFF  }
0xbf: {  	[dreg:$0x0] =	wrdreg $0xFFFFFFFF;
	(pc) =	sbr.abs _section_cstart, $3  }
0xc0: {  	[dreg:$0x1] =	wrdreg $0xFFFFFFFF  }
0xc1: {  	_ =	task.clear_ibuf [dreg:s6], $0x2FFFF;
	_ =	strace $0x9FFFFFFF  }
0xc2: {  	(tm) =	ssettm $0x7FFFFFFF  }
0xc3: {  	_ =	shalt  }
tec
execute0_lowered:
.L_overlay_start_1:
0x0: {  	(tag) =	ssettag $0x1  }
0x1: {  	s8 =	stileid.u32  }
0x2: {  	s5 =	smul.u32 $0x50000, s8  }
0x3: {  	s1 =	rddreg [dreg:$0x0]  }
0x4: {  	s0 =	srdreg.scid;
	s2 =	rddreg [dreg:$0x1];
	s5 =	sshrl.u32 s5, $0x2  }
0x5: {  	s4 =	simm.s32 $0x0;
	s28 =	simm.s32 $0x1;
	s5 =	sadd.s32 s5, s2  }
0x6: {  	s29 =	simm.s32 $0x2;
	[smem:$0x7FF] =	sst s4;
	s10 =	sadd.s32 $0x1400, s5  }
0x7: {  	_ =	strace $0x80000047;
	s11 =	sadd.s32 $0x2800, s5;
	[dreg:$0x5] =	wrdreg s10  }
0x8: {  	s30 =	simm.s32 $0x6;
	s12 =	sadd.s32 $0x3C00, s5;
	[dreg:$0x6] =	wrdreg s11  }
0x9: {  	s31 =	simm.s32 $0x7;
	s13 =	sadd.s32 $0x5000, s5;
	[dreg:$0x7] =	wrdreg s12  }
0xa: {  	s0 =	sand.u32 $0x1, s0;
	s14 =	sadd.s32 $0x6400, s5;
	[dreg:$0x8] =	wrdreg s13  }
0xb: {  	s4 =	sadd.s32 $0x14E00, s1;
	s15 =	sadd.s32 $0x7800, s5;
	[dreg:$0x9] =	wrdreg s14  }
0xc: {  	s22 =	smul.u32 $0x2800, s8;
	s16 =	sadd.s32 $0x8C00, s5;
	[dreg:$0xa] =	wrdreg s15  }
0xd: {  	s3 =	sshll.u32 s0, $0x4;
	s17 =	sadd.s32 $0xA000, s5;
	[dreg:$0xb] =	wrdreg s16  }
0xe: {  	s6 =	smul.u32 $0x28000, s0;
	s18 =	sadd.s32 $0xB400, s5;
	[dreg:$0xc] =	wrdreg s17  }
0xf: {  	s0 =	ssub.s32 $0x2, s0;
	s19 =	sadd.s32 $0xC800, s5;
	[dreg:$0xd] =	wrdreg s18  }
0x10: {  	s3 =	sor.u32 s8, s3;
	s20 =	sadd.s32 $0xDC00, s5;
	[dreg:$0xe] =	wrdreg s19  }
0x11: {  	s7 =	sshrl.u32 s0, $0x1;
	s21 =	sadd.s32 $0xF000, s5;
	[dreg:$0xf] =	wrdreg s20  }
0x12: {  	s8 =	simm.s32 $0x1CB00;
	s23 =	sadd.s32 $0x10400, s5;
	[dreg:$0x10] =	wrdreg s21  }
0x13: {  	s3 =	smul.u32 $0x4E2, s3;
	s24 =	sadd.s32 $0x11800, s5;
	[dreg:$0x11] =	wrdreg s23  }
0x14: {  	s0 =	ssub.s32 s0, s7;
	s25 =	sadd.s32 $0x12C00, s5;
	[dreg:$0x12] =	wrdreg s24  }
0x15: {  	s7 =	simm.s32 $0x1B700;
	s0 =	smax.u32 s0, $0x1;
	[dreg:$0x13] =	wrdreg s25  }
0x16: {  	s3 =	sadd.s32 s3, s1;
	s1 =	sadd.s32 s6, s1;
	[dreg:$0x14] =	wrdreg s0  }
0x17: {  	s0 =	simm.s32 $0x8;
	s25 =	simm.s32 $0x9;
	s6 =	simm.s32 $0x1A300  }
0x18: {  	s10 =	simm.s32 $0x1F300;
	s11 =	simm.s32 $0x1F380;
	s12 =	simm.s32 $0x3  }
0x19: {  	s13 =	simm.s32 $0x1F400;
	s14 =	simm.s32 $0x4;
	s15 =	simm.s32 $0x1F480  }
0x1a: {  	s16 =	simm.s32 $0x5;
	s17 =	simm.s32 $0x1F500;
	s9 =	sadd.s32 $0xB000, s3  }
0x1b: {  	s18 =	simm.s32 $0xB;
	s3 =	sadd.s32 $0x1200, s3;
	[dreg:$0x3] =	wrdreg s9  }
0x1c: {  	s19 =	simm.s32 $0x0;
	s1 =	sadd.s32 $0x3C000, s1;
	[dreg:$0x4] =	wrdreg s3  }
0x1d: {  	s26 =	sadd.s32 s22, s1;
	s1 =	simm.s32 $0xA;
	s3 =	simm.s32 $0x28  }
0x1e: {  	v0 =	vimm.f32 $0.0e+00;
	s9 =	simm.s32 $0x1DF00;
	[dreg:$0x15] =	wrdreg s26;
	s26 =	simm.s32 $0x18F00  }
.LBB2_1:
0x1f: {  	s20 =	simm.s32 $0x0;
	s21 =	rddreg [dreg:$0x3]  }
0x20: {  	[tilespmem:s20], [sflag:$0x1] =	stream.linear.gather [hbm4b:s21+s20], $0x2710, $0x38;
	[tilespmem:$0x1F580] =	vst v63  }
0x21: {  	s24 =	rddreg [dreg:$0x4];
	s22 =	simm.s32 $0x2780  }
0x22: {  	[tilespmem:s22], [sflag:$0x2] =	stream.linear.gather [hbm4b:s24+s20], $0x2710, $0x38;
	[tilespmem:$0x1F580] =	vst v63  }
0x23: {  	s21 =	simm.s32 $0x200;
	s20 =	simm.s32 $0x0  }
.LBB2_2:
0x24: {  	p0 =	sne.s32 s21, $0x4E00;
	[tilespmem:s20+$0x18F70] =	vst v0  }
0x25: {  	[tilespmem:s20+$0x18F00] =	vst v0  }
0x26: {  	[tilespmem:s20+$0x18F10] =	vst v0  }
.Ltmp0:
0x27: {  	[tilespmem:s20+$0x18F20] =	vst v0;
	(pc) =	sbr.rel @p0 .LBB2_2-.Ltmp0, $4  }
0x28: {  	[tilespmem:s20+$0x18F30] =	vst v0  }
0x29: {  	[tilespmem:s20+$0x18F40] =	vst v0  }
0x2a: {  	[tilespmem:s20+$0x18F50] =	vst v0  }
0x2b: {  	[tilespmem:s20+$0x18F60] =	vst v0;
	s20 =	sshra.s32 s21, $0x2;
	s21 =	sadd.s32 $0x200, s21  }
0x2c: {  	[tilespmem:s20+$0x18F70] =	vst v0  }
0x2d: {  	[tilespmem:s20+$0x18F00] =	vst v0  }
0x2e: {  	[tilespmem:s20+$0x18F10] =	vst v0  }
0x2f: {  	[tilespmem:s20+$0x18F20] =	vst v0  }
0x30: {  	[tilespmem:s20+$0x18F30] =	vst v0  }
0x31: {  	[tilespmem:s20+$0x18F40] =	vst v0  }
0x32: {  	[tilespmem:s20+$0x18F50] =	vst v0  }
0x33: {  	[tilespmem:s20+$0x18F60] =	vst v0  }
0x34: {  	[spmem:s5] =	stream.linear.scatter [tilespmem:s26], [sflag:$0x6], $0x1400, $0x38;
	[tilespmem:$0x1F580] =	vst v63  }
0x35: {  	s21 =	rddreg [dreg:$0x5]  }
0x36: {  	[spmem:s21] =	stream.linear.scatter [tilespmem:s26], [sflag:$0x7], $0x1400, $0x38;
	[tilespmem:$0x1F580] =	vst v63  }
0x37: {  	s22 =	rddreg [dreg:$0x6]  }
0x38: {  	[spmem:s22] =	stream.linear.scatter [tilespmem:s26], [sflag:$0x8], $0x1400, $0x38;
	[tilespmem:$0x1F580] =	vst v63  }
0x39: {  	s23 =	rddreg [dreg:$0x7]  }
0x3a: {  	[spmem:s23] =	stream.linear.scatter [tilespmem:s26], [sflag:$0x9], $0x1400, $0x38;
	[tilespmem:$0x1F580] =	vst v63  }
0x3b: {  	s24 =	rddreg [dreg:$0x8]  }
0x3c: {  	[spmem:s24] =	stream.linear.scatter [tilespmem:s26], [sflag:$0xA], $0x1400, $0x38;
	[tilespmem:$0x1F580] =	vst v63  }
0x3d: {  	s21 =	rddreg [dreg:$0x9]  }
0x3e: {  	[spmem:s21] =	stream.linear.scatter [tilespmem:s26], [sflag:$0x6], $0x1400, $0x38;
	[tilespmem:$0x1F580] =	vst v63  }
0x3f: {  	s22 =	rddreg [dreg:$0xa]  }
0x40: {  	[spmem:s22] =	stream.linear.scatter [tilespmem:s26], [sflag:$0x7], $0x1400, $0x38;
	[tilespmem:$0x1F580] =	vst v63  }
0x41: {  	s23 =	rddreg [dreg:$0xb]  }
0x42: {  	[spmem:s23] =	stream.linear.scatter [tilespmem:s26], [sflag:$0x8], $0x1400, $0x38;
	[tilespmem:$0x1F580] =	vst v63  }
0x43: {  	s24 =	rddreg [dreg:$0xc]  }
0x44: {  	[spmem:s24] =	stream.linear.scatter [tilespmem:s26], [sflag:$0x9], $0x1400, $0x38;
	[tilespmem:$0x1F580] =	vst v63  }
0x45: {  	s21 =	rddreg [dreg:$0xd]  }
0x46: {  	[spmem:s21] =	stream.linear.scatter [tilespmem:s26], [sflag:$0xA], $0x1400, $0x38;
	[tilespmem:$0x1F580] =	vst v63  }
0x47: {  	s22 =	rddreg [dreg:$0xe]  }
0x48: {  	[spmem:s22] =	stream.linear.scatter [tilespmem:s26], [sflag:$0x6], $0x1400, $0x38;
	[tilespmem:$0x1F580] =	vst v63  }
0x49: {  	s23 =	rddreg [dreg:$0xf]  }
0x4a: {  	[spmem:s23] =	stream.linear.scatter [tilespmem:s26], [sflag:$0x7], $0x1400, $0x38;
	[tilespmem:$0x1F580] =	vst v63  }
0x4b: {  	s24 =	rddreg [dreg:$0x10]  }
0x4c: {  	[spmem:s24] =	stream.linear.scatter [tilespmem:s26], [sflag:$0x8], $0x1400, $0x38;
	[tilespmem:$0x1F580] =	vst v63  }
0x4d: {  	s21 =	rddreg [dreg:$0x11]  }
0x4e: {  	[spmem:s21] =	stream.linear.scatter [tilespmem:s26], [sflag:$0x9], $0x1400, $0x38;
	[tilespmem:$0x1F580] =	vst v63  }
0x4f: {  	s22 =	rddreg [dreg:$0x12]  }
0x50: {  	[spmem:s22] =	stream.linear.scatter [tilespmem:s26], [sflag:$0xA], $0x1400, $0x38;
	[tilespmem:$0x1F580] =	vst v63  }
0x51: {  	s23 =	rddreg [dreg:$0x13]  }
0x52: {  	[spmem:s23] =	stream.linear.scatter [tilespmem:s26], [sflag:$0x6], $0x1400, $0x38;
	[tilespmem:$0x1F580] =	vst v63  }
0x53: {  	_ =	swait.ge [sflag:s28], $0x2710  }
0x54: {  	[sflag:s28] =	ssyncset.done $0x0  }
0x55: {  	[sflag:s28] =	ssyncadd.s32 $0xFFFFD8F0  }
0x56: {  	_ =	swait.ge [sflag:s29], $0x2710  }
0x57: {  	[sflag:s29] =	ssyncset.done $0x0  }
0x58: {  	[sflag:s29] =	ssyncadd.s32 $0xFFFFD8F0  }
0x59: {  	_ =	swait.ge [sflag:s30], $0x1400  }
0x5a: {  	[sflag:s30] =	ssyncset.done $0x0  }
0x5b: {  	[sflag:s30] =	ssyncadd.s32 $0xFFFFEC00  }
0x5c: {  	_ =	swait.ge [sflag:s31], $0x1400  }
0x5d: {  	[sflag:s31] =	ssyncset.done $0x0  }
0x5e: {  	[sflag:s31] =	ssyncadd.s32 $0xFFFFEC00  }
0x5f: {  	_ =	swait.ge [sflag:s0], $0x1400  }
0x60: {  	[sflag:s0] =	ssyncset.done $0x0  }
0x61: {  	[sflag:s0] =	ssyncadd.s32 $0xFFFFEC00  }
0x62: {  	_ =	swait.ge [sflag:s25], $0x1400  }
0x63: {  	[sflag:s25] =	ssyncset.done $0x0  }
0x64: {  	[sflag:s25] =	ssyncadd.s32 $0xFFFFEC00  }
0x65: {  	_ =	swait.ge [sflag:s1], $0x1400  }
0x66: {  	[sflag:s1] =	ssyncset.done $0x0  }
0x67: {  	[sflag:s1] =	ssyncadd.s32 $0xFFFFEC00  }
0x68: {  	_ =	swait.ge [sflag:s30], $0x1400  }
0x69: {  	[sflag:s30] =	ssyncset.done $0x0  }
0x6a: {  	[sflag:s30] =	ssyncadd.s32 $0xFFFFEC00  }
0x6b: {  	_ =	swait.ge [sflag:s31], $0x1400  }
0x6c: {  	[sflag:s31] =	ssyncset.done $0x0  }
0x6d: {  	[sflag:s31] =	ssyncadd.s32 $0xFFFFEC00  }
0x6e: {  	_ =	swait.ge [sflag:s0], $0x1400  }
0x6f: {  	[sflag:s0] =	ssyncset.done $0x0  }
0x70: {  	[sflag:s0] =	ssyncadd.s32 $0xFFFFEC00  }
0x71: {  	_ =	swait.ge [sflag:s25], $0x1400  }
0x72: {  	[sflag:s25] =	ssyncset.done $0x0  }
0x73: {  	[sflag:s25] =	ssyncadd.s32 $0xFFFFEC00  }
0x74: {  	_ =	swait.ge [sflag:s1], $0x1400  }
0x75: {  	[sflag:s1] =	ssyncset.done $0x0  }
0x76: {  	[sflag:s1] =	ssyncadd.s32 $0xFFFFEC00  }
0x77: {  	_ =	swait.ge [sflag:s30], $0x1400  }
0x78: {  	[sflag:s30] =	ssyncset.done $0x0  }
0x79: {  	[sflag:s30] =	ssyncadd.s32 $0xFFFFEC00  }
0x7a: {  	_ =	swait.ge [sflag:s31], $0x1400  }
0x7b: {  	[sflag:s31] =	ssyncset.done $0x0  }
0x7c: {  	[sflag:s31] =	ssyncadd.s32 $0xFFFFEC00  }
0x7d: {  	_ =	swait.ge [sflag:s0], $0x1400  }
0x7e: {  	[sflag:s0] =	ssyncset.done $0x0  }
0x7f: {  	[sflag:s0] =	ssyncadd.s32 $0xFFFFEC00  }
0x80: {  	_ =	swait.ge [sflag:s25], $0x1400  }
0x81: {  	[sflag:s25] =	ssyncset.done $0x0  }
0x82: {  	[sflag:s25] =	ssyncadd.s32 $0xFFFFEC00  }
0x83: {  	_ =	swait.ge [sflag:s1], $0x1400  }
0x84: {  	[sflag:s1] =	ssyncset.done $0x0  }
0x85: {  	[sflag:s1] =	ssyncadd.s32 $0xFFFFEC00  }
0x86: {  	_ =	swait.ge [sflag:s30], $0x1400  }
0x87: {  	[sflag:s30] =	ssyncset.done $0x0  }
0x88: {  	[sflag:s30] =	ssyncadd.s32 $0xFFFFEC00  }
0x89: {  	[bflag:$0x0] =	sbarrier.arrive $0xFFFF  }
0x8a: {  	v1 =	vld [tilespmem:$0x2780]  }
0x8b: {  	v2 =	vld [tilespmem:$0x2790]  }
0x8c: {  	v3 =	vld [tilespmem:$0x2798];
	_ =	sdelay $0x2  }
0x8d: {  	[tilespmem:$0x1F300] =	vst v1  }
0x8e: {  	[tilespmem:$0x1F310] =	vst v2  }
0x8f: {  	s24 =	simm.s32 $0x0;
	[tilespmem:$0x1F318] =	vst v3  }
0x90: {  	[tilespmem:s26], [sflag:$0x1] =	stream.indirect.gather [hbm4b:s4+s3], $0x80, s24, s3, $0xb8;
	[tilespmem:$0x1F580] =	vst v63  }
0x91: {  	v1 =	vld [tilespmem:$0x27A8]  }
0x92: {  	v2 =	vld [tilespmem:$0x27B8]  }
0x93: {  	v3 =	vld [tilespmem:$0x27C0];
	_ =	sdelay $0x2  }
0x94: {  	[tilespmem:$0x1F380] =	vst v1  }
0x95: {  	[tilespmem:$0x1F390] =	vst v2  }
0x96: {  	[tilespmem:$0x1F398] =	vst v3  }
0x97: {  	[tilespmem:s6], [sflag:$0x2] =	stream.indirect.gather [hbm4b:s4+s3], $0x80, s3, s3, $0xb8;
	[tilespmem:$0x1F580] =	vst v63  }
0x98: {  	v1 =	vld [tilespmem:$0x27D0]  }
0x99: {  	v2 =	vld [tilespmem:$0x27E0]  }
0x9a: {  	v3 =	vld [tilespmem:$0x27E8];
	_ =	sdelay $0x2  }
0x9b: {  	[tilespmem:$0x1F400] =	vst v1  }
0x9c: {  	[tilespmem:$0x1F410] =	vst v2  }
0x9d: {  	s21 =	simm.s32 $0x50;
	[tilespmem:$0x1F418] =	vst v3  }
0x9e: {  	[tilespmem:s7], [sflag:$0x3] =	stream.indirect.gather [hbm4b:s4+s3], $0x80, s21, s3, $0xb8;
	[tilespmem:$0x1F580] =	vst v63  }
0x9f: {  	v1 =	vld [tilespmem:$0x27F8]  }
0xa0: {  	v2 =	vld [tilespmem:$0x2808]  }
0xa1: {  	v3 =	vld [tilespmem:$0x2810];
	_ =	sdelay $0x2  }
0xa2: {  	[tilespmem:$0x1F480] =	vst v1  }
0xa3: {  	[tilespmem:$0x1F490] =	vst v2  }
0xa4: {  	s22 =	simm.s32 $0x78;
	[tilespmem:$0x1F498] =	vst v3  }
0xa5: {  	[tilespmem:s8], [sflag:$0x4] =	stream.indirect.gather [hbm4b:s4+s3], $0x80, s22, s3, $0xb8;
	[tilespmem:$0x1F580] =	vst v63  }
0xa6: {  	v1 =	vld [tilespmem:$0x2820]  }
0xa7: {  	v2 =	vld [tilespmem:$0x2830]  }
0xa8: {  	v3 =	vld [tilespmem:$0x2838];
	_ =	sdelay $0x2  }
0xa9: {  	[tilespmem:$0x1F500] =	vst v1  }
0xaa: {  	[tilespmem:$0x1F510] =	vst v2  }
0xab: {  	s23 =	simm.s32 $0xA0;
	[tilespmem:$0x1F518] =	vst v3  }
0xac: {  	[tilespmem:s9], [sflag:$0x5] =	stream.indirect.gather [hbm4b:s4+s3], $0x80, s23, s3, $0xb8;
	[tilespmem:$0x1F580] =	vst v63  }
0xad: {  	_ =	swait.ge [sflag:s28], $0x1400  }
0xae: {  	[sflag:s28] =	ssyncset.done $0x0  }
0xaf: {  	[sflag:s28] =	ssyncadd.s32 $0xFFFFEC00  }
0xb0: {  	[spmem:s2] =	stream.indirect.scatter.add.f32 [tilespmem:s26], [sflag:$0x6], $0x80, s10, s3, $0xb8;
	[tilespmem:$0x1F580] =	vst v63  }
0xb1: {  	_ =	swait.ge [sflag:s29], $0x1400  }
0xb2: {  	[sflag:s29] =	ssyncset.done $0x0  }
0xb3: {  	[sflag:s29] =	ssyncadd.s32 $0xFFFFEC00  }
0xb4: {  	[spmem:s2] =	stream.indirect.scatter.add.f32 [tilespmem:s6], [sflag:$0x7], $0x80, s11, s3, $0xb8;
	[tilespmem:$0x1F580] =	vst v63  }
0xb5: {  	_ =	swait.ge [sflag:s12], $0x1400  }
0xb6: {  	[sflag:s12] =	ssyncset.done $0x0  }
0xb7: {  	[sflag:s12] =	ssyncadd.s32 $0xFFFFEC00  }
0xb8: {  	[spmem:s2] =	stream.indirect.scatter.add.f32 [tilespmem:s7], [sflag:$0x8], $0x80, s13, s3, $0xb8;
	[tilespmem:$0x1F580] =	vst v63  }
0xb9: {  	_ =	swait.ge [sflag:s14], $0x1400  }
0xba: {  	[sflag:s14] =	ssyncset.done $0x0  }
0xbb: {  	[sflag:s14] =	ssyncadd.s32 $0xFFFFEC00  }
0xbc: {  	[spmem:s2] =	stream.indirect.scatter.add.f32 [tilespmem:s8], [sflag:$0x9], $0x80, s15, s3, $0xb8;
	[tilespmem:$0x1F580] =	vst v63  }
0xbd: {  	_ =	swait.ge [sflag:s16], $0x1400  }
0xbe: {  	[sflag:s16] =	ssyncset.done $0x0  }
0xbf: {  	[sflag:s16] =	ssyncadd.s32 $0xFFFFEC00  }
0xc0: {  	[spmem:s2] =	stream.indirect.scatter.add.f32 [tilespmem:s9], [sflag:$0xA], $0x80, s17, s3, $0xb8;
	[tilespmem:$0x1F580] =	vst v63  }
0xc1: {  	_ =	swait.ge [sflag:s30], $0x1400  }
0xc2: {  	[sflag:s30] =	ssyncset.done $0x0  }
0xc3: {  	s21 =	simm.s32 $0x0;
	[sflag:s30] =	ssyncadd.s32 $0xFFFFEC00  }
0xc4: {  	v1 =	vld [tilespmem:s21+$0x2848];
	_ =	sdelay $0x4  }
0xc5: {  	[tilespmem:$0x1F300] =	vst v1  }
0xc6: {  	v1 =	vld [tilespmem:s21+$0x2858];
	_ =	sdelay $0x4  }
0xc7: {  	[tilespmem:$0x1F310] =	vst v1  }
0xc8: {  	v1 =	vld [tilespmem:s21+$0x2860];
	_ =	sdelay $0x4  }
0xc9: {  	s22 =	simm.s32 $0xC8;
	[tilespmem:$0x1F318] =	vst v1  }
0xca: {  	[tilespmem:s26], [sflag:$0x1] =	stream.indirect.gather [hbm4b:s4+s3], $0x80, s22, s3, $0xb8;
	[tilespmem:$0x1F580] =	vst v63  }
0xcb: {  	_ =	swait.ge [sflag:s31], $0x1400  }
0xcc: {  	[sflag:s31] =	ssyncset.done $0x0  }
0xcd: {  	[sflag:s31] =	ssyncadd.s32 $0xFFFFEC00  }
0xce: {  	v1 =	vld [tilespmem:s21+$0x2870];
	_ =	sdelay $0x4  }
0xcf: {  	s20 =	sand.u32 $0x3FF8, s24;
	[tilespmem:$0x1F380] =	vst v1  }
0xd0: {  	v1 =	vld [tilespmem:s20+$0x2880];
	_ =	sdelay $0x4  }
0xd1: {  	[tilespmem:$0x1F390] =	vst v1  }
0xd2: {  	v1 =	vld [tilespmem:s21+$0x2888];
	_ =	sdelay $0x4  }
0xd3: {  	s24 =	simm.s32 $0xF0;
	[tilespmem:$0x1F398] =	vst v1  }
0xd4: {  	[tilespmem:s6], [sflag:$0x2] =	stream.indirect.gather [hbm4b:s4+s3], $0x80, s24, s3, $0xb8;
	[tilespmem:$0x1F580] =	vst v63  }
0xd5: {  	_ =	swait.ge [sflag:s0], $0x1400  }
0xd6: {  	[sflag:s0] =	ssyncset.done $0x0  }
0xd7: {  	[sflag:s0] =	ssyncadd.s32 $0xFFFFEC00  }
0xd8: {  	v1 =	vld [tilespmem:s21+$0x2898];
	_ =	sdelay $0x4  }
0xd9: {  	[tilespmem:$0x1F400] =	vst v1  }
0xda: {  	v1 =	vld [tilespmem:s21+$0x28A8];
	_ =	sdelay $0x4  }
0xdb: {  	[tilespmem:$0x1F410] =	vst v1  }
0xdc: {  	v1 =	vld [tilespmem:s21+$0x28B0];
	_ =	sdelay $0x4  }
0xdd: {  	s23 =	simm.s32 $0x118;
	[tilespmem:$0x1F418] =	vst v1  }
0xde: {  	[tilespmem:s7], [sflag:$0x3] =	stream.indirect.gather [hbm4b:s4+s3], $0x80, s23, s3, $0xb8;
	[tilespmem:$0x1F580] =	vst v63  }
0xdf: {  	_ =	swait.ge [sflag:s25], $0x1400  }
0xe0: {  	[sflag:s25] =	ssyncset.done $0x0  }
0xe1: {  	[sflag:s25] =	ssyncadd.s32 $0xFFFFEC00  }
0xe2: {  	v1 =	vld [tilespmem:s21+$0x28C0];
	_ =	sdelay $0x4  }
0xe3: {  	[tilespmem:$0x1F480] =	vst v1  }
0xe4: {  	v1 =	vld [tilespmem:s21+$0x28D0];
	_ =	sdelay $0x4  }
0xe5: {  	[tilespmem:$0x1F490] =	vst v1  }
0xe6: {  	v1 =	vld [tilespmem:s21+$0x28D8];
	_ =	sdelay $0x4  }
0xe7: {  	s24 =	simm.s32 $0x140;
	[tilespmem:$0x1F498] =	vst v1  }
0xe8: {  	[tilespmem:s8], [sflag:$0x4] =	stream.indirect.gather [hbm4b:s4+s3], $0x80, s24, s3, $0xb8;
	[tilespmem:$0x1F580] =	vst v63  }
0xe9: {  	_ =	swait.ge [sflag:s1], $0x1400  }
0xea: {  	[sflag:s1] =	ssyncset.done $0x0  }
0xeb: {  	[sflag:s1] =	ssyncadd.s32 $0xFFFFEC00  }
0xec: {  	v1 =	vld [tilespmem:s21+$0x28E8];
	_ =	sdelay $0x4  }
0xed: {  	[tilespmem:$0x1F500] =	vst v1  }
0xee: {  	v1 =	vld [tilespmem:s21+$0x28F8];
	_ =	sdelay $0x4  }
0xef: {  	[tilespmem:$0x1F510] =	vst v1  }
0xf0: {  	v1 =	vld [tilespmem:s20+$0x2900];
	_ =	sdelay $0x4  }
0xf1: {  	s22 =	simm.s32 $0x168;
	s21 =	simm.s32 $0xC8;
	s20 =	simm.s32 $0x320;
	[tilespmem:$0x1F518] =	vst v1  }
.LBB2_4:
0xf2: {  	[tilespmem:s9], [sflag:$0x5] =	stream.indirect.gather [hbm4b:s4+s3], $0x80, s22, s3, $0xb8;
	[tilespmem:$0x1F580] =	vst v63  }
0xf3: {  	s22 =	smov.u32 s20  }
0xf4: {  	p0 =	sne.s32 s20, $0x9600;
	s20 =	sadd.s32 $0x320, s20;
	_ =	swait.ge [sflag:s28], $0x1400  }
0xf5: {  	[sflag:s28] =	ssyncset.done $0x0  }
0xf6: {  	[sflag:s28] =	ssyncadd.s32 $0xFFFFEC00  }
0xf7: {  	[spmem:s2] =	stream.indirect.scatter.add.f32 [tilespmem:s26], [sflag:$0x6], $0x80, s10, s3, $0xb8;
	[tilespmem:$0x1F580] =	vst v63  }
0xf8: {  	_ =	swait.ge [sflag:s29], $0x1400  }
0xf9: {  	[sflag:s29] =	ssyncset.done $0x0  }
0xfa: {  	[sflag:s29] =	ssyncadd.s32 $0xFFFFEC00  }
0xfb: {  	[spmem:s2] =	stream.indirect.scatter.add.f32 [tilespmem:s6], [sflag:$0x7], $0x80, s11, s3, $0xb8;
	[tilespmem:$0x1F580] =	vst v63  }
0xfc: {  	_ =	swait.ge [sflag:s12], $0x1400  }
0xfd: {  	[sflag:s12] =	ssyncset.done $0x0  }
0xfe: {  	[sflag:s12] =	ssyncadd.s32 $0xFFFFEC00  }
0xff: {  	[spmem:s2] =	stream.indirect.scatter.add.f32 [tilespmem:s7], [sflag:$0x8], $0x80, s13, s3, $0xb8;
	[tilespmem:$0x1F580] =	vst v63  }
0x100: {  	_ =	swait.ge [sflag:s14], $0x1400  }
0x101: {  	[sflag:s14] =	ssyncset.done $0x0  }
0x102: {  	[sflag:s14] =	ssyncadd.s32 $0xFFFFEC00  }
0x103: {  	[spmem:s2] =	stream.indirect.scatter.add.f32 [tilespmem:s8], [sflag:$0x9], $0x80, s15, s3, $0xb8;
	[tilespmem:$0x1F580] =	vst v63  }
0x104: {  	_ =	swait.ge [sflag:s16], $0x1400  }
0x105: {  	[sflag:s16] =	ssyncset.done $0x0  }
0x106: {  	[sflag:s16] =	ssyncadd.s32 $0xFFFFEC00  }
0x107: {  	[spmem:s2] =	stream.indirect.scatter.add.f32 [tilespmem:s9], [sflag:$0xA], $0x80, s17, s3, $0xb8;
	[tilespmem:$0x1F580] =	vst v63  }
0x108: {  	_ =	swait.ge [sflag:s30], $0x1400  }
0x109: {  	[sflag:s30] =	ssyncset.done $0x0  }
0x10a: {  	s22 =	sshra.s32 s22, $0x2;
	[sflag:s30] =	ssyncadd.s32 $0xFFFFEC00  }
0x10b: {  	v1 =	vld [tilespmem:s22+$0x2848];
	_ =	sdelay $0x4  }
0x10c: {  	[tilespmem:$0x1F300] =	vst v1  }
0x10d: {  	v1 =	vld [tilespmem:s22+$0x2858];
	_ =	sdelay $0x4  }
0x10e: {  	[tilespmem:$0x1F310] =	vst v1  }
0x10f: {  	v1 =	vld [tilespmem:s22+$0x2860];
	_ =	sdelay $0x4  }
0x110: {  	s23 =	sadd.s32 $0xC8, s22;
	[tilespmem:$0x1F318] =	vst v1  }
0x111: {  	[tilespmem:s26], [sflag:$0x1] =	stream.indirect.gather [hbm4b:s4+s3], $0x80, s23, s3, $0xb8;
	[tilespmem:$0x1F580] =	vst v63  }
0x112: {  	_ =	swait.ge [sflag:s31], $0x1400  }
0x113: {  	[sflag:s31] =	ssyncset.done $0x0  }
0x114: {  	[sflag:s31] =	ssyncadd.s32 $0xFFFFEC00  }
0x115: {  	v1 =	vld [tilespmem:s22+$0x2870];
	_ =	sdelay $0x4  }
0x116: {  	s23 =	sand.u32 $0x3FF8, s21;
	[tilespmem:$0x1F380] =	vst v1  }
0x117: {  	v1 =	vld [tilespmem:s23+$0x2880];
	_ =	sdelay $0x4  }
0x118: {  	[tilespmem:$0x1F390] =	vst v1  }
0x119: {  	v1 =	vld [tilespmem:s22+$0x2888];
	_ =	sdelay $0x4  }
0x11a: {  	s24 =	sadd.s32 $0xF0, s22;
	[tilespmem:$0x1F398] =	vst v1  }
0x11b: {  	[tilespmem:s6], [sflag:$0x2] =	stream.indirect.gather [hbm4b:s4+s3], $0x80, s24, s3, $0xb8;
	[tilespmem:$0x1F580] =	vst v63  }
0x11c: {  	_ =	swait.ge [sflag:s0], $0x1400  }
0x11d: {  	[sflag:s0] =	ssyncset.done $0x0  }
0x11e: {  	[sflag:s0] =	ssyncadd.s32 $0xFFFFEC00  }
0x11f: {  	v1 =	vld [tilespmem:s22+$0x2898];
	_ =	sdelay $0x4  }
0x120: {  	[tilespmem:$0x1F400] =	vst v1  }
0x121: {  	v1 =	vld [tilespmem:s22+$0x28A8];
	_ =	sdelay $0x4  }
0x122: {  	[tilespmem:$0x1F410] =	vst v1  }
0x123: {  	v1 =	vld [tilespmem:s22+$0x28B0];
	_ =	sdelay $0x4  }
0x124: {  	s24 =	sadd.s32 $0x118, s22;
	[tilespmem:$0x1F418] =	vst v1  }
0x125: {  	[tilespmem:s7], [sflag:$0x3] =	stream.indirect.gather [hbm4b:s4+s3], $0x80, s24, s3, $0xb8;
	[tilespmem:$0x1F580] =	vst v63  }
0x126: {  	_ =	swait.ge [sflag:s25], $0x1400  }
0x127: {  	[sflag:s25] =	ssyncset.done $0x0  }
0x128: {  	[sflag:s25] =	ssyncadd.s32 $0xFFFFEC00  }
0x129: {  	v1 =	vld [tilespmem:s22+$0x28C0];
	_ =	sdelay $0x4  }
0x12a: {  	[tilespmem:$0x1F480] =	vst v1  }
0x12b: {  	v1 =	vld [tilespmem:s22+$0x28D0];
	_ =	sdelay $0x4  }
0x12c: {  	[tilespmem:$0x1F490] =	vst v1  }
0x12d: {  	v1 =	vld [tilespmem:s22+$0x28D8];
	_ =	sdelay $0x4  }
0x12e: {  	s24 =	sadd.s32 $0x140, s22;
	[tilespmem:$0x1F498] =	vst v1  }
0x12f: {  	[tilespmem:s8], [sflag:$0x4] =	stream.indirect.gather [hbm4b:s4+s3], $0x80, s24, s3, $0xb8;
	[tilespmem:$0x1F580] =	vst v63  }
0x130: {  	_ =	swait.ge [sflag:s1], $0x1400  }
0x131: {  	[sflag:s1] =	ssyncset.done $0x0  }
0x132: {  	[sflag:s1] =	ssyncadd.s32 $0xFFFFEC00  }
0x133: {  	v1 =	vld [tilespmem:s22+$0x28E8];
	_ =	sdelay $0x4  }
0x134: {  	[tilespmem:$0x1F500] =	vst v1  }
0x135: {  	v1 =	vld [tilespmem:s22+$0x28F8];
	_ =	sdelay $0x4  }
0x136: {  	[tilespmem:$0x1F510] =	vst v1  }
0x137: {  	v1 =	vld [tilespmem:s23+$0x2900]  }
.Ltmp1:
0x138: {  	(pc) =	sbr.rel @p0 .LBB2_4-.Ltmp1, $2  }
0x139: {  	_ =	sdelay $0x2  }
0x13a: {  	s21 =	sadd.s32 $0xC8, s21;
	s22 =	sadd.s32 $0x168, s22;
	[tilespmem:$0x1F518] =	vst v1  }
0x13b: {  	[tilespmem:s9], [sflag:$0x5] =	stream.indirect.gather [hbm4b:s4+s3], $0x80, s22, s3, $0xb8;
	[tilespmem:$0x1F580] =	vst v63  }
0x13c: {  	_ =	swait.ge [sflag:s28], $0x1400  }
0x13d: {  	[sflag:s28] =	ssyncset.done $0x0  }
0x13e: {  	[sflag:s28] =	ssyncadd.s32 $0xFFFFEC00  }
0x13f: {  	[spmem:s2] =	stream.indirect.scatter.add.f32 [tilespmem:s26], [sflag:$0x6], $0x80, s10, s3, $0xb8;
	[tilespmem:$0x1F580] =	vst v63  }
0x140: {  	_ =	swait.ge [sflag:s29], $0x1400  }
0x141: {  	[sflag:s29] =	ssyncset.done $0x0  }
0x142: {  	[sflag:s29] =	ssyncadd.s32 $0xFFFFEC00  }
0x143: {  	[spmem:s2] =	stream.indirect.scatter.add.f32 [tilespmem:s6], [sflag:$0x7], $0x80, s11, s3, $0xb8;
	[tilespmem:$0x1F580] =	vst v63  }
0x144: {  	_ =	swait.ge [sflag:s12], $0x1400  }
0x145: {  	[sflag:s12] =	ssyncset.done $0x0  }
0x146: {  	[sflag:s12] =	ssyncadd.s32 $0xFFFFEC00  }
0x147: {  	[spmem:s2] =	stream.indirect.scatter.add.f32 [tilespmem:s7], [sflag:$0x8], $0x80, s13, s3, $0xb8;
	[tilespmem:$0x1F580] =	vst v63  }
0x148: {  	_ =	swait.ge [sflag:s14], $0x1400  }
0x149: {  	[sflag:s14] =	ssyncset.done $0x0  }
0x14a: {  	[sflag:s14] =	ssyncadd.s32 $0xFFFFEC00  }
0x14b: {  	[spmem:s2] =	stream.indirect.scatter.add.f32 [tilespmem:s8], [sflag:$0x9], $0x80, s15, s3, $0xb8;
	[tilespmem:$0x1F580] =	vst v63  }
0x14c: {  	_ =	swait.ge [sflag:s16], $0x1400  }
0x14d: {  	[sflag:s16] =	ssyncset.done $0x0  }
0x14e: {  	[sflag:s16] =	ssyncadd.s32 $0xFFFFEC00  }
0x14f: {  	[spmem:s2] =	stream.indirect.scatter.add.f32 [tilespmem:s9], [sflag:$0xA], $0x80, s17, s3, $0xb8;
	[tilespmem:$0x1F580] =	vst v63  }
0x150: {  	_ =	swait.ge [sflag:s30], $0x1400  }
0x151: {  	[sflag:s30] =	ssyncset.done $0x0  }
0x152: {  	[sflag:s30] =	ssyncadd.s32 $0xFFFFEC00  }
0x153: {  	_ =	swait.ge [sflag:s31], $0x1400  }
0x154: {  	[sflag:s31] =	ssyncset.done $0x0  }
0x155: {  	[sflag:s31] =	ssyncadd.s32 $0xFFFFEC00  }
0x156: {  	_ =	swait.ge [sflag:s0], $0x1400  }
0x157: {  	[sflag:s0] =	ssyncset.done $0x0  }
0x158: {  	[sflag:s0] =	ssyncadd.s32 $0xFFFFEC00  }
0x159: {  	_ =	swait.ge [sflag:s25], $0x1400  }
0x15a: {  	[sflag:s25] =	ssyncset.done $0x0  }
0x15b: {  	[sflag:s25] =	ssyncadd.s32 $0xFFFFEC00  }
0x15c: {  	_ =	swait.ge [sflag:s1], $0x1400  }
0x15d: {  	[sflag:s1] =	ssyncset.done $0x0  }
0x15e: {  	s20 =	stileid.u32;
	[sflag:s1] =	ssyncadd.s32 $0xFFFFEC00  }
0x15f: {  	s20 =	sshll.u32 s20, $0x6;
	[bflag:$0x0] =	sbarrier.arrive $0xFFFF  }
0x160: {  	s21 =	sshrl.u32 s5, $0x3;
	s20 =	sor.u32 $0x1C0B, s20;
	s23 =	rddreg [dreg:$0x15]  }
0x161: {  	[hbm:s23], [sflag:s20] =	dma.local [spmem:s21], $0x2800  }
0x162: {  	_ =	swait.ge [sflag:s18], $0x2800  }
0x163: {  	s19 =	sadd.s32 $0x1, s19;
	s24 =	rddreg [dreg:$0x14]  }
0x164: {  	p0 =	sne.s32 s19, s24  }
.Ltmp2:
0x165: {  	_ = 	snop;
	(pc) =	sbr.rel @p0 .LBB2_1-.Ltmp2, $3  }
0x166: {  	_ =	sdelay $0x1  }
0x167: {  	[sflag:s18] =	ssyncset.done $0x0  }
0x168: {  	[sflag:s18] =	ssyncadd.s32 $0xFFFFD800  }
0x169: {  	_ =	sfence.sel $0x180000  }
0x16a: {  	[bflag:$0x0] =	sbarrier.arrive $0xFFFF  }
0x16b: {  	_ =	strace $0x90000047  }
0x16c: {  	s0 =	stileid.u32;
	[bflag:$0x2] =	sbarrier.arrive $0xFFFF  }
0x16d: {  	p0 =	sne.s32 s0, $0x0;
	s0 =	rddreg [dreg:$0x2]  }
0x16e: {  	s0 =	sadd.s32 @!p0 $0x100000, s0  }
0x16f: {  	[sflag:s0] =	ssyncadd.tile.s32 @!p0 $0x1;
	_ =	shalt  }
.Lfunc_end2:
_tile_overlayer_lowered:
.L_overlay_start_2:
0x170: {  	(tag) =	ssettag $0x2  }
0x171: {  	s0 =	rddreg [dreg:$0x0];
	s2 =	stileid.u32  }
0x172: {  	s1 =	rddreg [dreg:$0x1];
	p0 =	sne.s32 s2, $0x0  }
0x173: {  	s3 =	rddreg [dreg:$0x2];
	[bflag:$0x3] =	sbarrier.arrive $0xFFFF;
	s2 =	simm.s32 @!p0 $0x1C0B  }
0x174: {  	[timem:s3], [sflag:s2] =	dma.local @!p0 [hbm:s0], s1  }
0x175: {  	s0 =	simm.s32 @!p0 $0xB  }
0x176: {  	_ =	swait.ge @!p0 [sflag:s0], s1  }
0x177: {  	s1 =	ssub.s32 @!p0 $0x0, s1;
	[sflag:s0] =	ssyncset.done @!p0 $0x0  }
0x178: {  	[sflag:s0] =	ssyncadd.s32 @!p0 s1  }
0x179: {  	[bflag:$0x3] =	sbarrier.arrive $0xFFFF  }
0x17a: {  	_ =	shalt  }

</sc_bundles>
